<compile_context>
chip_gen: v7x
topology: tpu7x:2x2x1
jax: 0.10.2.dev20260603
libtpu: 0.0.44.dev20260713+nightly
codegen_flags: <defaults>
</compile_context>

<pallas_src>
import functools

import jax
import jax.numpy as jnp
from jax import lax
from jax.experimental import pallas as pl
from jax.experimental.pallas import tpu as pltpu
from jax.experimental.pallas import tpu_sc as plsc

N = 10000
E_REAL = 330000
CHUNK = 96
NSUB = 16
EP = 331776
_B = 1000
_GRID = N // _B



def _edge_body(table_hbm, atab_hbm, sd_hbm,
               num_out,
               sd_v, idx_v, didx_v, dd_v, w_v,
               rows_v, drows_v,
               sd_sem, rows_sem, dr_sem, num_sp,
               *, kh, twid, split_edges, chunks_per_worker):
    c = lax.axis_index("c")
    s = lax.axis_index("s")
    hc = kh * 64
    nch = chunks_per_worker

    zf = jnp.zeros((16,), jnp.float32)

    def zrow(i, carry):
        for g in range(twid // 16):
            rows_v[0, i, pl.ds(g * 16, 16)] = zf
        return carry
    lax.fori_loop(0, CHUNK, zrow, 0)

    rpt = 624
    rows0 = s * rpt

    def zsp(i, carry):
        pltpu.sync_copy(rows_v.at[0, pl.ds(0, 48)],
                        num_sp.at[pl.ds(rows0 + i * 48, 48)])
        return carry
    lax.fori_loop(0, rpt // 48, zsp, 0)

    @pl.when(s == NSUB - 1)
    def _():
        pltpu.sync_copy(rows_v.at[0, pl.ds(0, 16)],
                        num_sp.at[pl.ds(NSUB * rpt, N - NSUB * rpt)])
    plsc.subcore_barrier()

    if split_edges:
        worker = c * NSUB + s
        tab_off = 0
    else:
        worker = s
        tab_off = c * N
    wbase = worker * nch
    lane = lax.iota(jnp.int32, 16)

    def _fire_sd(jj, buf):
        return pltpu.async_copy(
            sd_hbm.at[pl.ds((wbase + jj) * (2 * CHUNK), 2 * CHUNK)],
            sd_v.at[buf], sd_sem.at[buf])

    _fire_sd(0, 0)

    def chunk_body(j, carry):
        pp = j % 2
        qq = 1 - pp

        @pl.when(j < nch)
        def _():
            pltpu.make_async_copy(
                sd_hbm.at[pl.ds((wbase + j) * (2 * CHUNK), 2 * CHUNK)],
                sd_v.at[pp], sd_sem.at[pp]).wait()
            for g in range(CHUNK // 16):
                sv = sd_v[pp, pl.ds(g * 16, 16)]
                dv = sd_v[pp, pl.ds(CHUNK + g * 16, 16)]
                idx_v[pp, pl.ds(g * 16, 16)] = sv + tab_off
                didx_v[pp, pl.ds(g * 16, 16)] = dv + tab_off
                dd_v[pp, pl.ds(g * 16, 16)] = dv
            pltpu.async_copy(table_hbm.at[idx_v.at[pp]], rows_v.at[pp],
                             rows_sem.at[pp])
            pltpu.async_copy(atab_hbm.at[didx_v.at[pp]], drows_v.at[pp],
                             dr_sem.at[pp])

            @pl.when(j + 1 < nch)
            def _():
                _fire_sd(j + 1, qq)

        @pl.when(j >= 1)
        def _():
            jm = j - 1
            pltpu.make_async_copy(table_hbm.at[idx_v.at[qq]],
                                  rows_v.at[qq], rows_sem.at[qq]).wait()
            pltpu.make_async_copy(atab_hbm.at[didx_v.at[qq]],
                                  drows_v.at[qq], dr_sem.at[qq]).wait()
            base = (wbase + jm) * CHUNK
            qvec = jnp.zeros((16,), jnp.int32) + qq

            def wgrp(g, cc):
                ok = (base + g * 16 + lane) < E_REAL
                rowi = g * 16 + lane
                for k in range(kh):
                    a_s = plsc.load_gather(
                        rows_v, [qvec, rowi,
                                 jnp.full((16,), hc + k, jnp.int32)])
                    a_d = plsc.load_gather(
                        drows_v, [qvec, rowi,
                                  jnp.full((16,), kh + k, jnp.int32)])
                    e = a_s + a_d
                    e = jnp.maximum(e, 0.2 * e)
                    w = jnp.where(ok, jnp.exp(e), 0.0)
                    w_v[pl.ds(k * CHUNK + g * 16, 16)] = w
                    plsc.store_scatter(
                        rows_v, [qvec, rowi,
                                 jnp.full((16,), hc + k, jnp.int32)], w)
                return cc
            lax.fori_loop(0, CHUNK // 16, wgrp, 0)

            def grp_body(g, cc):
                rowi = g * 16 + lane
                wvs = [w_v[pl.ds(k * CHUNK + g * 16, 16)]
                       for k in range(kh)]

                def col_body(cb, cc2):
                    col0 = cb * 8
                    for k in range(kh):
                        for u in range(8):
                            ci = jnp.full((16,), k * 64 + u,
                                          jnp.int32) + col0
                            v = plsc.load_gather(rows_v, [qvec, rowi, ci])
                            plsc.store_scatter(rows_v, [qvec, rowi, ci],
                                               v * wvs[k])
                    return cc2
                lax.fori_loop(0, 8, col_body, 0)
                return cc
            lax.fori_loop(0, CHUNK // 16, grp_body, 0)

            pltpu.sync_copy(rows_v.at[qq], num_sp.at[dd_v.at[qq]],
                            add=True)
        return carry

    lax.fori_loop(0, nch + 1, chunk_body, 0)
    plsc.subcore_barrier()

    pltpu.sync_copy(num_sp.at[pl.ds(rows0, rpt)],
                    num_out.at[c, pl.ds(rows0, rpt)])

    @pl.when(s == NSUB - 1)
    def _():
        pltpu.sync_copy(num_sp.at[pl.ds(NSUB * rpt, N - NSUB * rpt)],
                        num_out.at[c, pl.ds(NSUB * rpt, N - NSUB * rpt)])


def _make_edge_kernel(kh, split_edges):
    twid = kh * 64 + 16
    chunks_per_worker = EP // (32 if split_edges else NSUB) // CHUNK
    mesh = plsc.VectorSubcoreMesh(core_axis_name="c", subcore_axis_name="s")
    body = functools.partial(_edge_body, kh=kh, twid=twid,
                             split_edges=split_edges,
                             chunks_per_worker=chunks_per_worker)
    return pl.kernel(
        body, mesh=mesh,
        compiler_params=pltpu.CompilerParams(needs_layout_passes=False,
                                             use_tc_tiling_on_sc=False),
        out_type=[
            jax.ShapeDtypeStruct((2, N, twid), jnp.float32),
        ],
        scratch_types=[
            pltpu.VMEM((2, 2 * CHUNK), jnp.int32),
            pltpu.VMEM((2, CHUNK), jnp.int32),
            pltpu.VMEM((2, CHUNK), jnp.int32),
            pltpu.VMEM((2, CHUNK), jnp.int32),
            pltpu.VMEM((kh * CHUNK,), jnp.float32),
            pltpu.VMEM((2, CHUNK, twid), jnp.float32),
            pltpu.VMEM((2, CHUNK, 16), jnp.float32),
            pltpu.SemaphoreType.DMA((2,)),
            pltpu.SemaphoreType.DMA((2,)),
            pltpu.SemaphoreType.DMA((2,)),
            pltpu.VMEM_SHARED((N, twid), jnp.float32),
        ],
    )



def _pre_body(x_ref, w_ref, am_ref, dm_ref, tab_ref, as_ref, ad_ref):
    h = jnp.dot(x_ref[...], w_ref[...], preferred_element_type=jnp.float32)
    a_s = jnp.dot(h, am_ref[...], preferred_element_type=jnp.float32)
    z14 = jnp.zeros((h.shape[0], 14), jnp.float32)
    tab_ref[0] = jnp.concatenate([h[:, :128], a_s[:, 0:2], z14], axis=1)
    tab_ref[1] = jnp.concatenate([h[:, 128:], a_s[:, 2:4], z14], axis=1)
    as_ref[...] = a_s
    ad_ref[...] = jnp.dot(h, dm_ref[...], preferred_element_type=jnp.float32)


def _tc_pre(x, W1, am1, dm1):
    return pl.pallas_call(
        _pre_body,
        grid=(_GRID,),
        in_specs=[pl.BlockSpec((_B, 128), lambda i: (i, 0)),
                  pl.BlockSpec((128, 256), lambda i: (0, 0)),
                  pl.BlockSpec((256, 4), lambda i: (0, 0)),
                  pl.BlockSpec((256, 4), lambda i: (0, 0))],
        out_specs=[pl.BlockSpec((2, _B, 144), lambda i: (0, i, 0)),
                   pl.BlockSpec((_B, 4), lambda i: (i, 0)),
                   pl.BlockSpec((_B, 4), lambda i: (i, 0))],
        out_shape=[jax.ShapeDtypeStruct((2, N, 144), jnp.float32),
                   jax.ShapeDtypeStruct((N, 4), jnp.float32),
                   jax.ShapeDtypeStruct((N, 4), jnp.float32)],
    )(x, W1, am1, dm1)


def _mid_body(num_ref, b_ref, pre_ref, cs_ref, cq_ref):
    i = pl.program_id(0)
    num = num_ref[...]
    parts = []
    for c in range(2):
        for k in range(2):
            parts.append(num[c, :, 64 * k:64 * (k + 1)]
                         / (num[c, :, 128 + k][:, None] + 1e-16))
    o = jnp.concatenate(parts, axis=1) + b_ref[...]
    pre_ref[...] = o

    @pl.when(i == 0)
    def _():
        cs_ref[...] = jnp.zeros_like(cs_ref)
        cq_ref[...] = jnp.zeros_like(cq_ref)
    cs_ref[...] += jnp.sum(o, axis=0, keepdims=True)
    cq_ref[...] += jnp.sum(o * o, axis=0, keepdims=True)


def _tc_mid(num1, bias1):
    return pl.pallas_call(
        _mid_body,
        grid=(_GRID,),
        in_specs=[pl.BlockSpec((2, _B, 144), lambda i: (0, i, 0)),
                  pl.BlockSpec((1, 256), lambda i: (0, 0))],
        out_specs=[pl.BlockSpec((_B, 256), lambda i: (i, 0)),
                   pl.BlockSpec((1, 256), lambda i: (0, 0)),
                   pl.BlockSpec((1, 256), lambda i: (0, 0))],
        out_shape=[jax.ShapeDtypeStruct((N, 256), jnp.float32),
                   jax.ShapeDtypeStruct((1, 256), jnp.float32),
                   jax.ShapeDtypeStruct((1, 256), jnp.float32)],
    )(num1, bias1)


def _elu(x):
    return jnp.where(x > 0, x, jnp.exp(jnp.minimum(x, 0.0)) - 1.0)


def _bnmm_body(pre_ref, cs_ref, cq_ref, g_ref, bt_ref, w2_ref, am_ref,
               dm_ref, h2_ref, aux_ref):
    mean = cs_ref[...] / N
    var = cq_ref[...] / N - mean * mean
    xn = (g_ref[...] * (pre_ref[...] - mean)
          / jnp.sqrt(var + 1e-5) + bt_ref[...])
    h = _elu(xn)
    h2 = jnp.dot(h, w2_ref[...], preferred_element_type=jnp.float32)
    a0 = jnp.dot(h2, am_ref[...], preferred_element_type=jnp.float32)
    a1 = jnp.dot(h2, dm_ref[...], preferred_element_type=jnp.float32)
    z15 = jnp.zeros((h2.shape[0], 15), jnp.float32)
    h2_ref[...] = jnp.concatenate([h2, a0, z15], axis=1)
    aux_ref[...] = jnp.concatenate([a0, a1], axis=1)


def _tc_bnmm(pre1, cs1, cq1, gamma1, beta1, W2, am2, dm2):
    return pl.pallas_call(
        _bnmm_body,
        grid=(_GRID,),
        in_specs=[pl.BlockSpec((_B, 256), lambda i: (i, 0)),
                  pl.BlockSpec((1, 256), lambda i: (0, 0)),
                  pl.BlockSpec((1, 256), lambda i: (0, 0)),
                  pl.BlockSpec((1, 256), lambda i: (0, 0)),
                  pl.BlockSpec((1, 256), lambda i: (0, 0)),
                  pl.BlockSpec((256, 64), lambda i: (0, 0)),
                  pl.BlockSpec((64, 1), lambda i: (0, 0)),
                  pl.BlockSpec((64, 1), lambda i: (0, 0))],
        out_specs=[pl.BlockSpec((_B, 80), lambda i: (i, 0)),
                   pl.BlockSpec((_B, 2), lambda i: (i, 0))],
        out_shape=[jax.ShapeDtypeStruct((N, 80), jnp.float32),
                   jax.ShapeDtypeStruct((N, 2), jnp.float32)],
    )(pre1, cs1, cq1, gamma1, beta1, W2, am2, dm2)


def _post_body(num_ref, b_ref, pre_ref, cs_ref, cq_ref):
    i = pl.program_id(0)
    den = num_ref[0, :, 64] + num_ref[1, :, 64]
    o = ((num_ref[0, :, :64] + num_ref[1, :, :64])
         / (den[:, None] + 1e-16)) + b_ref[...]
    pre_ref[...] = o

    @pl.when(i == 0)
    def _():
        cs_ref[...] = jnp.zeros_like(cs_ref)
        cq_ref[...] = jnp.zeros_like(cq_ref)
    cs_ref[...] += jnp.sum(o, axis=0, keepdims=True)
    cq_ref[...] += jnp.sum(o * o, axis=0, keepdims=True)


def _tc_post(num2, bias2):
    return pl.pallas_call(
        _post_body,
        grid=(_GRID,),
        in_specs=[pl.BlockSpec((2, _B, 80), lambda i: (0, i, 0)),
                  pl.BlockSpec((1, 64), lambda i: (0, 0))],
        out_specs=[pl.BlockSpec((_B, 64), lambda i: (i, 0)),
                   pl.BlockSpec((1, 64), lambda i: (0, 0)),
                   pl.BlockSpec((1, 64), lambda i: (0, 0))],
        out_shape=[jax.ShapeDtypeStruct((N, 64), jnp.float32),
                   jax.ShapeDtypeStruct((1, 64), jnp.float32),
                   jax.ShapeDtypeStruct((1, 64), jnp.float32)],
    )(num2, bias2)


def _final_body(pre_ref, cs_ref, cq_ref, g_ref, bt_ref, o_ref):
    mean = cs_ref[...] / N
    var = cq_ref[...] / N - mean * mean
    xn = (g_ref[...] * (pre_ref[...] - mean)
          / jnp.sqrt(var + 1e-5) + bt_ref[...])
    o_ref[...] = _elu(xn)


def _tc_final(pre2, cs2, cq2, gamma2, beta2):
    return pl.pallas_call(
        _final_body,
        grid=(_GRID,),
        in_specs=[pl.BlockSpec((_B, 64), lambda i: (i, 0)),
                  pl.BlockSpec((1, 64), lambda i: (0, 0)),
                  pl.BlockSpec((1, 64), lambda i: (0, 0)),
                  pl.BlockSpec((1, 64), lambda i: (0, 0)),
                  pl.BlockSpec((1, 64), lambda i: (0, 0))],
        out_specs=pl.BlockSpec((_B, 64), lambda i: (i, 0)),
        out_shape=jax.ShapeDtypeStruct((N, 64), jnp.float32),
    )(pre2, cs2, cq2, gamma2, beta2)



def _att_mat(att, heads):
    a = att.reshape(heads, 64)
    return (jnp.eye(heads, dtype=a.dtype)[:, None, :]
            * a[:, :, None]).reshape(heads * 64, heads)


def kernel(x, edge_index, W1, att_src1, att_dst1, bias1, gamma1, beta1,
           W2, att_src2, att_dst2, bias2, gamma2, beta2):
    i32 = edge_index.dtype
    loop = jnp.arange(N, dtype=i32)
    padz = jnp.zeros((EP - E_REAL,), dtype=i32)
    src = jnp.concatenate([edge_index[0], loop, padz])
    dst = jnp.concatenate([edge_index[1], loop, padz])
    sdflat = jnp.concatenate([src.reshape(-1, CHUNK),
                              dst.reshape(-1, CHUNK)], axis=1).reshape(-1)

    am1 = _att_mat(att_src1, 4)
    dm1 = _att_mat(att_dst1, 4)
    table1, asrc1, adst1 = _tc_pre(x, W1, am1, dm1)

    zc = jnp.zeros((N, 12), jnp.float32)
    atab1 = jnp.concatenate([
        jnp.concatenate([asrc1[:, 0:2], adst1[:, 0:2], zc], axis=1),
        jnp.concatenate([asrc1[:, 2:4], adst1[:, 2:4], zc], axis=1),
    ], axis=0)

    edge1 = _make_edge_kernel(2, split_edges=False)
    num1, = edge1(table1.reshape(2 * N, 144), atab1, sdflat)

    pre1, cs1, cq1 = _tc_mid(num1, bias1.reshape(1, 256))

    am2 = att_src2.reshape(64, 1)
    dm2 = att_dst2.reshape(64, 1)
    h2, aux = _tc_bnmm(pre1, cs1, cq1, gamma1.reshape(1, 256),
                       beta1.reshape(1, 256), W2, am2, dm2)

    atab2 = jnp.concatenate([aux, jnp.zeros((N, 14), jnp.float32)], axis=1)
    edge2 = _make_edge_kernel(1, split_edges=True)
    num2, = edge2(h2, atab2, sdflat)

    pre2, cs2, cq2 = _tc_post(num2, bias2.reshape(1, 64))
    return _tc_final(pre2, cs2, cq2, gamma2.reshape(1, 64),
                     beta2.reshape(1, 64))

# --- scband reference (transcript-rebuilt; emitter-appended) ---
"""Pipeline reference for scband-gatencoder-16587163697666 (READ-ONLY COPY).

The authoritative reference and input builder live on the scoring server;
editing this copy changes nothing except your own understanding.
"""

import jax, jax.numpy as jnp
import numpy as np

N = 10000
E = 320000
IN_DIM = 128
HID = 64
HEADS = 4


def setup_inputs(seed: int = 0) -> dict:
    key = jax.random.key(seed)
    ks = jax.random.split(key, 16)
    x = jax.random.normal(ks[0], (N, IN_DIM), dtype=jnp.float32)
    edge_index = jax.random.randint(ks[1], (2, E), 0, N, dtype=jnp.int32)
    W1 = jax.random.normal(ks[2], (IN_DIM, HEADS * HID), dtype=jnp.float32) * 0.05
    att_src1 = jax.random.normal(ks[3], (1, HEADS, HID), dtype=jnp.float32) * 0.05
    att_dst1 = jax.random.normal(ks[4], (1, HEADS, HID), dtype=jnp.float32) * 0.05
    bias1 = jnp.zeros((HEADS * HID,), dtype=jnp.float32)
    gamma1 = jnp.ones((HEADS * HID,), dtype=jnp.float32)
    beta1 = jnp.zeros((HEADS * HID,), dtype=jnp.float32)
    W2 = jax.random.normal(ks[5], (HEADS * HID, HID), dtype=jnp.float32) * 0.05
    att_src2 = jax.random.normal(ks[6], (1, 1, HID), dtype=jnp.float32) * 0.05
    att_dst2 = jax.random.normal(ks[7], (1, 1, HID), dtype=jnp.float32) * 0.05
    bias2 = jnp.zeros((HID,), dtype=jnp.float32)
    gamma2 = jnp.ones((HID,), dtype=jnp.float32)
    beta2 = jnp.zeros((HID,), dtype=jnp.float32)
    return {"x": x, "edge_index": edge_index, "W1": W1, "att_src1": att_src1,
            "att_dst1": att_dst1, "bias1": bias1, "gamma1": gamma1, "beta1": beta1,
            "W2": W2, "att_src2": att_src2, "att_dst2": att_dst2, "bias2": bias2,
            "gamma2": gamma2, "beta2": beta2}


def _gat_conv(x, edge_index, W, att_src, att_dst, bias, heads, out_ch, concat):
    Nn = x.shape[0]
    loop = jnp.arange(Nn, dtype=edge_index.dtype)
    ei = jnp.concatenate([edge_index, jnp.stack([loop, loop])], axis=1)
    src, dst = ei[0], ei[1]
    h = (x @ W).reshape(Nn, heads, out_ch)
    a_src = jnp.sum(h * att_src, axis=-1)  # [N, H]
    a_dst = jnp.sum(h * att_dst, axis=-1)  # [N, H]
    e = jax.nn.leaky_relu(a_src[src] + a_dst[dst], 0.2)  # [E+N, H]
    e_max = jax.ops.segment_max(e, dst, num_segments=Nn)
    e_max = jax.lax.stop_gradient(jnp.where(jnp.isfinite(e_max), e_max, 0.0))
    ex = jnp.exp(e - e_max[dst])
    denom = jax.ops.segment_sum(ex, dst, num_segments=Nn)
    alpha = ex / (denom[dst] + 1e-16)  # segment softmax over incoming edges
    msg = h[src] * alpha[..., None]  # [E+N, H, C]
    out = jax.ops.segment_sum(msg, dst, num_segments=Nn)
    if concat:
        out = out.reshape(Nn, heads * out_ch)
    else:
        out = out.mean(axis=1)
    return out + bias


def _batch_norm(x, gamma, beta, eps=1e-5):
    mean = x.mean(axis=0)
    var = x.var(axis=0)
    return gamma * (x - mean) / jnp.sqrt(var + eps) + beta


def reference(x, edge_index, W1, att_src1, att_dst1, bias1, gamma1, beta1,
              W2, att_src2, att_dst2, bias2, gamma2, beta2):
    h = _gat_conv(x, edge_index, W1, att_src1, att_dst1, bias1, HEADS, HID, True)
    h = _batch_norm(h, gamma1, beta1)
    h = jax.nn.elu(h)
    h = _gat_conv(h, edge_index, W2, att_src2, att_dst2, bias2, 1, HID, False)
    h = _batch_norm(h, gamma2, beta2)
    h = jax.nn.elu(h)
    return h

if __name__ == "__main__":
    import jax
    _d = setup_inputs()
    print(jax.jit(kernel)(*tuple(_d.values())))

</pallas_src>

<mosaic_0001>
#map = affine_map<(d0, d1) -> (0, 0)>
#map1 = affine_map<(d0, d1) -> (0)>
#map2 = affine_map<(d0, d1) -> (0, 0, 0)>
module attributes {stable_mosaic.version = 14 : i64} {
  func.func @_edge_body(%arg0: i32, %arg1: i32, %arg2: memref<20000x144xf32, #tpu.memory_space<hbm>>, %arg3: memref<20000x16xf32, #tpu.memory_space<hbm>>, %arg4: memref<663552xi32, #tpu.memory_space<hbm>>, %arg5: memref<2x10000x144xf32, #tpu.memory_space<hbm>>, %arg6: memref<2x192xi32, #tpu.memory_space<vmem>>, %arg7: memref<2x96xi32, #tpu.memory_space<vmem>>, %arg8: memref<2x96xi32, #tpu.memory_space<vmem>>, %arg9: memref<2x96xi32, #tpu.memory_space<vmem>>, %arg10: memref<192xf32, #tpu.memory_space<vmem>>, %arg11: memref<2x96x144xf32, #tpu.memory_space<vmem>>, %arg12: memref<2x96x16xf32, #tpu.memory_space<vmem>>, %arg13: memref<2x!tpu.dma_semaphore, #tpu.memory_space<semaphore_mem>>, %arg14: memref<2x!tpu.dma_semaphore, #tpu.memory_space<semaphore_mem>>, %arg15: memref<2x!tpu.dma_semaphore, #tpu.memory_space<semaphore_mem>>, %arg16: memref<10000x144xf32, #tpu.memory_space<vmem_shared>>) attributes {dimension_semantics = [#tpu.dimension_semantics<core_parallel>, #tpu.dimension_semantics<subcore_parallel>], iteration_bounds = array<i64: 2, 16>, scalar_prefetch = 0 : i64, scratch_operands = 11 : i64, tpu.core_type = #tpu.core_type<sc_vector_subcore>, window_params = [{transform_indices = #map}, {transform_indices = #map}, {transform_indices = #map1}, {transform_indices = #map2}]} {
    %broadcast_in_dim3A = arith.constant 0.000000e+00 : f32
    %broadcast_in_dim3A_0 = vector.broadcast %broadcast_in_dim3A : f32 to vector<16xf32>
    %scan3A = arith.constant 0 : i32
    %scan3A_1 = arith.constant 0 : i32
    %scan3A_2 = arith.constant 96 : i32
    %scan3A_3 = arith.addi %scan3A_1, %scan3A_2 : i32
    %scan3A_4 = arith.constant 1 : i32
    scf.for %scan3A_45 = %scan3A_1 to %scan3A_3 step %scan3A_4  : i32 {
      %swap3A = arith.constant 0 : i32
      %swap3A_46 = arith.index_cast %swap3A : i32 to index
      %swap3A_47 = arith.index_cast %scan3A_45 : i32 to index
      %swap3A_48 = arith.constant 0 : index
      %swap3A_49 = tpu.vector_load %arg11[%swap3A_46, %swap3A_47, %swap3A_48] {strides = array<i32>} : memref<2x96x144xf32, #tpu.memory_space<vmem>>, vector<16xf32>,
      tpu.vector_store %arg11[%swap3A_46, %swap3A_47, %swap3A_48], %broadcast_in_dim3A_0 {strides = array<i32>} : memref<2x96x144xf32, #tpu.memory_space<vmem>>, vector<16xf32>,
      %swap3A_50 = arith.constant 0 : i32
      %swap3A_51 = arith.index_cast %swap3A_50 : i32 to index
      %swap3A_52 = arith.index_cast %scan3A_45 : i32 to index
      %swap3A_53 = arith.constant 16 : index
      %swap3A_54 = tpu.vector_load %arg11[%swap3A_51, %swap3A_52, %swap3A_53] {strides = array<i32>} : memref<2x96x144xf32, #tpu.memory_space<vmem>>, vector<16xf32>,
      tpu.vector_store %arg11[%swap3A_51, %swap3A_52, %swap3A_53], %broadcast_in_dim3A_0 {strides = array<i32>} : memref<2x96x144xf32, #tpu.memory_space<vmem>>, vector<16xf32>,
      %swap3A_55 = arith.constant 0 : i32
      %swap3A_56 = arith.index_cast %swap3A_55 : i32 to index
      %swap3A_57 = arith.index_cast %scan3A_45 : i32 to index
      %swap3A_58 = arith.constant 32 : index
      %swap3A_59 = tpu.vector_load %arg11[%swap3A_56, %swap3A_57, %swap3A_58] {strides = array<i32>} : memref<2x96x144xf32, #tpu.memory_space<vmem>>, vector<16xf32>,
      tpu.vector_store %arg11[%swap3A_56, %swap3A_57, %swap3A_58], %broadcast_in_dim3A_0 {strides = array<i32>} : memref<2x96x144xf32, #tpu.memory_space<vmem>>, vector<16xf32>,
      %swap3A_60 = arith.constant 0 : i32
      %swap3A_61 = arith.index_cast %swap3A_60 : i32 to index
      %swap3A_62 = arith.index_cast %scan3A_45 : i32 to index
      %swap3A_63 = arith.constant 48 : index
      %swap3A_64 = tpu.vector_load %arg11[%swap3A_61, %swap3A_62, %swap3A_63] {strides = array<i32>} : memref<2x96x144xf32, #tpu.memory_space<vmem>>, vector<16xf32>,
      tpu.vector_store %arg11[%swap3A_61, %swap3A_62, %swap3A_63], %broadcast_in_dim3A_0 {strides = array<i32>} : memref<2x96x144xf32, #tpu.memory_space<vmem>>, vector<16xf32>,
      %swap3A_65 = arith.constant 0 : i32
      %swap3A_66 = arith.index_cast %swap3A_65 : i32 to index
      %swap3A_67 = arith.index_cast %scan3A_45 : i32 to index
      %swap3A_68 = arith.constant 64 : index
      %swap3A_69 = tpu.vector_load %arg11[%swap3A_66, %swap3A_67, %swap3A_68] {strides = array<i32>} : memref<2x96x144xf32, #tpu.memory_space<vmem>>, vector<16xf32>,
      tpu.vector_store %arg11[%swap3A_66, %swap3A_67, %swap3A_68], %broadcast_in_dim3A_0 {strides = array<i32>} : memref<2x96x144xf32, #tpu.memory_space<vmem>>, vector<16xf32>,
      %swap3A_70 = arith.constant 0 : i32
      %swap3A_71 = arith.index_cast %swap3A_70 : i32 to index
      %swap3A_72 = arith.index_cast %scan3A_45 : i32 to index
      %swap3A_73 = arith.constant 80 : index
      %swap3A_74 = tpu.vector_load %arg11[%swap3A_71, %swap3A_72, %swap3A_73] {strides = array<i32>} : memref<2x96x144xf32, #tpu.memory_space<vmem>>, vector<16xf32>,
      tpu.vector_store %arg11[%swap3A_71, %swap3A_72, %swap3A_73], %broadcast_in_dim3A_0 {strides = array<i32>} : memref<2x96x144xf32, #tpu.memory_space<vmem>>, vector<16xf32>,
      %swap3A_75 = arith.constant 0 : i32
      %swap3A_76 = arith.index_cast %swap3A_75 : i32 to index
      %swap3A_77 = arith.index_cast %scan3A_45 : i32 to index
      %swap3A_78 = arith.constant 96 : index
      %swap3A_79 = tpu.vector_load %arg11[%swap3A_76, %swap3A_77, %swap3A_78] {strides = array<i32>} : memref<2x96x144xf32, #tpu.memory_space<vmem>>, vector<16xf32>,
      tpu.vector_store %arg11[%swap3A_76, %swap3A_77, %swap3A_78], %broadcast_in_dim3A_0 {strides = array<i32>} : memref<2x96x144xf32, #tpu.memory_space<vmem>>, vector<16xf32>,
      %swap3A_80 = arith.constant 0 : i32
      %swap3A_81 = arith.index_cast %swap3A_80 : i32 to index
      %swap3A_82 = arith.index_cast %scan3A_45 : i32 to index
      %swap3A_83 = arith.constant 112 : index
      %swap3A_84 = tpu.vector_load %arg11[%swap3A_81, %swap3A_82, %swap3A_83] {strides = array<i32>} : memref<2x96x144xf32, #tpu.memory_space<vmem>>, vector<16xf32>,
      tpu.vector_store %arg11[%swap3A_81, %swap3A_82, %swap3A_83], %broadcast_in_dim3A_0 {strides = array<i32>} : memref<2x96x144xf32, #tpu.memory_space<vmem>>, vector<16xf32>,
      %swap3A_85 = arith.constant 0 : i32
      %swap3A_86 = arith.index_cast %swap3A_85 : i32 to index
      %swap3A_87 = arith.index_cast %scan3A_45 : i32 to index
      %swap3A_88 = arith.constant 128 : index
      %swap3A_89 = tpu.vector_load %arg11[%swap3A_86, %swap3A_87, %swap3A_88] {strides = array<i32>} : memref<2x96x144xf32, #tpu.memory_space<vmem>>, vector<16xf32>,
      tpu.vector_store %arg11[%swap3A_86, %swap3A_87, %swap3A_88], %broadcast_in_dim3A_0 {strides = array<i32>} : memref<2x96x144xf32, #tpu.memory_space<vmem>>, vector<16xf32>,
    }
    %scan3A_5 = arith.constant 96 : i32
    %mul3A = arith.constant 624 : i32
    %mul3A_6 = arith.muli %arg1, %mul3A : i32
    %scan3A_7 = arith.constant 0 : i32
    %scan3A_8 = arith.constant 0 : i32
    %scan3A_9 = arith.constant 13 : i32
    %scan3A_10 = arith.addi %scan3A_8, %scan3A_9 : i32
    %scan3A_11 = arith.constant 1 : i32
    scf.for %scan3A_45 = %scan3A_8 to %scan3A_10 step %scan3A_11  : i32 {
      %mul3A_46 = arith.constant 48 : i32
      %mul3A_47 = arith.muli %scan3A_45, %mul3A_46 : i32
      %add3A_48 = arith.addi %mul3A_6, %mul3A_47 : i32
      %run_scoped3A = arith.constant 0 : i32
      "tpu.region"() ({
        %run_scoped3A_49 = tpu.sem_alloc : memref<!tpu.dma_semaphore, #tpu.memory_space<semaphore_mem>>
        %dma_start3A_50 = arith.constant 0 : i32
        %dma_start3A_51 = arith.constant 0 : i32
        %dma_start3A_52 = tpu.memref_slice %arg11[%run_scoped3A, %dma_start3A_50, %dma_start3A_51] : memref<2x96x144xf32, #tpu.memory_space<vmem>> -> memref<1x48x144xf32, #tpu.memory_space<vmem>>
        %dma_start3A_53 = tpu.memref_squeeze %dma_start3A_52 : memref<1x48x144xf32, #tpu.memory_space<vmem>> -> memref<48x144xf32, #tpu.memory_space<vmem>>
        %dma_start3A_54 = arith.constant 0 : i32
        %dma_start3A_55 = tpu.memref_slice %arg16[%add3A_48, %dma_start3A_54] : memref<10000x144xf32, #tpu.memory_space<vmem_shared>> -> memref<48x144xf32, #tpu.memory_space<vmem_shared>>
        %dma_start3A_56 = arith.constant 0 : i32
        %dma_start3A_57 = tpu.memref_slice %arg16[%add3A_48, %dma_start3A_56] : memref<10000x144xf32, #tpu.memory_space<vmem_shared>> -> memref<48x144xf32, #tpu.memory_space<vmem_shared>>
        %dma_start3A_58 = arith.constant 0 : i32
        %dma_start3A_59 = arith.constant 0 : i32
        %dma_start3A_60 = tpu.memref_slice %arg11[%run_scoped3A, %dma_start3A_58, %dma_start3A_59] : memref<2x96x144xf32, #tpu.memory_space<vmem>> -> memref<1x48x144xf32, #tpu.memory_space<vmem>>
        %dma_start3A_61 = tpu.memref_squeeze %dma_start3A_60 : memref<1x48x144xf32, #tpu.memory_space<vmem>> -> memref<48x144xf32, #tpu.memory_space<vmem>>
        tpu.enqueue_dma source(%dma_start3A_61 : memref<48x144xf32, #tpu.memory_space<vmem>>) target(%dma_start3A_57 : memref<48x144xf32, #tpu.memory_space<vmem_shared>>) target_semaphore(%run_scoped3A_49 : memref<!tpu.dma_semaphore, #tpu.memory_space<semaphore_mem>>)
        %dma_wait3A = arith.constant 0 : i32
        %dma_wait3A_62 = arith.constant 0 : i32
        %dma_wait3A_63 = tpu.memref_slice %arg11[%run_scoped3A, %dma_wait3A, %dma_wait3A_62] : memref<2x96x144xf32, #tpu.memory_space<vmem>> -> memref<1x48x144xf32, #tpu.memory_space<vmem>>
        %dma_wait3A_64 = tpu.memref_squeeze %dma_wait3A_63 : memref<1x48x144xf32, #tpu.memory_space<vmem>> -> memref<48x144xf32, #tpu.memory_space<vmem>>
        %dma_wait3A_65 = arith.constant 0 : i32
        %dma_wait3A_66 = tpu.memref_slice %arg16[%add3A_48, %dma_wait3A_65] : memref<10000x144xf32, #tpu.memory_space<vmem_shared>> -> memref<48x144xf32, #tpu.memory_space<vmem_shared>>
        %dma_wait3A_67 = arith.constant 0 : i32
        %dma_wait3A_68 = tpu.memref_slice %arg16[%add3A_48, %dma_wait3A_67] : memref<10000x144xf32, #tpu.memory_space<vmem_shared>> -> memref<48x144xf32, #tpu.memory_space<vmem_shared>>
        %dma_wait3A_69 = arith.constant 0 : i32
        %dma_wait3A_70 = arith.constant 0 : i32
        %dma_wait3A_71 = tpu.memref_slice %arg11[%run_scoped3A, %dma_wait3A_69, %dma_wait3A_70] : memref<2x96x144xf32, #tpu.memory_space<vmem>> -> memref<1x48x144xf32, #tpu.memory_space<vmem>>
        %dma_wait3A_72 = tpu.memref_squeeze %dma_wait3A_71 : memref<1x48x144xf32, #tpu.memory_space<vmem>> -> memref<48x144xf32, #tpu.memory_space<vmem>>
        tpu.wait_dma2 semaphore(%run_scoped3A_49 : memref<!tpu.dma_semaphore, #tpu.memory_space<semaphore_mem>>) src(%dma_wait3A_72 : memref<48x144xf32, #tpu.memory_space<vmem>>) dst(%dma_wait3A_68 : memref<48x144xf32, #tpu.memory_space<vmem_shared>>)
        tpu.yield
      }) : () -> ()
    }
    %scan3A_12 = arith.constant 13 : i32
    %eq3A = arith.constant 15 : i32
    %eq3A_13 = arith.cmpi eq, %arg1, %eq3A : i32
    %convert_element_type3A = arith.extui %eq3A_13 : i1 to i32
    %cond3A = arith.constant 0 : i32
    %cond3A_14 = arith.cmpi ne, %convert_element_type3A, %cond3A : i32
    scf.if %cond3A_14 {
      %run_scoped3A = arith.constant 0 : i32
      "tpu.region"() ({
        %run_scoped3A_45 = tpu.sem_alloc : memref<!tpu.dma_semaphore, #tpu.memory_space<semaphore_mem>>
        %dma_start3A_46 = arith.constant 0 : i32
        %dma_start3A_47 = arith.constant 0 : i32
        %dma_start3A_48 = tpu.memref_slice %arg11[%run_scoped3A, %dma_start3A_46, %dma_start3A_47] : memref<2x96x144xf32, #tpu.memory_space<vmem>> -> memref<1x16x144xf32, #tpu.memory_space<vmem>>
        %dma_start3A_49 = tpu.memref_squeeze %dma_start3A_48 : memref<1x16x144xf32, #tpu.memory_space<vmem>> -> memref<16x144xf32, #tpu.memory_space<vmem>>
        %dma_start3A_50 = arith.constant 9984 : i32
        %dma_start3A_51 = arith.constant 0 : i32
        %dma_start3A_52 = tpu.memref_slice %arg16[%dma_start3A_50, %dma_start3A_51] : memref<10000x144xf32, #tpu.memory_space<vmem_shared>> -> memref<16x144xf32, #tpu.memory_space<vmem_shared>>
        %dma_start3A_53 = arith.constant 9984 : i32
        %dma_start3A_54 = arith.constant 0 : i32
        %dma_start3A_55 = tpu.memref_slice %arg16[%dma_start3A_53, %dma_start3A_54] : memref<10000x144xf32, #tpu.memory_space<vmem_shared>> -> memref<16x144xf32, #tpu.memory_space<vmem_shared>>
        %dma_start3A_56 = arith.constant 0 : i32
        %dma_start3A_57 = arith.constant 0 : i32
        %dma_start3A_58 = tpu.memref_slice %arg11[%run_scoped3A, %dma_start3A_56, %dma_start3A_57] : memref<2x96x144xf32, #tpu.memory_space<vmem>> -> memref<1x16x144xf32, #tpu.memory_space<vmem>>
        %dma_start3A_59 = tpu.memref_squeeze %dma_start3A_58 : memref<1x16x144xf32, #tpu.memory_space<vmem>> -> memref<16x144xf32, #tpu.memory_space<vmem>>
        tpu.enqueue_dma source(%dma_start3A_59 : memref<16x144xf32, #tpu.memory_space<vmem>>) target(%dma_start3A_55 : memref<16x144xf32, #tpu.memory_space<vmem_shared>>) target_semaphore(%run_scoped3A_45 : memref<!tpu.dma_semaphore, #tpu.memory_space<semaphore_mem>>)
        %dma_wait3A = arith.constant 0 : i32
        %dma_wait3A_60 = arith.constant 0 : i32
        %dma_wait3A_61 = tpu.memref_slice %arg11[%run_scoped3A, %dma_wait3A, %dma_wait3A_60] : memref<2x96x144xf32, #tpu.memory_space<vmem>> -> memref<1x16x144xf32, #tpu.memory_space<vmem>>
        %dma_wait3A_62 = tpu.memref_squeeze %dma_wait3A_61 : memref<1x16x144xf32, #tpu.memory_space<vmem>> -> memref<16x144xf32, #tpu.memory_space<vmem>>
        %dma_wait3A_63 = arith.constant 9984 : i32
        %dma_wait3A_64 = arith.constant 0 : i32
        %dma_wait3A_65 = tpu.memref_slice %arg16[%dma_wait3A_63, %dma_wait3A_64] : memref<10000x144xf32, #tpu.memory_space<vmem_shared>> -> memref<16x144xf32, #tpu.memory_space<vmem_shared>>
        %dma_wait3A_66 = arith.constant 9984 : i32
        %dma_wait3A_67 = arith.constant 0 : i32
        %dma_wait3A_68 = tpu.memref_slice %arg16[%dma_wait3A_66, %dma_wait3A_67] : memref<10000x144xf32, #tpu.memory_space<vmem_shared>> -> memref<16x144xf32, #tpu.memory_space<vmem_shared>>
        %dma_wait3A_69 = arith.constant 0 : i32
        %dma_wait3A_70 = arith.constant 0 : i32
        %dma_wait3A_71 = tpu.memref_slice %arg11[%run_scoped3A, %dma_wait3A_69, %dma_wait3A_70] : memref<2x96x144xf32, #tpu.memory_space<vmem>> -> memref<1x16x144xf32, #tpu.memory_space<vmem>>
        %dma_wait3A_72 = tpu.memref_squeeze %dma_wait3A_71 : memref<1x16x144xf32, #tpu.memory_space<vmem>> -> memref<16x144xf32, #tpu.memory_space<vmem>>
        tpu.wait_dma2 semaphore(%run_scoped3A_45 : memref<!tpu.dma_semaphore, #tpu.memory_space<semaphore_mem>>) src(%dma_wait3A_72 : memref<16x144xf32, #tpu.memory_space<vmem>>) dst(%dma_wait3A_68 : memref<16x144xf32, #tpu.memory_space<vmem_shared>>)
        tpu.yield
      }) : () -> ()
    } else {
    }
    %barrier3A = arith.constant 0 : index
    tpu.barrier barrier_id(%barrier3A)
    %mul3A_15 = arith.constant 10000 : i32
    %mul3A_16 = arith.muli %arg0, %mul3A_15 : i32
    %mul3A_17 = arith.constant 216 : i32
    %mul3A_18 = arith.muli %arg1, %mul3A_17 : i32
    %iota3A = tpu.iota {dimensions = array<i32: 0>} : vector<16xi32>
    %add3A = arith.constant 0 : i32
    %add3A_19 = arith.addi %mul3A_18, %add3A : i32
    %mul3A_20 = arith.constant 192 : i32
    %mul3A_21 = arith.muli %add3A_19, %mul3A_20 : i32
    %dma_start3A = arith.constant 0 : i32
    %dma_start3A_22 = arith.constant 0 : i32
    %dma_start3A_23 = arith.constant 0 : i32
    %dma_start3A_24 = tpu.memref_slice %arg6[%dma_start3A, %dma_start3A_23] : memref<2x192xi32, #tpu.memory_space<vmem>> -> memref<1x192xi32, #tpu.memory_space<vmem>>
    %dma_start3A_25 = tpu.memref_squeeze %dma_start3A_24 : memref<1x192xi32, #tpu.memory_space<vmem>> -> memref<192xi32, #tpu.memory_space<vmem>>
    %dma_start3A_26 = tpu.memref_slice %arg4[%mul3A_21] : memref<663552xi32, #tpu.memory_space<hbm>> -> memref<192xi32, #tpu.memory_space<hbm>>
    %dma_start3A_27 = tpu.memref_slice %arg13[%dma_start3A_22] : memref<2x!tpu.dma_semaphore, #tpu.memory_space<semaphore_mem>> -> memref<1x!tpu.dma_semaphore, #tpu.memory_space<semaphore_mem>>
    %dma_start3A_28 = tpu.memref_squeeze %dma_start3A_27 : memref<1x!tpu.dma_semaphore, #tpu.memory_space<semaphore_mem>> -> memref<!tpu.dma_semaphore, #tpu.memory_space<semaphore_mem>>
    %dma_start3A_29 = arith.constant 0 : i32
    %dma_start3A_30 = tpu.memref_slice %arg6[%dma_start3A, %dma_start3A_29] : memref<2x192xi32, #tpu.memory_space<vmem>> -> memref<1x192xi32, #tpu.memory_space<vmem>>
    %dma_start3A_31 = tpu.memref_squeeze %dma_start3A_30 : memref<1x192xi32, #tpu.memory_space<vmem>> -> memref<192xi32, #tpu.memory_space<vmem>>
    %dma_start3A_32 = tpu.memref_slice %arg4[%mul3A_21] : memref<663552xi32, #tpu.memory_space<hbm>> -> memref<192xi32, #tpu.memory_space<hbm>>
    tpu.enqueue_dma source(%dma_start3A_32 : memref<192xi32, #tpu.memory_space<hbm>>) target(%dma_start3A_31 : memref<192xi32, #tpu.memory_space<vmem>>) target_semaphore(%dma_start3A_28 : memref<!tpu.dma_semaphore, #tpu.memory_space<semaphore_mem>>)
    %scan3A_33 = arith.constant 0 : i32
    %scan3A_34 = arith.constant 0 : i32
    %scan3A_35 = arith.constant 217 : i32
    %scan3A_36 = arith.addi %scan3A_34, %scan3A_35 : i32
    %scan3A_37 = arith.constant 1 : i32
    scf.for %scan3A_45 = %scan3A_34 to %scan3A_36 step %scan3A_37  : i32 {
      %jit3A = arith.constant 2 : i32
      %eq3A_46 = arith.constant 0 : i32
      %eq3A_47 = arith.cmpi eq, %jit3A, %eq3A_46 : i32
      %jit3A_48 = arith.constant 1 : i32
      %select_n3A = arith.select %eq3A_47, %jit3A_48, %jit3A : i32
      %rem3A = arith.remsi %scan3A_45, %select_n3A : i32
      %ne3A = arith.constant 0 : i32
      %ne3A_49 = arith.cmpi ne, %rem3A, %ne3A : i32
      %lt3A = arith.constant 0 : i32
      %lt3A_50 = arith.cmpi slt, %rem3A, %lt3A : i32
      %lt3A_51 = arith.constant 0 : i32
      %lt3A_52 = arith.cmpi slt, %select_n3A, %lt3A_51 : i32
      %ne3A_53 = arith.xori %lt3A_50, %lt3A_52 : i1
      %and3A = arith.andi %ne3A_53, %ne3A_49 : i1
      %add3A_54 = arith.addi %rem3A, %select_n3A : i32
      %select_n3A_55 = arith.select %and3A, %add3A_54, %rem3A : i32
      %sub3A = arith.constant 1 : i32
      %sub3A_56 = arith.subi %sub3A, %select_n3A_55 : i32
      %lt3A_57 = arith.constant 216 : i32
      %lt3A_58 = arith.cmpi slt, %scan3A_45, %lt3A_57 : i32
      %convert_element_type3A_59 = arith.extui %lt3A_58 : i1 to i32
      %cond3A_60 = arith.constant 0 : i32
      %cond3A_61 = arith.cmpi ne, %convert_element_type3A_59, %cond3A_60 : i32
      scf.if %cond3A_61 {
        %add3A_66 = arith.addi %mul3A_18, %scan3A_45 : i32
        %mul3A_67 = arith.constant 192 : i32
        %mul3A_68 = arith.muli %add3A_66, %mul3A_67 : i32
        %dma_wait3A = arith.constant 0 : i32
        %dma_wait3A_69 = tpu.memref_slice %arg6[%select_n3A_55, %dma_wait3A] : memref<2x192xi32, #tpu.memory_space<vmem>> -> memref<1x192xi32, #tpu.memory_space<vmem>>
        %dma_wait3A_70 = tpu.memref_squeeze %dma_wait3A_69 : memref<1x192xi32, #tpu.memory_space<vmem>> -> memref<192xi32, #tpu.memory_space<vmem>>
        %dma_wait3A_71 = tpu.memref_slice %arg4[%mul3A_68] : memref<663552xi32, #tpu.memory_space<hbm>> -> memref<192xi32, #tpu.memory_space<hbm>>
        %dma_wait3A_72 = tpu.memref_slice %arg13[%select_n3A_55] : memref<2x!tpu.dma_semaphore, #tpu.memory_space<semaphore_mem>> -> memref<1x!tpu.dma_semaphore, #tpu.memory_space<semaphore_mem>>
        %dma_wait3A_73 = tpu.memref_squeeze %dma_wait3A_72 : memref<1x!tpu.dma_semaphore, #tpu.memory_space<semaphore_mem>> -> memref<!tpu.dma_semaphore, #tpu.memory_space<semaphore_mem>>
        %dma_wait3A_74 = arith.constant 0 : i32
        %dma_wait3A_75 = tpu.memref_slice %arg6[%select_n3A_55, %dma_wait3A_74] : memref<2x192xi32, #tpu.memory_space<vmem>> -> memref<1x192xi32, #tpu.memory_space<vmem>>
        %dma_wait3A_76 = tpu.memref_squeeze %dma_wait3A_75 : memref<1x192xi32, #tpu.memory_space<vmem>> -> memref<192xi32, #tpu.memory_space<vmem>>
        %dma_wait3A_77 = tpu.memref_slice %arg4[%mul3A_68] : memref<663552xi32, #tpu.memory_space<hbm>> -> memref<192xi32, #tpu.memory_space<hbm>>
        tpu.wait_dma2 semaphore(%dma_wait3A_73 : memref<!tpu.dma_semaphore, #tpu.memory_space<semaphore_mem>>) src(%dma_wait3A_77 : memref<192xi32, #tpu.memory_space<hbm>>) dst(%dma_wait3A_76 : memref<192xi32, #tpu.memory_space<vmem>>)
        %get3A = arith.index_cast %select_n3A_55 : i32 to index
        %get3A_78 = arith.constant 0 : index
        %get3A_79 = tpu.vector_load %arg6[%get3A, %get3A_78] {strides = array<i32>} : memref<2x192xi32, #tpu.memory_space<vmem>>, vector<16xi32>,
        %get3A_80 = arith.index_cast %select_n3A_55 : i32 to index
        %get3A_81 = arith.constant 96 : index
        %get3A_82 = tpu.vector_load %arg6[%get3A_80, %get3A_81] {strides = array<i32>} : memref<2x192xi32, #tpu.memory_space<vmem>>, vector<16xi32>,
        %add3A_83 = vector.broadcast %mul3A_16 : i32 to vector<16xi32>
        %add3A_84 = arith.addi %get3A_79, %add3A_83 : vector<16xi32>
        %swap3A = arith.index_cast %select_n3A_55 : i32 to index
        %swap3A_85 = arith.constant 0 : index
        %swap3A_86 = tpu.vector_load %arg7[%swap3A, %swap3A_85] {strides = array<i32>} : memref<2x96xi32, #tpu.memory_space<vmem>>, vector<16xi32>,
        tpu.vector_store %arg7[%swap3A, %swap3A_85], %add3A_84 {strides = array<i32>} : memref<2x96xi32, #tpu.memory_space<vmem>>, vector<16xi32>,
        %add3A_87 = vector.broadcast %mul3A_16 : i32 to vector<16xi32>
        %add3A_88 = arith.addi %get3A_82, %add3A_87 : vector<16xi32>
        %swap3A_89 = arith.index_cast %select_n3A_55 : i32 to index
        %swap3A_90 = arith.constant 0 : index
        %swap3A_91 = tpu.vector_load %arg8[%swap3A_89, %swap3A_90] {strides = array<i32>} : memref<2x96xi32, #tpu.memory_space<vmem>>, vector<16xi32>,
        tpu.vector_store %arg8[%swap3A_89, %swap3A_90], %add3A_88 {strides = array<i32>} : memref<2x96xi32, #tpu.memory_space<vmem>>, vector<16xi32>,
        %swap3A_92 = arith.index_cast %select_n3A_55 : i32 to index
        %swap3A_93 = arith.constant 0 : index
        %swap3A_94 = tpu.vector_load %arg9[%swap3A_92, %swap3A_93] {strides = array<i32>} : memref<2x96xi32, #tpu.memory_space<vmem>>, vector<16xi32>,
        tpu.vector_store %arg9[%swap3A_92, %swap3A_93], %get3A_82 {strides = array<i32>} : memref<2x96xi32, #tpu.memory_space<vmem>>, vector<16xi32>,
        %get3A_95 = arith.index_cast %select_n3A_55 : i32 to index
        %get3A_96 = arith.constant 16 : index
        %get3A_97 = tpu.vector_load %arg6[%get3A_95, %get3A_96] {strides = array<i32>} : memref<2x192xi32, #tpu.memory_space<vmem>>, vector<16xi32>,
        %get3A_98 = arith.index_cast %select_n3A_55 : i32 to index
        %get3A_99 = arith.constant 112 : index
        %get3A_100 = tpu.vector_load %arg6[%get3A_98, %get3A_99] {strides = array<i32>} : memref<2x192xi32, #tpu.memory_space<vmem>>, vector<16xi32>,
        %add3A_101 = vector.broadcast %mul3A_16 : i32 to vector<16xi32>
        %add3A_102 = arith.addi %get3A_97, %add3A_101 : vector<16xi32>
        %swap3A_103 = arith.index_cast %select_n3A_55 : i32 to index
        %swap3A_104 = arith.constant 16 : index
        %swap3A_105 = tpu.vector_load %arg7[%swap3A_103, %swap3A_104] {strides = array<i32>} : memref<2x96xi32, #tpu.memory_space<vmem>>, vector<16xi32>,
        tpu.vector_store %arg7[%swap3A_103, %swap3A_104], %add3A_102 {strides = array<i32>} : memref<2x96xi32, #tpu.memory_space<vmem>>, vector<16xi32>,
        %add3A_106 = vector.broadcast %mul3A_16 : i32 to vector<16xi32>
        %add3A_107 = arith.addi %get3A_100, %add3A_106 : vector<16xi32>
        %swap3A_108 = arith.index_cast %select_n3A_55 : i32 to index
        %swap3A_109 = arith.constant 16 : index
        %swap3A_110 = tpu.vector_load %arg8[%swap3A_108, %swap3A_109] {strides = array<i32>} : memref<2x96xi32, #tpu.memory_space<vmem>>, vector<16xi32>,
        tpu.vector_store %arg8[%swap3A_108, %swap3A_109], %add3A_107 {strides = array<i32>} : memref<2x96xi32, #tpu.memory_space<vmem>>, vector<16xi32>,
        %swap3A_111 = arith.index_cast %select_n3A_55 : i32 to index
        %swap3A_112 = arith.constant 16 : index
        %swap3A_113 = tpu.vector_load %arg9[%swap3A_111, %swap3A_112] {strides = array<i32>} : memref<2x96xi32, #tpu.memory_space<vmem>>, vector<16xi32>,
        tpu.vector_store %arg9[%swap3A_111, %swap3A_112], %get3A_100 {strides = array<i32>} : memref<2x96xi32, #tpu.memory_space<vmem>>, vector<16xi32>,
        %get3A_114 = arith.index_cast %select_n3A_55 : i32 to index
        %get3A_115 = arith.constant 32 : index
        %get3A_116 = tpu.vector_load %arg6[%get3A_114, %get3A_115] {strides = array<i32>} : memref<2x192xi32, #tpu.memory_space<vmem>>, vector<16xi32>,
        %get3A_117 = arith.index_cast %select_n3A_55 : i32 to index
        %get3A_118 = arith.constant 128 : index
        %get3A_119 = tpu.vector_load %arg6[%get3A_117, %get3A_118] {strides = array<i32>} : memref<2x192xi32, #tpu.memory_space<vmem>>, vector<16xi32>,
        %add3A_120 = vector.broadcast %mul3A_16 : i32 to vector<16xi32>
        %add3A_121 = arith.addi %get3A_116, %add3A_120 : vector<16xi32>
        %swap3A_122 = arith.index_cast %select_n3A_55 : i32 to index
        %swap3A_123 = arith.constant 32 : index
        %swap3A_124 = tpu.vector_load %arg7[%swap3A_122, %swap3A_123] {strides = array<i32>} : memref<2x96xi32, #tpu.memory_space<vmem>>, vector<16xi32>,
        tpu.vector_store %arg7[%swap3A_122, %swap3A_123], %add3A_121 {strides = array<i32>} : memref<2x96xi32, #tpu.memory_space<vmem>>, vector<16xi32>,
        %add3A_125 = vector.broadcast %mul3A_16 : i32 to vector<16xi32>
        %add3A_126 = arith.addi %get3A_119, %add3A_125 : vector<16xi32>
        %swap3A_127 = arith.index_cast %select_n3A_55 : i32 to index
        %swap3A_128 = arith.constant 32 : index
        %swap3A_129 = tpu.vector_load %arg8[%swap3A_127, %swap3A_128] {strides = array<i32>} : memref<2x96xi32, #tpu.memory_space<vmem>>, vector<16xi32>,
        tpu.vector_store %arg8[%swap3A_127, %swap3A_128], %add3A_126 {strides = array<i32>} : memref<2x96xi32, #tpu.memory_space<vmem>>, vector<16xi32>,
        %swap3A_130 = arith.index_cast %select_n3A_55 : i32 to index
        %swap3A_131 = arith.constant 32 : index
        %swap3A_132 = tpu.vector_load %arg9[%swap3A_130, %swap3A_131] {strides = array<i32>} : memref<2x96xi32, #tpu.memory_space<vmem>>, vector<16xi32>,
        tpu.vector_store %arg9[%swap3A_130, %swap3A_131], %get3A_119 {strides = array<i32>} : memref<2x96xi32, #tpu.memory_space<vmem>>, vector<16xi32>,
        %get3A_133 = arith.index_cast %select_n3A_55 : i32 to index
        %get3A_134 = arith.constant 48 : index
        %get3A_135 = tpu.vector_load %arg6[%get3A_133, %get3A_134] {strides = array<i32>} : memref<2x192xi32, #tpu.memory_space<vmem>>, vector<16xi32>,
        %get3A_136 = arith.index_cast %select_n3A_55 : i32 to index
        %get3A_137 = arith.constant 144 : index
        %get3A_138 = tpu.vector_load %arg6[%get3A_136, %get3A_137] {strides = array<i32>} : memref<2x192xi32, #tpu.memory_space<vmem>>, vector<16xi32>,
        %add3A_139 = vector.broadcast %mul3A_16 : i32 to vector<16xi32>
        %add3A_140 = arith.addi %get3A_135, %add3A_139 : vector<16xi32>
        %swap3A_141 = arith.index_cast %select_n3A_55 : i32 to index
        %swap3A_142 = arith.constant 48 : index
        %swap3A_143 = tpu.vector_load %arg7[%swap3A_141, %swap3A_142] {strides = array<i32>} : memref<2x96xi32, #tpu.memory_space<vmem>>, vector<16xi32>,
        tpu.vector_store %arg7[%swap3A_141, %swap3A_142], %add3A_140 {strides = array<i32>} : memref<2x96xi32, #tpu.memory_space<vmem>>, vector<16xi32>,
        %add3A_144 = vector.broadcast %mul3A_16 : i32 to vector<16xi32>
        %add3A_145 = arith.addi %get3A_138, %add3A_144 : vector<16xi32>
        %swap3A_146 = arith.index_cast %select_n3A_55 : i32 to index
        %swap3A_147 = arith.constant 48 : index
        %swap3A_148 = tpu.vector_load %arg8[%swap3A_146, %swap3A_147] {strides = array<i32>} : memref<2x96xi32, #tpu.memory_space<vmem>>, vector<16xi32>,
        tpu.vector_store %arg8[%swap3A_146, %swap3A_147], %add3A_145 {strides = array<i32>} : memref<2x96xi32, #tpu.memory_space<vmem>>, vector<16xi32>,
        %swap3A_149 = arith.index_cast %select_n3A_55 : i32 to index
        %swap3A_150 = arith.constant 48 : index
        %swap3A_151 = tpu.vector_load %arg9[%swap3A_149, %swap3A_150] {strides = array<i32>} : memref<2x96xi32, #tpu.memory_space<vmem>>, vector<16xi32>,
        tpu.vector_store %arg9[%swap3A_149, %swap3A_150], %get3A_138 {strides = array<i32>} : memref<2x96xi32, #tpu.memory_space<vmem>>, vector<16xi32>,
        %get3A_152 = arith.index_cast %select_n3A_55 : i32 to index
        %get3A_153 = arith.constant 64 : index
        %get3A_154 = tpu.vector_load %arg6[%get3A_152, %get3A_153] {strides = array<i32>} : memref<2x192xi32, #tpu.memory_space<vmem>>, vector<16xi32>,
        %get3A_155 = arith.index_cast %select_n3A_55 : i32 to index
        %get3A_156 = arith.constant 160 : index
        %get3A_157 = tpu.vector_load %arg6[%get3A_155, %get3A_156] {strides = array<i32>} : memref<2x192xi32, #tpu.memory_space<vmem>>, vector<16xi32>,
        %add3A_158 = vector.broadcast %mul3A_16 : i32 to vector<16xi32>
        %add3A_159 = arith.addi %get3A_154, %add3A_158 : vector<16xi32>
        %swap3A_160 = arith.index_cast %select_n3A_55 : i32 to index
        %swap3A_161 = arith.constant 64 : index
        %swap3A_162 = tpu.vector_load %arg7[%swap3A_160, %swap3A_161] {strides = array<i32>} : memref<2x96xi32, #tpu.memory_space<vmem>>, vector<16xi32>,
        tpu.vector_store %arg7[%swap3A_160, %swap3A_161], %add3A_159 {strides = array<i32>} : memref<2x96xi32, #tpu.memory_space<vmem>>, vector<16xi32>,
        %add3A_163 = vector.broadcast %mul3A_16 : i32 to vector<16xi32>
        %add3A_164 = arith.addi %get3A_157, %add3A_163 : vector<16xi32>
        %swap3A_165 = arith.index_cast %select_n3A_55 : i32 to index
        %swap3A_166 = arith.constant 64 : index
        %swap3A_167 = tpu.vector_load %arg8[%swap3A_165, %swap3A_166] {strides = array<i32>} : memref<2x96xi32, #tpu.memory_space<vmem>>, vector<16xi32>,
        tpu.vector_store %arg8[%swap3A_165, %swap3A_166], %add3A_164 {strides = array<i32>} : memref<2x96xi32, #tpu.memory_space<vmem>>, vector<16xi32>,
        %swap3A_168 = arith.index_cast %select_n3A_55 : i32 to index
        %swap3A_169 = arith.constant 64 : index
        %swap3A_170 = tpu.vector_load %arg9[%swap3A_168, %swap3A_169] {strides = array<i32>} : memref<2x96xi32, #tpu.memory_space<vmem>>, vector<16xi32>,
        tpu.vector_store %arg9[%swap3A_168, %swap3A_169], %get3A_157 {strides = array<i32>} : memref<2x96xi32, #tpu.memory_space<vmem>>, vector<16xi32>,
        %get3A_171 = arith.index_cast %select_n3A_55 : i32 to index
        %get3A_172 = arith.constant 80 : index
        %get3A_173 = tpu.vector_load %arg6[%get3A_171, %get3A_172] {strides = array<i32>} : memref<2x192xi32, #tpu.memory_space<vmem>>, vector<16xi32>,
        %get3A_174 = arith.index_cast %select_n3A_55 : i32 to index
        %get3A_175 = arith.constant 176 : index
        %get3A_176 = tpu.vector_load %arg6[%get3A_174, %get3A_175] {strides = array<i32>} : memref<2x192xi32, #tpu.memory_space<vmem>>, vector<16xi32>,
        %add3A_177 = vector.broadcast %mul3A_16 : i32 to vector<16xi32>
        %add3A_178 = arith.addi %get3A_173, %add3A_177 : vector<16xi32>
        %swap3A_179 = arith.index_cast %select_n3A_55 : i32 to index
        %swap3A_180 = arith.constant 80 : index
        %swap3A_181 = tpu.vector_load %arg7[%swap3A_179, %swap3A_180] {strides = array<i32>} : memref<2x96xi32, #tpu.memory_space<vmem>>, vector<16xi32>,
        tpu.vector_store %arg7[%swap3A_179, %swap3A_180], %add3A_178 {strides = array<i32>} : memref<2x96xi32, #tpu.memory_space<vmem>>, vector<16xi32>,
        %add3A_182 = vector.broadcast %mul3A_16 : i32 to vector<16xi32>
        %add3A_183 = arith.addi %get3A_176, %add3A_182 : vector<16xi32>
        %swap3A_184 = arith.index_cast %select_n3A_55 : i32 to index
        %swap3A_185 = arith.constant 80 : index
        %swap3A_186 = tpu.vector_load %arg8[%swap3A_184, %swap3A_185] {strides = array<i32>} : memref<2x96xi32, #tpu.memory_space<vmem>>, vector<16xi32>,
        tpu.vector_store %arg8[%swap3A_184, %swap3A_185], %add3A_183 {strides = array<i32>} : memref<2x96xi32, #tpu.memory_space<vmem>>, vector<16xi32>,
        %swap3A_187 = arith.index_cast %select_n3A_55 : i32 to index
        %swap3A_188 = arith.constant 80 : index
        %swap3A_189 = tpu.vector_load %arg9[%swap3A_187, %swap3A_188] {strides = array<i32>} : memref<2x96xi32, #tpu.memory_space<vmem>>, vector<16xi32>,
        tpu.vector_store %arg9[%swap3A_187, %swap3A_188], %get3A_176 {strides = array<i32>} : memref<2x96xi32, #tpu.memory_space<vmem>>, vector<16xi32>,
        %dma_start3A_190 = arith.constant 0 : i32
        %dma_start3A_191 = arith.constant 0 : i32
        %dma_start3A_192 = tpu.memref_slice %arg11[%select_n3A_55, %dma_start3A_190, %dma_start3A_191] : memref<2x96x144xf32, #tpu.memory_space<vmem>> -> memref<1x96x144xf32, #tpu.memory_space<vmem>>
        %dma_start3A_193 = tpu.memref_squeeze %dma_start3A_192 : memref<1x96x144xf32, #tpu.memory_space<vmem>> -> memref<96x144xf32, #tpu.memory_space<vmem>>
        %dma_start3A_194 = arith.constant 0 : i32
        %dma_start3A_195 = tpu.memref_slice %arg7[%select_n3A_55, %dma_start3A_194] : memref<2x96xi32, #tpu.memory_space<vmem>> -> memref<1x96xi32, #tpu.memory_space<vmem>>
        %dma_start3A_196 = tpu.memref_squeeze %dma_start3A_195 : memref<1x96xi32, #tpu.memory_space<vmem>> -> memref<96xi32, #tpu.memory_space<vmem>>
        %dma_start3A_197 = arith.constant 0 : i32
        %dma_start3A_198 = arith.constant 0 : i32
        %dma_start3A_199 = tpu.memref_slice %arg2[%dma_start3A_197, %dma_start3A_198] : memref<20000x144xf32, #tpu.memory_space<hbm>> -> memref<20000x144xf32, #tpu.memory_space<hbm>>
        %dma_start3A_200 = tpu.memref_slice %arg14[%select_n3A_55] : memref<2x!tpu.dma_semaphore, #tpu.memory_space<semaphore_mem>> -> memref<1x!tpu.dma_semaphore, #tpu.memory_space<semaphore_mem>>
        %dma_start3A_201 = tpu.memref_squeeze %dma_start3A_200 : memref<1x!tpu.dma_semaphore, #tpu.memory_space<semaphore_mem>> -> memref<!tpu.dma_semaphore, #tpu.memory_space<semaphore_mem>>
        tpu.enqueue_indirect_dma source(%dma_start3A_199 : memref<20000x144xf32, #tpu.memory_space<hbm>>) target(%dma_start3A_193 : memref<96x144xf32, #tpu.memory_space<vmem>>) offsets(%dma_start3A_196 : memref<96xi32, #tpu.memory_space<vmem>>) semaphore(%dma_start3A_201 : memref<!tpu.dma_semaphore, #tpu.memory_space<semaphore_mem>>)
        %dma_start3A_202 = arith.constant 0 : i32
        %dma_start3A_203 = arith.constant 0 : i32
        %dma_start3A_204 = tpu.memref_slice %arg12[%select_n3A_55, %dma_start3A_202, %dma_start3A_203] : memref<2x96x16xf32, #tpu.memory_space<vmem>> -> memref<1x96x16xf32, #tpu.memory_space<vmem>>
        %dma_start3A_205 = tpu.memref_squeeze %dma_start3A_204 : memref<1x96x16xf32, #tpu.memory_space<vmem>> -> memref<96x16xf32, #tpu.memory_space<vmem>>
        %dma_start3A_206 = arith.constant 0 : i32
        %dma_start3A_207 = tpu.memref_slice %arg8[%select_n3A_55, %dma_start3A_206] : memref<2x96xi32, #tpu.memory_space<vmem>> -> memref<1x96xi32, #tpu.memory_space<vmem>>
        %dma_start3A_208 = tpu.memref_squeeze %dma_start3A_207 : memref<1x96xi32, #tpu.memory_space<vmem>> -> memref<96xi32, #tpu.memory_space<vmem>>
        %dma_start3A_209 = arith.constant 0 : i32
        %dma_start3A_210 = arith.constant 0 : i32
        %dma_start3A_211 = tpu.memref_slice %arg3[%dma_start3A_209, %dma_start3A_210] : memref<20000x16xf32, #tpu.memory_space<hbm>> -> memref<20000x16xf32, #tpu.memory_space<hbm>>
        %dma_start3A_212 = tpu.memref_slice %arg15[%select_n3A_55] : memref<2x!tpu.dma_semaphore, #tpu.memory_space<semaphore_mem>> -> memref<1x!tpu.dma_semaphore, #tpu.memory_space<semaphore_mem>>
        %dma_start3A_213 = tpu.memref_squeeze %dma_start3A_212 : memref<1x!tpu.dma_semaphore, #tpu.memory_space<semaphore_mem>> -> memref<!tpu.dma_semaphore, #tpu.memory_space<semaphore_mem>>
        tpu.enqueue_indirect_dma source(%dma_start3A_211 : memref<20000x16xf32, #tpu.memory_space<hbm>>) target(%dma_start3A_205 : memref<96x16xf32, #tpu.memory_space<vmem>>) offsets(%dma_start3A_208 : memref<96xi32, #tpu.memory_space<vmem>>) semaphore(%dma_start3A_213 : memref<!tpu.dma_semaphore, #tpu.memory_space<semaphore_mem>>)
        %add3A_214 = arith.constant 1 : i32
        %add3A_215 = arith.addi %scan3A_45, %add3A_214 : i32
        %lt3A_216 = arith.constant 216 : i32
        %lt3A_217 = arith.cmpi slt, %add3A_215, %lt3A_216 : i32
        %convert_element_type3A_218 = arith.extui %lt3A_217 : i1 to i32
        %cond3A_219 = arith.constant 0 : i32
        %cond3A_220 = arith.cmpi ne, %convert_element_type3A_218, %cond3A_219 : i32
        scf.if %cond3A_220 {
          %add3A_221 = arith.constant 1 : i32
          %add3A_222 = arith.addi %scan3A_45, %add3A_221 : i32
          %add3A_223 = arith.addi %mul3A_18, %add3A_222 : i32
          %mul3A_224 = arith.constant 192 : i32
          %mul3A_225 = arith.muli %add3A_223, %mul3A_224 : i32
          %dma_start3A_226 = arith.constant 0 : i32
          %dma_start3A_227 = tpu.memref_slice %arg6[%sub3A_56, %dma_start3A_226] : memref<2x192xi32, #tpu.memory_space<vmem>> -> memref<1x192xi32, #tpu.memory_space<vmem>>
          %dma_start3A_228 = tpu.memref_squeeze %dma_start3A_227 : memref<1x192xi32, #tpu.memory_space<vmem>> -> memref<192xi32, #tpu.memory_space<vmem>>
          %dma_start3A_229 = tpu.memref_slice %arg4[%mul3A_225] : memref<663552xi32, #tpu.memory_space<hbm>> -> memref<192xi32, #tpu.memory_space<hbm>>
          %dma_start3A_230 = tpu.memref_slice %arg13[%sub3A_56] : memref<2x!tpu.dma_semaphore, #tpu.memory_space<semaphore_mem>> -> memref<1x!tpu.dma_semaphore, #tpu.memory_space<semaphore_mem>>
          %dma_start3A_231 = tpu.memref_squeeze %dma_start3A_230 : memref<1x!tpu.dma_semaphore, #tpu.memory_space<semaphore_mem>> -> memref<!tpu.dma_semaphore, #tpu.memory_space<semaphore_mem>>
          %dma_start3A_232 = arith.constant 0 : i32
          %dma_start3A_233 = tpu.memref_slice %arg6[%sub3A_56, %dma_start3A_232] : memref<2x192xi32, #tpu.memory_space<vmem>> -> memref<1x192xi32, #tpu.memory_space<vmem>>
          %dma_start3A_234 = tpu.memref_squeeze %dma_start3A_233 : memref<1x192xi32, #tpu.memory_space<vmem>> -> memref<192xi32, #tpu.memory_space<vmem>>
          %dma_start3A_235 = tpu.memref_slice %arg4[%mul3A_225] : memref<663552xi32, #tpu.memory_space<hbm>> -> memref<192xi32, #tpu.memory_space<hbm>>
          tpu.enqueue_dma source(%dma_start3A_235 : memref<192xi32, #tpu.memory_space<hbm>>) target(%dma_start3A_234 : memref<192xi32, #tpu.memory_space<vmem>>) target_semaphore(%dma_start3A_231 : memref<!tpu.dma_semaphore, #tpu.memory_space<semaphore_mem>>)
        } else {
        }
      } else {
      }
      %ge3A = arith.constant 1 : i32
      %ge3A_62 = arith.cmpi sge, %scan3A_45, %ge3A : i32
      %convert_element_type3A_63 = arith.extui %ge3A_62 : i1 to i32
      %cond3A_64 = arith.constant 0 : i32
      %cond3A_65 = arith.cmpi ne, %convert_element_type3A_63, %cond3A_64 : i32
      scf.if %cond3A_65 {
        %sub3A_66 = arith.constant 1 : i32
        %sub3A_67 = arith.subi %scan3A_45, %sub3A_66 : i32
        %dma_wait3A = arith.constant 0 : i32
        %dma_wait3A_68 = arith.constant 0 : i32
        %dma_wait3A_69 = tpu.memref_slice %arg11[%sub3A_56, %dma_wait3A, %dma_wait3A_68] : memref<2x96x144xf32, #tpu.memory_space<vmem>> -> memref<1x96x144xf32, #tpu.memory_space<vmem>>
        %dma_wait3A_70 = tpu.memref_squeeze %dma_wait3A_69 : memref<1x96x144xf32, #tpu.memory_space<vmem>> -> memref<96x144xf32, #tpu.memory_space<vmem>>
        %dma_wait3A_71 = arith.constant 0 : i32
        %dma_wait3A_72 = tpu.memref_slice %arg7[%sub3A_56, %dma_wait3A_71] : memref<2x96xi32, #tpu.memory_space<vmem>> -> memref<1x96xi32, #tpu.memory_space<vmem>>
        %dma_wait3A_73 = tpu.memref_squeeze %dma_wait3A_72 : memref<1x96xi32, #tpu.memory_space<vmem>> -> memref<96xi32, #tpu.memory_space<vmem>>
        %dma_wait3A_74 = arith.constant 0 : i32
        %dma_wait3A_75 = arith.constant 0 : i32
        %dma_wait3A_76 = tpu.memref_slice %arg2[%dma_wait3A_74, %dma_wait3A_75] : memref<20000x144xf32, #tpu.memory_space<hbm>> -> memref<20000x144xf32, #tpu.memory_space<hbm>>
        %dma_wait3A_77 = tpu.memref_slice %arg14[%sub3A_56] : memref<2x!tpu.dma_semaphore, #tpu.memory_space<semaphore_mem>> -> memref<1x!tpu.dma_semaphore, #tpu.memory_space<semaphore_mem>>
        %dma_wait3A_78 = tpu.memref_squeeze %dma_wait3A_77 : memref<1x!tpu.dma_semaphore, #tpu.memory_space<semaphore_mem>> -> memref<!tpu.dma_semaphore, #tpu.memory_space<semaphore_mem>>
        tpu.wait_indirect_dma semaphore(%dma_wait3A_78 : memref<!tpu.dma_semaphore, #tpu.memory_space<semaphore_mem>>) src(%dma_wait3A_76 : memref<20000x144xf32, #tpu.memory_space<hbm>>) dst(%dma_wait3A_70 : memref<96x144xf32, #tpu.memory_space<vmem>>)
        %dma_wait3A_79 = arith.constant 0 : i32
        %dma_wait3A_80 = arith.constant 0 : i32
        %dma_wait3A_81 = tpu.memref_slice %arg12[%sub3A_56, %dma_wait3A_79, %dma_wait3A_80] : memref<2x96x16xf32, #tpu.memory_space<vmem>> -> memref<1x96x16xf32, #tpu.memory_space<vmem>>
        %dma_wait3A_82 = tpu.memref_squeeze %dma_wait3A_81 : memref<1x96x16xf32, #tpu.memory_space<vmem>> -> memref<96x16xf32, #tpu.memory_space<vmem>>
        %dma_wait3A_83 = arith.constant 0 : i32
        %dma_wait3A_84 = tpu.memref_slice %arg8[%sub3A_56, %dma_wait3A_83] : memref<2x96xi32, #tpu.memory_space<vmem>> -> memref<1x96xi32, #tpu.memory_space<vmem>>
        %dma_wait3A_85 = tpu.memref_squeeze %dma_wait3A_84 : memref<1x96xi32, #tpu.memory_space<vmem>> -> memref<96xi32, #tpu.memory_space<vmem>>
        %dma_wait3A_86 = arith.constant 0 : i32
        %dma_wait3A_87 = arith.constant 0 : i32
        %dma_wait3A_88 = tpu.memref_slice %arg3[%dma_wait3A_86, %dma_wait3A_87] : memref<20000x16xf32, #tpu.memory_space<hbm>> -> memref<20000x16xf32, #tpu.memory_space<hbm>>
        %dma_wait3A_89 = tpu.memref_slice %arg15[%sub3A_56] : memref<2x!tpu.dma_semaphore, #tpu.memory_space<semaphore_mem>> -> memref<1x!tpu.dma_semaphore, #tpu.memory_space<semaphore_mem>>
        %dma_wait3A_90 = tpu.memref_squeeze %dma_wait3A_89 : memref<1x!tpu.dma_semaphore, #tpu.memory_space<semaphore_mem>> -> memref<!tpu.dma_semaphore, #tpu.memory_space<semaphore_mem>>
        tpu.wait_indirect_dma semaphore(%dma_wait3A_90 : memref<!tpu.dma_semaphore, #tpu.memory_space<semaphore_mem>>) src(%dma_wait3A_88 : memref<20000x16xf32, #tpu.memory_space<hbm>>) dst(%dma_wait3A_82 : memref<96x16xf32, #tpu.memory_space<vmem>>)
        %add3A_91 = arith.addi %mul3A_18, %sub3A_67 : i32
        %mul3A_92 = arith.constant 96 : i32
        %mul3A_93 = arith.muli %add3A_91, %mul3A_92 : i32
        %broadcast_in_dim3A_94 = arith.constant 0 : i32
        %broadcast_in_dim3A_95 = vector.broadcast %broadcast_in_dim3A_94 : i32 to vector<16xi32>
        %add3A_96 = vector.broadcast %sub3A_56 : i32 to vector<16xi32>
        %add3A_97 = arith.addi %broadcast_in_dim3A_95, %add3A_96 : vector<16xi32>
        %scan3A_98 = arith.constant 0 : i32
        %scan3A_99 = arith.constant 0 : i32
        %scan3A_100 = arith.constant 6 : i32
        %scan3A_101 = arith.addi %scan3A_99, %scan3A_100 : i32
        %scan3A_102 = arith.constant 1 : i32
        scf.for %scan3A_110 = %scan3A_99 to %scan3A_101 step %scan3A_102  : i32 {
          %mul3A_111 = arith.constant 16 : i32
          %mul3A_112 = arith.muli %scan3A_110, %mul3A_111 : i32
          %add3A_113 = arith.addi %mul3A_93, %mul3A_112 : i32
          %add3A_114 = vector.broadcast %add3A_113 : i32 to vector<16xi32>
          %add3A_115 = arith.addi %add3A_114, %iota3A : vector<16xi32>
          %lt3A_116 = arith.constant 330000 : i32
          %lt3A_117 = vector.broadcast %lt3A_116 : i32 to vector<16xi32>
          %lt3A_118 = arith.cmpi slt, %add3A_115, %lt3A_117 : vector<16xi32>
          %mul3A_119 = arith.constant 16 : i32
          %mul3A_120 = arith.muli %scan3A_110, %mul3A_119 : i32
          %add3A_121 = vector.broadcast %mul3A_120 : i32 to vector<16xi32>
          %add3A_122 = arith.addi %add3A_121, %iota3A : vector<16xi32>
          %broadcast_in_dim3A_123 = arith.constant 128 : i32
          %broadcast_in_dim3A_124 = vector.broadcast %broadcast_in_dim3A_123 : i32 to vector<16xi32>
          %gather3A = tpu.vector_load_idx %arg11[%add3A_97, %add3A_122, %broadcast_in_dim3A_124] : memref<2x96x144xf32, #tpu.memory_space<vmem>>[vector<16xi32>, vector<16xi32>, vector<16xi32>], vector<16xf32>,
          %broadcast_in_dim3A_125 = arith.constant 2 : i32
          %broadcast_in_dim3A_126 = vector.broadcast %broadcast_in_dim3A_125 : i32 to vector<16xi32>
          %gather3A_127 = tpu.vector_load_idx %arg12[%add3A_97, %add3A_122, %broadcast_in_dim3A_126] : memref<2x96x16xf32, #tpu.memory_space<vmem>>[vector<16xi32>, vector<16xi32>, vector<16xi32>], vector<16xf32>,
          %add3A_128 = arith.addf %gather3A, %gather3A_127 : vector<16xf32>
          %mul3A_129 = arith.constant 2.000000e-01 : f32
          %mul3A_130 = vector.broadcast %mul3A_129 : f32 to vector<16xf32>
          %mul3A_131 = arith.mulf %mul3A_130, %add3A_128 : vector<16xf32>
          %max3A = arith.maximumf %add3A_128, %mul3A_131 : vector<16xf32>
          %exp3A = math.exp %max3A : vector<16xf32>
          %jit3A_132 = arith.constant 0.000000e+00 : f32
          %broadcast_in_dim3A_133 = vector.broadcast %jit3A_132 : f32 to vector<16xf32>
          %select_n3A_134 = arith.select %lt3A_118, %exp3A, %broadcast_in_dim3A_133 : vector<16xi1>, vector<16xf32>
          %mul3A_135 = arith.constant 16 : i32
          %mul3A_136 = arith.muli %scan3A_110, %mul3A_135 : i32
          %add3A_137 = arith.constant 0 : i32
          %add3A_138 = arith.addi %add3A_137, %mul3A_136 : i32
          %swap3A = arith.index_cast %add3A_138 : i32 to index
          %swap3A_139 = tpu.vector_load %arg10[%swap3A] {strides = array<i32>} : memref<192xf32, #tpu.memory_space<vmem>>, vector<16xf32>,
          tpu.vector_store %arg10[%swap3A], %select_n3A_134 {strides = array<i32>} : memref<192xf32, #tpu.memory_space<vmem>>, vector<16xf32>,
          %broadcast_in_dim3A_140 = arith.constant 128 : i32
          %broadcast_in_dim3A_141 = vector.broadcast %broadcast_in_dim3A_140 : i32 to vector<16xi32>
          tpu.vector_store_idx %arg11[%add3A_97, %add3A_122, %broadcast_in_dim3A_141], %select_n3A_134 : memref<2x96x144xf32, #tpu.memory_space<vmem>>[vector<16xi32>, vector<16xi32>, vector<16xi32>], vector<16xf32>,
          %broadcast_in_dim3A_142 = arith.constant 129 : i32
          %broadcast_in_dim3A_143 = vector.broadcast %broadcast_in_dim3A_142 : i32 to vector<16xi32>
          %gather3A_144 = tpu.vector_load_idx %arg11[%add3A_97, %add3A_122, %broadcast_in_dim3A_143] : memref<2x96x144xf32, #tpu.memory_space<vmem>>[vector<16xi32>, vector<16xi32>, vector<16xi32>], vector<16xf32>,
          %broadcast_in_dim3A_145 = arith.constant 3 : i32
          %broadcast_in_dim3A_146 = vector.broadcast %broadcast_in_dim3A_145 : i32 to vector<16xi32>
          %gather3A_147 = tpu.vector_load_idx %arg12[%add3A_97, %add3A_122, %broadcast_in_dim3A_146] : memref<2x96x16xf32, #tpu.memory_space<vmem>>[vector<16xi32>, vector<16xi32>, vector<16xi32>], vector<16xf32>,
          %add3A_148 = arith.addf %gather3A_144, %gather3A_147 : vector<16xf32>
          %mul3A_149 = arith.constant 2.000000e-01 : f32
          %mul3A_150 = vector.broadcast %mul3A_149 : f32 to vector<16xf32>
          %mul3A_151 = arith.mulf %mul3A_150, %add3A_148 : vector<16xf32>
          %max3A_152 = arith.maximumf %add3A_148, %mul3A_151 : vector<16xf32>
          %exp3A_153 = math.exp %max3A_152 : vector<16xf32>
          %jit3A_154 = arith.constant 0.000000e+00 : f32
          %broadcast_in_dim3A_155 = vector.broadcast %jit3A_154 : f32 to vector<16xf32>
          %select_n3A_156 = arith.select %lt3A_118, %exp3A_153, %broadcast_in_dim3A_155 : vector<16xi1>, vector<16xf32>
          %mul3A_157 = arith.constant 16 : i32
          %mul3A_158 = arith.muli %scan3A_110, %mul3A_157 : i32
          %add3A_159 = arith.constant 96 : i32
          %add3A_160 = arith.addi %add3A_159, %mul3A_158 : i32
          %swap3A_161 = arith.index_cast %add3A_160 : i32 to index
          %swap3A_162 = tpu.vector_load %arg10[%swap3A_161] {strides = array<i32>} : memref<192xf32, #tpu.memory_space<vmem>>, vector<16xf32>,
          tpu.vector_store %arg10[%swap3A_161], %select_n3A_156 {strides = array<i32>} : memref<192xf32, #tpu.memory_space<vmem>>, vector<16xf32>,
          %broadcast_in_dim3A_163 = arith.constant 129 : i32
          %broadcast_in_dim3A_164 = vector.broadcast %broadcast_in_dim3A_163 : i32 to vector<16xi32>
          tpu.vector_store_idx %arg11[%add3A_97, %add3A_122, %broadcast_in_dim3A_164], %select_n3A_156 : memref<2x96x144xf32, #tpu.memory_space<vmem>>[vector<16xi32>, vector<16xi32>, vector<16xi32>], vector<16xf32>,
        }
        %scan3A_103 = arith.constant 6 : i32
        %scan3A_104 = arith.constant 0 : i32
        %scan3A_105 = arith.constant 0 : i32
        %scan3A_106 = arith.constant 6 : i32
        %scan3A_107 = arith.addi %scan3A_105, %scan3A_106 : i32
        %scan3A_108 = arith.constant 1 : i32
        scf.for %scan3A_110 = %scan3A_105 to %scan3A_107 step %scan3A_108  : i32 {
          %mul3A_111 = arith.constant 16 : i32
          %mul3A_112 = arith.muli %scan3A_110, %mul3A_111 : i32
          %add3A_113 = vector.broadcast %mul3A_112 : i32 to vector<16xi32>
          %add3A_114 = arith.addi %add3A_113, %iota3A : vector<16xi32>
          %mul3A_115 = arith.constant 16 : i32
          %mul3A_116 = arith.muli %scan3A_110, %mul3A_115 : i32
          %add3A_117 = arith.constant 0 : i32
          %add3A_118 = arith.addi %add3A_117, %mul3A_116 : i32
          %get3A = arith.index_cast %add3A_118 : i32 to index
          %get3A_119 = tpu.vector_load %arg10[%get3A] {strides = array<i32>} : memref<192xf32, #tpu.memory_space<vmem>>, vector<16xf32>,
          %mul3A_120 = arith.constant 16 : i32
          %mul3A_121 = arith.muli %scan3A_110, %mul3A_120 : i32
          %add3A_122 = arith.constant 96 : i32
          %add3A_123 = arith.addi %add3A_122, %mul3A_121 : i32
          %get3A_124 = arith.index_cast %add3A_123 : i32 to index
          %get3A_125 = tpu.vector_load %arg10[%get3A_124] {strides = array<i32>} : memref<192xf32, #tpu.memory_space<vmem>>, vector<16xf32>,
          %scan3A_126 = arith.constant 0 : i32
          %scan3A_127 = arith.constant 0 : i32
          %scan3A_128 = arith.constant 8 : i32
          %scan3A_129 = arith.addi %scan3A_127, %scan3A_128 : i32
          %scan3A_130 = arith.constant 1 : i32
          scf.for %scan3A_132 = %scan3A_127 to %scan3A_129 step %scan3A_130  : i32 {
            %mul3A_133 = arith.constant 8 : i32
            %mul3A_134 = arith.muli %scan3A_132, %mul3A_133 : i32
            %broadcast_in_dim3A_135 = arith.constant 0 : i32
            %broadcast_in_dim3A_136 = vector.broadcast %broadcast_in_dim3A_135 : i32 to vector<16xi32>
            %add3A_137 = vector.broadcast %mul3A_134 : i32 to vector<16xi32>
            %add3A_138 = arith.addi %broadcast_in_dim3A_136, %add3A_137 : vector<16xi32>
            %gather3A = tpu.vector_load_idx %arg11[%add3A_97, %add3A_114, %add3A_138] : memref<2x96x144xf32, #tpu.memory_space<vmem>>[vector<16xi32>, vector<16xi32>, vector<16xi32>], vector<16xf32>,
            %mul3A_139 = arith.mulf %gather3A, %get3A_119 : vector<16xf32>
            tpu.vector_store_idx %arg11[%add3A_97, %add3A_114, %add3A_138], %mul3A_139 : memref<2x96x144xf32, #tpu.memory_space<vmem>>[vector<16xi32>, vector<16xi32>, vector<16xi32>], vector<16xf32>,
            %broadcast_in_dim3A_140 = arith.constant 1 : i32
            %broadcast_in_dim3A_141 = vector.broadcast %broadcast_in_dim3A_140 : i32 to vector<16xi32>
            %add3A_142 = vector.broadcast %mul3A_134 : i32 to vector<16xi32>
            %add3A_143 = arith.addi %broadcast_in_dim3A_141, %add3A_142 : vector<16xi32>
            %gather3A_144 = tpu.vector_load_idx %arg11[%add3A_97, %add3A_114, %add3A_143] : memref<2x96x144xf32, #tpu.memory_space<vmem>>[vector<16xi32>, vector<16xi32>, vector<16xi32>], vector<16xf32>,
            %mul3A_145 = arith.mulf %gather3A_144, %get3A_119 : vector<16xf32>
            tpu.vector_store_idx %arg11[%add3A_97, %add3A_114, %add3A_143], %mul3A_145 : memref<2x96x144xf32, #tpu.memory_space<vmem>>[vector<16xi32>, vector<16xi32>, vector<16xi32>], vector<16xf32>,
            %broadcast_in_dim3A_146 = arith.constant 2 : i32
            %broadcast_in_dim3A_147 = vector.broadcast %broadcast_in_dim3A_146 : i32 to vector<16xi32>
            %add3A_148 = vector.broadcast %mul3A_134 : i32 to vector<16xi32>
            %add3A_149 = arith.addi %broadcast_in_dim3A_147, %add3A_148 : vector<16xi32>
            %gather3A_150 = tpu.vector_load_idx %arg11[%add3A_97, %add3A_114, %add3A_149] : memref<2x96x144xf32, #tpu.memory_space<vmem>>[vector<16xi32>, vector<16xi32>, vector<16xi32>], vector<16xf32>,
            %mul3A_151 = arith.mulf %gather3A_150, %get3A_119 : vector<16xf32>
            tpu.vector_store_idx %arg11[%add3A_97, %add3A_114, %add3A_149], %mul3A_151 : memref<2x96x144xf32, #tpu.memory_space<vmem>>[vector<16xi32>, vector<16xi32>, vector<16xi32>], vector<16xf32>,
            %broadcast_in_dim3A_152 = arith.constant 3 : i32
            %broadcast_in_dim3A_153 = vector.broadcast %broadcast_in_dim3A_152 : i32 to vector<16xi32>
            %add3A_154 = vector.broadcast %mul3A_134 : i32 to vector<16xi32>
            %add3A_155 = arith.addi %broadcast_in_dim3A_153, %add3A_154 : vector<16xi32>
            %gather3A_156 = tpu.vector_load_idx %arg11[%add3A_97, %add3A_114, %add3A_155] : memref<2x96x144xf32, #tpu.memory_space<vmem>>[vector<16xi32>, vector<16xi32>, vector<16xi32>], vector<16xf32>,
            %mul3A_157 = arith.mulf %gather3A_156, %get3A_119 : vector<16xf32>
            tpu.vector_store_idx %arg11[%add3A_97, %add3A_114, %add3A_155], %mul3A_157 : memref<2x96x144xf32, #tpu.memory_space<vmem>>[vector<16xi32>, vector<16xi32>, vector<16xi32>], vector<16xf32>,
            %broadcast_in_dim3A_158 = arith.constant 4 : i32
            %broadcast_in_dim3A_159 = vector.broadcast %broadcast_in_dim3A_158 : i32 to vector<16xi32>
            %add3A_160 = vector.broadcast %mul3A_134 : i32 to vector<16xi32>
            %add3A_161 = arith.addi %broadcast_in_dim3A_159, %add3A_160 : vector<16xi32>
            %gather3A_162 = tpu.vector_load_idx %arg11[%add3A_97, %add3A_114, %add3A_161] : memref<2x96x144xf32, #tpu.memory_space<vmem>>[vector<16xi32>, vector<16xi32>, vector<16xi32>], vector<16xf32>,
            %mul3A_163 = arith.mulf %gather3A_162, %get3A_119 : vector<16xf32>
            tpu.vector_store_idx %arg11[%add3A_97, %add3A_114, %add3A_161], %mul3A_163 : memref<2x96x144xf32, #tpu.memory_space<vmem>>[vector<16xi32>, vector<16xi32>, vector<16xi32>], vector<16xf32>,
            %broadcast_in_dim3A_164 = arith.constant 5 : i32
            %broadcast_in_dim3A_165 = vector.broadcast %broadcast_in_dim3A_164 : i32 to vector<16xi32>
            %add3A_166 = vector.broadcast %mul3A_134 : i32 to vector<16xi32>
            %add3A_167 = arith.addi %broadcast_in_dim3A_165, %add3A_166 : vector<16xi32>
            %gather3A_168 = tpu.vector_load_idx %arg11[%add3A_97, %add3A_114, %add3A_167] : memref<2x96x144xf32, #tpu.memory_space<vmem>>[vector<16xi32>, vector<16xi32>, vector<16xi32>], vector<16xf32>,
            %mul3A_169 = arith.mulf %gather3A_168, %get3A_119 : vector<16xf32>
            tpu.vector_store_idx %arg11[%add3A_97, %add3A_114, %add3A_167], %mul3A_169 : memref<2x96x144xf32, #tpu.memory_space<vmem>>[vector<16xi32>, vector<16xi32>, vector<16xi32>], vector<16xf32>,
            %broadcast_in_dim3A_170 = arith.constant 6 : i32
            %broadcast_in_dim3A_171 = vector.broadcast %broadcast_in_dim3A_170 : i32 to vector<16xi32>
            %add3A_172 = vector.broadcast %mul3A_134 : i32 to vector<16xi32>
            %add3A_173 = arith.addi %broadcast_in_dim3A_171, %add3A_172 : vector<16xi32>
            %gather3A_174 = tpu.vector_load_idx %arg11[%add3A_97, %add3A_114, %add3A_173] : memref<2x96x144xf32, #tpu.memory_space<vmem>>[vector<16xi32>, vector<16xi32>, vector<16xi32>], vector<16xf32>,
            %mul3A_175 = arith.mulf %gather3A_174, %get3A_119 : vector<16xf32>
            tpu.vector_store_idx %arg11[%add3A_97, %add3A_114, %add3A_173], %mul3A_175 : memref<2x96x144xf32, #tpu.memory_space<vmem>>[vector<16xi32>, vector<16xi32>, vector<16xi32>], vector<16xf32>,
            %broadcast_in_dim3A_176 = arith.constant 7 : i32
            %broadcast_in_dim3A_177 = vector.broadcast %broadcast_in_dim3A_176 : i32 to vector<16xi32>
            %add3A_178 = vector.broadcast %mul3A_134 : i32 to vector<16xi32>
            %add3A_179 = arith.addi %broadcast_in_dim3A_177, %add3A_178 : vector<16xi32>
            %gather3A_180 = tpu.vector_load_idx %arg11[%add3A_97, %add3A_114, %add3A_179] : memref<2x96x144xf32, #tpu.memory_space<vmem>>[vector<16xi32>, vector<16xi32>, vector<16xi32>], vector<16xf32>,
            %mul3A_181 = arith.mulf %gather3A_180, %get3A_119 : vector<16xf32>
            tpu.vector_store_idx %arg11[%add3A_97, %add3A_114, %add3A_179], %mul3A_181 : memref<2x96x144xf32, #tpu.memory_space<vmem>>[vector<16xi32>, vector<16xi32>, vector<16xi32>], vector<16xf32>,
            %broadcast_in_dim3A_182 = arith.constant 64 : i32
            %broadcast_in_dim3A_183 = vector.broadcast %broadcast_in_dim3A_182 : i32 to vector<16xi32>
            %add3A_184 = vector.broadcast %mul3A_134 : i32 to vector<16xi32>
            %add3A_185 = arith.addi %broadcast_in_dim3A_183, %add3A_184 : vector<16xi32>
            %gather3A_186 = tpu.vector_load_idx %arg11[%add3A_97, %add3A_114, %add3A_185] : memref<2x96x144xf32, #tpu.memory_space<vmem>>[vector<16xi32>, vector<16xi32>, vector<16xi32>], vector<16xf32>,
            %mul3A_187 = arith.mulf %gather3A_186, %get3A_125 : vector<16xf32>
            tpu.vector_store_idx %arg11[%add3A_97, %add3A_114, %add3A_185], %mul3A_187 : memref<2x96x144xf32, #tpu.memory_space<vmem>>[vector<16xi32>, vector<16xi32>, vector<16xi32>], vector<16xf32>,
            %broadcast_in_dim3A_188 = arith.constant 65 : i32
            %broadcast_in_dim3A_189 = vector.broadcast %broadcast_in_dim3A_188 : i32 to vector<16xi32>
            %add3A_190 = vector.broadcast %mul3A_134 : i32 to vector<16xi32>
            %add3A_191 = arith.addi %broadcast_in_dim3A_189, %add3A_190 : vector<16xi32>
            %gather3A_192 = tpu.vector_load_idx %arg11[%add3A_97, %add3A_114, %add3A_191] : memref<2x96x144xf32, #tpu.memory_space<vmem>>[vector<16xi32>, vector<16xi32>, vector<16xi32>], vector<16xf32>,
            %mul3A_193 = arith.mulf %gather3A_192, %get3A_125 : vector<16xf32>
            tpu.vector_store_idx %arg11[%add3A_97, %add3A_114, %add3A_191], %mul3A_193 : memref<2x96x144xf32, #tpu.memory_space<vmem>>[vector<16xi32>, vector<16xi32>, vector<16xi32>], vector<16xf32>,
            %broadcast_in_dim3A_194 = arith.constant 66 : i32
            %broadcast_in_dim3A_195 = vector.broadcast %broadcast_in_dim3A_194 : i32 to vector<16xi32>
            %add3A_196 = vector.broadcast %mul3A_134 : i32 to vector<16xi32>
            %add3A_197 = arith.addi %broadcast_in_dim3A_195, %add3A_196 : vector<16xi32>
            %gather3A_198 = tpu.vector_load_idx %arg11[%add3A_97, %add3A_114, %add3A_197] : memref<2x96x144xf32, #tpu.memory_space<vmem>>[vector<16xi32>, vector<16xi32>, vector<16xi32>], vector<16xf32>,
            %mul3A_199 = arith.mulf %gather3A_198, %get3A_125 : vector<16xf32>
            tpu.vector_store_idx %arg11[%add3A_97, %add3A_114, %add3A_197], %mul3A_199 : memref<2x96x144xf32, #tpu.memory_space<vmem>>[vector<16xi32>, vector<16xi32>, vector<16xi32>], vector<16xf32>,
            %broadcast_in_dim3A_200 = arith.constant 67 : i32
            %broadcast_in_dim3A_201 = vector.broadcast %broadcast_in_dim3A_200 : i32 to vector<16xi32>
            %add3A_202 = vector.broadcast %mul3A_134 : i32 to vector<16xi32>
            %add3A_203 = arith.addi %broadcast_in_dim3A_201, %add3A_202 : vector<16xi32>
            %gather3A_204 = tpu.vector_load_idx %arg11[%add3A_97, %add3A_114, %add3A_203] : memref<2x96x144xf32, #tpu.memory_space<vmem>>[vector<16xi32>, vector<16xi32>, vector<16xi32>], vector<16xf32>,
            %mul3A_205 = arith.mulf %gather3A_204, %get3A_125 : vector<16xf32>
            tpu.vector_store_idx %arg11[%add3A_97, %add3A_114, %add3A_203], %mul3A_205 : memref<2x96x144xf32, #tpu.memory_space<vmem>>[vector<16xi32>, vector<16xi32>, vector<16xi32>], vector<16xf32>,
            %broadcast_in_dim3A_206 = arith.constant 68 : i32
            %broadcast_in_dim3A_207 = vector.broadcast %broadcast_in_dim3A_206 : i32 to vector<16xi32>
            %add3A_208 = vector.broadcast %mul3A_134 : i32 to vector<16xi32>
            %add3A_209 = arith.addi %broadcast_in_dim3A_207, %add3A_208 : vector<16xi32>
            %gather3A_210 = tpu.vector_load_idx %arg11[%add3A_97, %add3A_114, %add3A_209] : memref<2x96x144xf32, #tpu.memory_space<vmem>>[vector<16xi32>, vector<16xi32>, vector<16xi32>], vector<16xf32>,
            %mul3A_211 = arith.mulf %gather3A_210, %get3A_125 : vector<16xf32>
            tpu.vector_store_idx %arg11[%add3A_97, %add3A_114, %add3A_209], %mul3A_211 : memref<2x96x144xf32, #tpu.memory_space<vmem>>[vector<16xi32>, vector<16xi32>, vector<16xi32>], vector<16xf32>,
            %broadcast_in_dim3A_212 = arith.constant 69 : i32
            %broadcast_in_dim3A_213 = vector.broadcast %broadcast_in_dim3A_212 : i32 to vector<16xi32>
            %add3A_214 = vector.broadcast %mul3A_134 : i32 to vector<16xi32>
            %add3A_215 = arith.addi %broadcast_in_dim3A_213, %add3A_214 : vector<16xi32>
            %gather3A_216 = tpu.vector_load_idx %arg11[%add3A_97, %add3A_114, %add3A_215] : memref<2x96x144xf32, #tpu.memory_space<vmem>>[vector<16xi32>, vector<16xi32>, vector<16xi32>], vector<16xf32>,
            %mul3A_217 = arith.mulf %gather3A_216, %get3A_125 : vector<16xf32>
            tpu.vector_store_idx %arg11[%add3A_97, %add3A_114, %add3A_215], %mul3A_217 : memref<2x96x144xf32, #tpu.memory_space<vmem>>[vector<16xi32>, vector<16xi32>, vector<16xi32>], vector<16xf32>,
            %broadcast_in_dim3A_218 = arith.constant 70 : i32
            %broadcast_in_dim3A_219 = vector.broadcast %broadcast_in_dim3A_218 : i32 to vector<16xi32>
            %add3A_220 = vector.broadcast %mul3A_134 : i32 to vector<16xi32>
            %add3A_221 = arith.addi %broadcast_in_dim3A_219, %add3A_220 : vector<16xi32>
            %gather3A_222 = tpu.vector_load_idx %arg11[%add3A_97, %add3A_114, %add3A_221] : memref<2x96x144xf32, #tpu.memory_space<vmem>>[vector<16xi32>, vector<16xi32>, vector<16xi32>], vector<16xf32>,
            %mul3A_223 = arith.mulf %gather3A_222, %get3A_125 : vector<16xf32>
            tpu.vector_store_idx %arg11[%add3A_97, %add3A_114, %add3A_221], %mul3A_223 : memref<2x96x144xf32, #tpu.memory_space<vmem>>[vector<16xi32>, vector<16xi32>, vector<16xi32>], vector<16xf32>,
            %broadcast_in_dim3A_224 = arith.constant 71 : i32
            %broadcast_in_dim3A_225 = vector.broadcast %broadcast_in_dim3A_224 : i32 to vector<16xi32>
            %add3A_226 = vector.broadcast %mul3A_134 : i32 to vector<16xi32>
            %add3A_227 = arith.addi %broadcast_in_dim3A_225, %add3A_226 : vector<16xi32>
            %gather3A_228 = tpu.vector_load_idx %arg11[%add3A_97, %add3A_114, %add3A_227] : memref<2x96x144xf32, #tpu.memory_space<vmem>>[vector<16xi32>, vector<16xi32>, vector<16xi32>], vector<16xf32>,
            %mul3A_229 = arith.mulf %gather3A_228, %get3A_125 : vector<16xf32>
            tpu.vector_store_idx %arg11[%add3A_97, %add3A_114, %add3A_227], %mul3A_229 : memref<2x96x144xf32, #tpu.memory_space<vmem>>[vector<16xi32>, vector<16xi32>, vector<16xi32>], vector<16xf32>,
          }
          %scan3A_131 = arith.constant 8 : i32
        }
        %scan3A_109 = arith.constant 6 : i32
        "tpu.region"() ({
          %run_scoped3A = tpu.sem_alloc : memref<!tpu.dma_semaphore, #tpu.memory_space<semaphore_mem>>
          %dma_start3A_110 = arith.constant 0 : i32
          %dma_start3A_111 = arith.constant 0 : i32
          %dma_start3A_112 = tpu.memref_slice %arg11[%sub3A_56, %dma_start3A_110, %dma_start3A_111] : memref<2x96x144xf32, #tpu.memory_space<vmem>> -> memref<1x96x144xf32, #tpu.memory_space<vmem>>
          %dma_start3A_113 = tpu.memref_squeeze %dma_start3A_112 : memref<1x96x144xf32, #tpu.memory_space<vmem>> -> memref<96x144xf32, #tpu.memory_space<vmem>>
          %dma_start3A_114 = arith.constant 0 : i32
          %dma_start3A_115 = tpu.memref_slice %arg9[%sub3A_56, %dma_start3A_114] : memref<2x96xi32, #tpu.memory_space<vmem>> -> memref<1x96xi32, #tpu.memory_space<vmem>>
          %dma_start3A_116 = tpu.memref_squeeze %dma_start3A_115 : memref<1x96xi32, #tpu.memory_space<vmem>> -> memref<96xi32, #tpu.memory_space<vmem>>
          %dma_start3A_117 = arith.constant 0 : i32
          %dma_start3A_118 = arith.constant 0 : i32
          %dma_start3A_119 = tpu.memref_slice %arg16[%dma_start3A_117, %dma_start3A_118] : memref<10000x144xf32, #tpu.memory_space<vmem_shared>> -> memref<10000x144xf32, #tpu.memory_space<vmem_shared>>
          tpu.enqueue_indirect_dma source(%dma_start3A_113 : memref<96x144xf32, #tpu.memory_space<vmem>>) target(%dma_start3A_119 : memref<10000x144xf32, #tpu.memory_space<vmem_shared>>) offsets(%dma_start3A_116 : memref<96xi32, #tpu.memory_space<vmem>>) semaphore(%run_scoped3A : memref<!tpu.dma_semaphore, #tpu.memory_space<semaphore_mem>>) {add = true}
          %dma_wait3A_120 = arith.constant 0 : i32
          %dma_wait3A_121 = arith.constant 0 : i32
          %dma_wait3A_122 = tpu.memref_slice %arg11[%sub3A_56, %dma_wait3A_120, %dma_wait3A_121] : memref<2x96x144xf32, #tpu.memory_space<vmem>> -> memref<1x96x144xf32, #tpu.memory_space<vmem>>
          %dma_wait3A_123 = tpu.memref_squeeze %dma_wait3A_122 : memref<1x96x144xf32, #tpu.memory_space<vmem>> -> memref<96x144xf32, #tpu.memory_space<vmem>>
          %dma_wait3A_124 = arith.constant 0 : i32
          %dma_wait3A_125 = tpu.memref_slice %arg9[%sub3A_56, %dma_wait3A_124] : memref<2x96xi32, #tpu.memory_space<vmem>> -> memref<1x96xi32, #tpu.memory_space<vmem>>
          %dma_wait3A_126 = tpu.memref_squeeze %dma_wait3A_125 : memref<1x96xi32, #tpu.memory_space<vmem>> -> memref<96xi32, #tpu.memory_space<vmem>>
          %dma_wait3A_127 = arith.constant 0 : i32
          %dma_wait3A_128 = arith.constant 0 : i32
          %dma_wait3A_129 = tpu.memref_slice %arg16[%dma_wait3A_127, %dma_wait3A_128] : memref<10000x144xf32, #tpu.memory_space<vmem_shared>> -> memref<10000x144xf32, #tpu.memory_space<vmem_shared>>
          tpu.wait_indirect_dma semaphore(%run_scoped3A : memref<!tpu.dma_semaphore, #tpu.memory_space<semaphore_mem>>) src(%dma_wait3A_123 : memref<96x144xf32, #tpu.memory_space<vmem>>) dst(%dma_wait3A_129 : memref<10000x144xf32, #tpu.memory_space<vmem_shared>>)
          tpu.yield
        }) : () -> ()
      } else {
      }
    }
    %scan3A_38 = arith.constant 217 : i32
    %barrier3A_39 = arith.constant 0 : index
    tpu.barrier barrier_id(%barrier3A_39)
    "tpu.region"() ({
      %run_scoped3A = tpu.sem_alloc : memref<!tpu.dma_semaphore, #tpu.memory_space<semaphore_mem>>
      %dma_start3A_45 = arith.constant 0 : i32
      %dma_start3A_46 = tpu.memref_slice %arg5[%arg0, %mul3A_6, %dma_start3A_45] : memref<2x10000x144xf32, #tpu.memory_space<hbm>> -> memref<1x624x144xf32, #tpu.memory_space<hbm>>
      %dma_start3A_47 = tpu.memref_squeeze %dma_start3A_46 : memref<1x624x144xf32, #tpu.memory_space<hbm>> -> memref<624x144xf32, #tpu.memory_space<hbm>>
      %dma_start3A_48 = arith.constant 0 : i32
      %dma_start3A_49 = tpu.memref_slice %arg16[%mul3A_6, %dma_start3A_48] : memref<10000x144xf32, #tpu.memory_space<vmem_shared>> -> memref<624x144xf32, #tpu.memory_space<vmem_shared>>
      tpu.enqueue_dma source(%dma_start3A_49 : memref<624x144xf32, #tpu.memory_space<vmem_shared>>) target(%dma_start3A_47 : memref<624x144xf32, #tpu.memory_space<hbm>>) target_semaphore(%run_scoped3A : memref<!tpu.dma_semaphore, #tpu.memory_space<semaphore_mem>>)
      %dma_wait3A = arith.constant 0 : i32
      %dma_wait3A_50 = tpu.memref_slice %arg5[%arg0, %mul3A_6, %dma_wait3A] : memref<2x10000x144xf32, #tpu.memory_space<hbm>> -> memref<1x624x144xf32, #tpu.memory_space<hbm>>
      %dma_wait3A_51 = tpu.memref_squeeze %dma_wait3A_50 : memref<1x624x144xf32, #tpu.memory_space<hbm>> -> memref<624x144xf32, #tpu.memory_space<hbm>>
      %dma_wait3A_52 = arith.constant 0 : i32
      %dma_wait3A_53 = tpu.memref_slice %arg16[%mul3A_6, %dma_wait3A_52] : memref<10000x144xf32, #tpu.memory_space<vmem_shared>> -> memref<624x144xf32, #tpu.memory_space<vmem_shared>>
      tpu.wait_dma2 semaphore(%run_scoped3A : memref<!tpu.dma_semaphore, #tpu.memory_space<semaphore_mem>>) src(%dma_wait3A_53 : memref<624x144xf32, #tpu.memory_space<vmem_shared>>) dst(%dma_wait3A_51 : memref<624x144xf32, #tpu.memory_space<hbm>>)
      tpu.yield
    }) : () -> ()
    %eq3A_40 = arith.constant 15 : i32
    %eq3A_41 = arith.cmpi eq, %arg1, %eq3A_40 : i32
    %convert_element_type3A_42 = arith.extui %eq3A_41 : i1 to i32
    %cond3A_43 = arith.constant 0 : i32
    %cond3A_44 = arith.cmpi ne, %convert_element_type3A_42, %cond3A_43 : i32
    scf.if %cond3A_44 {
      "tpu.region"() ({
        %run_scoped3A = tpu.sem_alloc : memref<!tpu.dma_semaphore, #tpu.memory_space<semaphore_mem>>
        %dma_start3A_45 = arith.constant 9984 : i32
        %dma_start3A_46 = arith.constant 0 : i32
        %dma_start3A_47 = tpu.memref_slice %arg5[%arg0, %dma_start3A_45, %dma_start3A_46] : memref<2x10000x144xf32, #tpu.memory_space<hbm>> -> memref<1x16x144xf32, #tpu.memory_space<hbm>>
        %dma_start3A_48 = tpu.memref_squeeze %dma_start3A_47 : memref<1x16x144xf32, #tpu.memory_space<hbm>> -> memref<16x144xf32, #tpu.memory_space<hbm>>
        %dma_start3A_49 = arith.constant 9984 : i32
        %dma_start3A_50 = arith.constant 0 : i32
        %dma_start3A_51 = tpu.memref_slice %arg16[%dma_start3A_49, %dma_start3A_50] : memref<10000x144xf32, #tpu.memory_space<vmem_shared>> -> memref<16x144xf32, #tpu.memory_space<vmem_shared>>
        tpu.enqueue_dma source(%dma_start3A_51 : memref<16x144xf32, #tpu.memory_space<vmem_shared>>) target(%dma_start3A_48 : memref<16x144xf32, #tpu.memory_space<hbm>>) target_semaphore(%run_scoped3A : memref<!tpu.dma_semaphore, #tpu.memory_space<semaphore_mem>>)
        %dma_wait3A = arith.constant 9984 : i32
        %dma_wait3A_52 = arith.constant 0 : i32
        %dma_wait3A_53 = tpu.memref_slice %arg5[%arg0, %dma_wait3A, %dma_wait3A_52] : memref<2x10000x144xf32, #tpu.memory_space<hbm>> -> memref<1x16x144xf32, #tpu.memory_space<hbm>>
        %dma_wait3A_54 = tpu.memref_squeeze %dma_wait3A_53 : memref<1x16x144xf32, #tpu.memory_space<hbm>> -> memref<16x144xf32, #tpu.memory_space<hbm>>
        %dma_wait3A_55 = arith.constant 9984 : i32
        %dma_wait3A_56 = arith.constant 0 : i32
        %dma_wait3A_57 = tpu.memref_slice %arg16[%dma_wait3A_55, %dma_wait3A_56] : memref<10000x144xf32, #tpu.memory_space<vmem_shared>> -> memref<16x144xf32, #tpu.memory_space<vmem_shared>>
        tpu.wait_dma2 semaphore(%run_scoped3A : memref<!tpu.dma_semaphore, #tpu.memory_space<semaphore_mem>>) src(%dma_wait3A_57 : memref<16x144xf32, #tpu.memory_space<vmem_shared>>) dst(%dma_wait3A_54 : memref<16x144xf32, #tpu.memory_space<hbm>>)
        tpu.yield
      }) : () -> ()
    } else {
    }
    return
  }
}

#map = affine_map<(d0, d1) -> (0, 0)>
#map1 = affine_map<(d0, d1) -> (0)>
#map2 = affine_map<(d0, d1) -> (0, 0, 0)>
module attributes {stable_mosaic.version = 14 : i64} {
  func.func @_edge_body(%arg0: i32, %arg1: i32, %arg2: memref<10000x80xf32, #tpu.memory_space<hbm>>, %arg3: memref<10000x16xf32, #tpu.memory_space<hbm>>, %arg4: memref<663552xi32, #tpu.memory_space<hbm>>, %arg5: memref<2x10000x80xf32, #tpu.memory_space<hbm>>, %arg6: memref<2x192xi32, #tpu.memory_space<vmem>>, %arg7: memref<2x96xi32, #tpu.memory_space<vmem>>, %arg8: memref<2x96xi32, #tpu.memory_space<vmem>>, %arg9: memref<2x96xi32, #tpu.memory_space<vmem>>, %arg10: memref<96xf32, #tpu.memory_space<vmem>>, %arg11: memref<2x96x80xf32, #tpu.memory_space<vmem>>, %arg12: memref<2x96x16xf32, #tpu.memory_space<vmem>>, %arg13: memref<2x!tpu.dma_semaphore, #tpu.memory_space<semaphore_mem>>, %arg14: memref<2x!tpu.dma_semaphore, #tpu.memory_space<semaphore_mem>>, %arg15: memref<2x!tpu.dma_semaphore, #tpu.memory_space<semaphore_mem>>, %arg16: memref<10000x80xf32, #tpu.memory_space<vmem_shared>>) attributes {dimension_semantics = [#tpu.dimension_semantics<core_parallel>, #tpu.dimension_semantics<subcore_parallel>], iteration_bounds = array<i64: 2, 16>, scalar_prefetch = 0 : i64, scratch_operands = 11 : i64, tpu.core_type = #tpu.core_type<sc_vector_subcore>, window_params = [{transform_indices = #map}, {transform_indices = #map}, {transform_indices = #map1}, {transform_indices = #map2}]} {
    %broadcast_in_dim3A = arith.constant 0.000000e+00 : f32
    %broadcast_in_dim3A_0 = vector.broadcast %broadcast_in_dim3A : f32 to vector<16xf32>
    %scan3A = arith.constant 0 : i32
    %scan3A_1 = arith.constant 0 : i32
    %scan3A_2 = arith.constant 96 : i32
    %scan3A_3 = arith.addi %scan3A_1, %scan3A_2 : i32
    %scan3A_4 = arith.constant 1 : i32
    scf.for %scan3A_46 = %scan3A_1 to %scan3A_3 step %scan3A_4  : i32 {
      %swap3A = arith.constant 0 : i32
      %swap3A_47 = arith.index_cast %swap3A : i32 to index
      %swap3A_48 = arith.index_cast %scan3A_46 : i32 to index
      %swap3A_49 = arith.constant 0 : index
      %swap3A_50 = tpu.vector_load %arg11[%swap3A_47, %swap3A_48, %swap3A_49] {strides = array<i32>} : memref<2x96x80xf32, #tpu.memory_space<vmem>>, vector<16xf32>,
      tpu.vector_store %arg11[%swap3A_47, %swap3A_48, %swap3A_49], %broadcast_in_dim3A_0 {strides = array<i32>} : memref<2x96x80xf32, #tpu.memory_space<vmem>>, vector<16xf32>,
      %swap3A_51 = arith.constant 0 : i32
      %swap3A_52 = arith.index_cast %swap3A_51 : i32 to index
      %swap3A_53 = arith.index_cast %scan3A_46 : i32 to index
      %swap3A_54 = arith.constant 16 : index
      %swap3A_55 = tpu.vector_load %arg11[%swap3A_52, %swap3A_53, %swap3A_54] {strides = array<i32>} : memref<2x96x80xf32, #tpu.memory_space<vmem>>, vector<16xf32>,
      tpu.vector_store %arg11[%swap3A_52, %swap3A_53, %swap3A_54], %broadcast_in_dim3A_0 {strides = array<i32>} : memref<2x96x80xf32, #tpu.memory_space<vmem>>, vector<16xf32>,
      %swap3A_56 = arith.constant 0 : i32
      %swap3A_57 = arith.index_cast %swap3A_56 : i32 to index
      %swap3A_58 = arith.index_cast %scan3A_46 : i32 to index
      %swap3A_59 = arith.constant 32 : index
      %swap3A_60 = tpu.vector_load %arg11[%swap3A_57, %swap3A_58, %swap3A_59] {strides = array<i32>} : memref<2x96x80xf32, #tpu.memory_space<vmem>>, vector<16xf32>,
      tpu.vector_store %arg11[%swap3A_57, %swap3A_58, %swap3A_59], %broadcast_in_dim3A_0 {strides = array<i32>} : memref<2x96x80xf32, #tpu.memory_space<vmem>>, vector<16xf32>,
      %swap3A_61 = arith.constant 0 : i32
      %swap3A_62 = arith.index_cast %swap3A_61 : i32 to index
      %swap3A_63 = arith.index_cast %scan3A_46 : i32 to index
      %swap3A_64 = arith.constant 48 : index
      %swap3A_65 = tpu.vector_load %arg11[%swap3A_62, %swap3A_63, %swap3A_64] {strides = array<i32>} : memref<2x96x80xf32, #tpu.memory_space<vmem>>, vector<16xf32>,
      tpu.vector_store %arg11[%swap3A_62, %swap3A_63, %swap3A_64], %broadcast_in_dim3A_0 {strides = array<i32>} : memref<2x96x80xf32, #tpu.memory_space<vmem>>, vector<16xf32>,
      %swap3A_66 = arith.constant 0 : i32
      %swap3A_67 = arith.index_cast %swap3A_66 : i32 to index
      %swap3A_68 = arith.index_cast %scan3A_46 : i32 to index
      %swap3A_69 = arith.constant 64 : index
      %swap3A_70 = tpu.vector_load %arg11[%swap3A_67, %swap3A_68, %swap3A_69] {strides = array<i32>} : memref<2x96x80xf32, #tpu.memory_space<vmem>>, vector<16xf32>,
      tpu.vector_store %arg11[%swap3A_67, %swap3A_68, %swap3A_69], %broadcast_in_dim3A_0 {strides = array<i32>} : memref<2x96x80xf32, #tpu.memory_space<vmem>>, vector<16xf32>,
    }
    %scan3A_5 = arith.constant 96 : i32
    %mul3A = arith.constant 624 : i32
    %mul3A_6 = arith.muli %arg1, %mul3A : i32
    %scan3A_7 = arith.constant 0 : i32
    %scan3A_8 = arith.constant 0 : i32
    %scan3A_9 = arith.constant 13 : i32
    %scan3A_10 = arith.addi %scan3A_8, %scan3A_9 : i32
    %scan3A_11 = arith.constant 1 : i32
    scf.for %scan3A_46 = %scan3A_8 to %scan3A_10 step %scan3A_11  : i32 {
      %mul3A_47 = arith.constant 48 : i32
      %mul3A_48 = arith.muli %scan3A_46, %mul3A_47 : i32
      %add3A_49 = arith.addi %mul3A_6, %mul3A_48 : i32
      %run_scoped3A = arith.constant 0 : i32
      "tpu.region"() ({
        %run_scoped3A_50 = tpu.sem_alloc : memref<!tpu.dma_semaphore, #tpu.memory_space<semaphore_mem>>
        %dma_start3A_51 = arith.constant 0 : i32
        %dma_start3A_52 = arith.constant 0 : i32
        %dma_start3A_53 = tpu.memref_slice %arg11[%run_scoped3A, %dma_start3A_51, %dma_start3A_52] : memref<2x96x80xf32, #tpu.memory_space<vmem>> -> memref<1x48x80xf32, #tpu.memory_space<vmem>>
        %dma_start3A_54 = tpu.memref_squeeze %dma_start3A_53 : memref<1x48x80xf32, #tpu.memory_space<vmem>> -> memref<48x80xf32, #tpu.memory_space<vmem>>
        %dma_start3A_55 = arith.constant 0 : i32
        %dma_start3A_56 = tpu.memref_slice %arg16[%add3A_49, %dma_start3A_55] : memref<10000x80xf32, #tpu.memory_space<vmem_shared>> -> memref<48x80xf32, #tpu.memory_space<vmem_shared>>
        %dma_start3A_57 = arith.constant 0 : i32
        %dma_start3A_58 = tpu.memref_slice %arg16[%add3A_49, %dma_start3A_57] : memref<10000x80xf32, #tpu.memory_space<vmem_shared>> -> memref<48x80xf32, #tpu.memory_space<vmem_shared>>
        %dma_start3A_59 = arith.constant 0 : i32
        %dma_start3A_60 = arith.constant 0 : i32
        %dma_start3A_61 = tpu.memref_slice %arg11[%run_scoped3A, %dma_start3A_59, %dma_start3A_60] : memref<2x96x80xf32, #tpu.memory_space<vmem>> -> memref<1x48x80xf32, #tpu.memory_space<vmem>>
        %dma_start3A_62 = tpu.memref_squeeze %dma_start3A_61 : memref<1x48x80xf32, #tpu.memory_space<vmem>> -> memref<48x80xf32, #tpu.memory_space<vmem>>
        tpu.enqueue_dma source(%dma_start3A_62 : memref<48x80xf32, #tpu.memory_space<vmem>>) target(%dma_start3A_58 : memref<48x80xf32, #tpu.memory_space<vmem_shared>>) target_semaphore(%run_scoped3A_50 : memref<!tpu.dma_semaphore, #tpu.memory_space<semaphore_mem>>)
        %dma_wait3A = arith.constant 0 : i32
        %dma_wait3A_63 = arith.constant 0 : i32
        %dma_wait3A_64 = tpu.memref_slice %arg11[%run_scoped3A, %dma_wait3A, %dma_wait3A_63] : memref<2x96x80xf32, #tpu.memory_space<vmem>> -> memref<1x48x80xf32, #tpu.memory_space<vmem>>
        %dma_wait3A_65 = tpu.memref_squeeze %dma_wait3A_64 : memref<1x48x80xf32, #tpu.memory_space<vmem>> -> memref<48x80xf32, #tpu.memory_space<vmem>>
        %dma_wait3A_66 = arith.constant 0 : i32
        %dma_wait3A_67 = tpu.memref_slice %arg16[%add3A_49, %dma_wait3A_66] : memref<10000x80xf32, #tpu.memory_space<vmem_shared>> -> memref<48x80xf32, #tpu.memory_space<vmem_shared>>
        %dma_wait3A_68 = arith.constant 0 : i32
        %dma_wait3A_69 = tpu.memref_slice %arg16[%add3A_49, %dma_wait3A_68] : memref<10000x80xf32, #tpu.memory_space<vmem_shared>> -> memref<48x80xf32, #tpu.memory_space<vmem_shared>>
        %dma_wait3A_70 = arith.constant 0 : i32
        %dma_wait3A_71 = arith.constant 0 : i32
        %dma_wait3A_72 = tpu.memref_slice %arg11[%run_scoped3A, %dma_wait3A_70, %dma_wait3A_71] : memref<2x96x80xf32, #tpu.memory_space<vmem>> -> memref<1x48x80xf32, #tpu.memory_space<vmem>>
        %dma_wait3A_73 = tpu.memref_squeeze %dma_wait3A_72 : memref<1x48x80xf32, #tpu.memory_space<vmem>> -> memref<48x80xf32, #tpu.memory_space<vmem>>
        tpu.wait_dma2 semaphore(%run_scoped3A_50 : memref<!tpu.dma_semaphore, #tpu.memory_space<semaphore_mem>>) src(%dma_wait3A_73 : memref<48x80xf32, #tpu.memory_space<vmem>>) dst(%dma_wait3A_69 : memref<48x80xf32, #tpu.memory_space<vmem_shared>>)
        tpu.yield
      }) : () -> ()
    }
    %scan3A_12 = arith.constant 13 : i32
    %eq3A = arith.constant 15 : i32
    %eq3A_13 = arith.cmpi eq, %arg1, %eq3A : i32
    %convert_element_type3A = arith.extui %eq3A_13 : i1 to i32
    %cond3A = arith.constant 0 : i32
    %cond3A_14 = arith.cmpi ne, %convert_element_type3A, %cond3A : i32
    scf.if %cond3A_14 {
      %run_scoped3A = arith.constant 0 : i32
      "tpu.region"() ({
        %run_scoped3A_46 = tpu.sem_alloc : memref<!tpu.dma_semaphore, #tpu.memory_space<semaphore_mem>>
        %dma_start3A_47 = arith.constant 0 : i32
        %dma_start3A_48 = arith.constant 0 : i32
        %dma_start3A_49 = tpu.memref_slice %arg11[%run_scoped3A, %dma_start3A_47, %dma_start3A_48] : memref<2x96x80xf32, #tpu.memory_space<vmem>> -> memref<1x16x80xf32, #tpu.memory_space<vmem>>
        %dma_start3A_50 = tpu.memref_squeeze %dma_start3A_49 : memref<1x16x80xf32, #tpu.memory_space<vmem>> -> memref<16x80xf32, #tpu.memory_space<vmem>>
        %dma_start3A_51 = arith.constant 9984 : i32
        %dma_start3A_52 = arith.constant 0 : i32
        %dma_start3A_53 = tpu.memref_slice %arg16[%dma_start3A_51, %dma_start3A_52] : memref<10000x80xf32, #tpu.memory_space<vmem_shared>> -> memref<16x80xf32, #tpu.memory_space<vmem_shared>>
        %dma_start3A_54 = arith.constant 9984 : i32
        %dma_start3A_55 = arith.constant 0 : i32
        %dma_start3A_56 = tpu.memref_slice %arg16[%dma_start3A_54, %dma_start3A_55] : memref<10000x80xf32, #tpu.memory_space<vmem_shared>> -> memref<16x80xf32, #tpu.memory_space<vmem_shared>>
        %dma_start3A_57 = arith.constant 0 : i32
        %dma_start3A_58 = arith.constant 0 : i32
        %dma_start3A_59 = tpu.memref_slice %arg11[%run_scoped3A, %dma_start3A_57, %dma_start3A_58] : memref<2x96x80xf32, #tpu.memory_space<vmem>> -> memref<1x16x80xf32, #tpu.memory_space<vmem>>
        %dma_start3A_60 = tpu.memref_squeeze %dma_start3A_59 : memref<1x16x80xf32, #tpu.memory_space<vmem>> -> memref<16x80xf32, #tpu.memory_space<vmem>>
        tpu.enqueue_dma source(%dma_start3A_60 : memref<16x80xf32, #tpu.memory_space<vmem>>) target(%dma_start3A_56 : memref<16x80xf32, #tpu.memory_space<vmem_shared>>) target_semaphore(%run_scoped3A_46 : memref<!tpu.dma_semaphore, #tpu.memory_space<semaphore_mem>>)
        %dma_wait3A = arith.constant 0 : i32
        %dma_wait3A_61 = arith.constant 0 : i32
        %dma_wait3A_62 = tpu.memref_slice %arg11[%run_scoped3A, %dma_wait3A, %dma_wait3A_61] : memref<2x96x80xf32, #tpu.memory_space<vmem>> -> memref<1x16x80xf32, #tpu.memory_space<vmem>>
        %dma_wait3A_63 = tpu.memref_squeeze %dma_wait3A_62 : memref<1x16x80xf32, #tpu.memory_space<vmem>> -> memref<16x80xf32, #tpu.memory_space<vmem>>
        %dma_wait3A_64 = arith.constant 9984 : i32
        %dma_wait3A_65 = arith.constant 0 : i32
        %dma_wait3A_66 = tpu.memref_slice %arg16[%dma_wait3A_64, %dma_wait3A_65] : memref<10000x80xf32, #tpu.memory_space<vmem_shared>> -> memref<16x80xf32, #tpu.memory_space<vmem_shared>>
        %dma_wait3A_67 = arith.constant 9984 : i32
        %dma_wait3A_68 = arith.constant 0 : i32
        %dma_wait3A_69 = tpu.memref_slice %arg16[%dma_wait3A_67, %dma_wait3A_68] : memref<10000x80xf32, #tpu.memory_space<vmem_shared>> -> memref<16x80xf32, #tpu.memory_space<vmem_shared>>
        %dma_wait3A_70 = arith.constant 0 : i32
        %dma_wait3A_71 = arith.constant 0 : i32
        %dma_wait3A_72 = tpu.memref_slice %arg11[%run_scoped3A, %dma_wait3A_70, %dma_wait3A_71] : memref<2x96x80xf32, #tpu.memory_space<vmem>> -> memref<1x16x80xf32, #tpu.memory_space<vmem>>
        %dma_wait3A_73 = tpu.memref_squeeze %dma_wait3A_72 : memref<1x16x80xf32, #tpu.memory_space<vmem>> -> memref<16x80xf32, #tpu.memory_space<vmem>>
        tpu.wait_dma2 semaphore(%run_scoped3A_46 : memref<!tpu.dma_semaphore, #tpu.memory_space<semaphore_mem>>) src(%dma_wait3A_73 : memref<16x80xf32, #tpu.memory_space<vmem>>) dst(%dma_wait3A_69 : memref<16x80xf32, #tpu.memory_space<vmem_shared>>)
        tpu.yield
      }) : () -> ()
    } else {
    }
    %barrier3A = arith.constant 0 : index
    tpu.barrier barrier_id(%barrier3A)
    %mul3A_15 = arith.constant 16 : i32
    %mul3A_16 = arith.muli %arg0, %mul3A_15 : i32
    %add3A = arith.addi %mul3A_16, %arg1 : i32
    %mul3A_17 = arith.constant 108 : i32
    %mul3A_18 = arith.muli %add3A, %mul3A_17 : i32
    %iota3A = tpu.iota {dimensions = array<i32: 0>} : vector<16xi32>
    %add3A_19 = arith.constant 0 : i32
    %add3A_20 = arith.addi %mul3A_18, %add3A_19 : i32
    %mul3A_21 = arith.constant 192 : i32
    %mul3A_22 = arith.muli %add3A_20, %mul3A_21 : i32
    %dma_start3A = arith.constant 0 : i32
    %dma_start3A_23 = arith.constant 0 : i32
    %dma_start3A_24 = arith.constant 0 : i32
    %dma_start3A_25 = tpu.memref_slice %arg6[%dma_start3A, %dma_start3A_24] : memref<2x192xi32, #tpu.memory_space<vmem>> -> memref<1x192xi32, #tpu.memory_space<vmem>>
    %dma_start3A_26 = tpu.memref_squeeze %dma_start3A_25 : memref<1x192xi32, #tpu.memory_space<vmem>> -> memref<192xi32, #tpu.memory_space<vmem>>
    %dma_start3A_27 = tpu.memref_slice %arg4[%mul3A_22] : memref<663552xi32, #tpu.memory_space<hbm>> -> memref<192xi32, #tpu.memory_space<hbm>>
    %dma_start3A_28 = tpu.memref_slice %arg13[%dma_start3A_23] : memref<2x!tpu.dma_semaphore, #tpu.memory_space<semaphore_mem>> -> memref<1x!tpu.dma_semaphore, #tpu.memory_space<semaphore_mem>>
    %dma_start3A_29 = tpu.memref_squeeze %dma_start3A_28 : memref<1x!tpu.dma_semaphore, #tpu.memory_space<semaphore_mem>> -> memref<!tpu.dma_semaphore, #tpu.memory_space<semaphore_mem>>
    %dma_start3A_30 = arith.constant 0 : i32
    %dma_start3A_31 = tpu.memref_slice %arg6[%dma_start3A, %dma_start3A_30] : memref<2x192xi32, #tpu.memory_space<vmem>> -> memref<1x192xi32, #tpu.memory_space<vmem>>
    %dma_start3A_32 = tpu.memref_squeeze %dma_start3A_31 : memref<1x192xi32, #tpu.memory_space<vmem>> -> memref<192xi32, #tpu.memory_space<vmem>>
    %dma_start3A_33 = tpu.memref_slice %arg4[%mul3A_22] : memref<663552xi32, #tpu.memory_space<hbm>> -> memref<192xi32, #tpu.memory_space<hbm>>
    tpu.enqueue_dma source(%dma_start3A_33 : memref<192xi32, #tpu.memory_space<hbm>>) target(%dma_start3A_32 : memref<192xi32, #tpu.memory_space<vmem>>) target_semaphore(%dma_start3A_29 : memref<!tpu.dma_semaphore, #tpu.memory_space<semaphore_mem>>)
    %scan3A_34 = arith.constant 0 : i32
    %scan3A_35 = arith.constant 0 : i32
    %scan3A_36 = arith.constant 109 : i32
    %scan3A_37 = arith.addi %scan3A_35, %scan3A_36 : i32
    %scan3A_38 = arith.constant 1 : i32
    scf.for %scan3A_46 = %scan3A_35 to %scan3A_37 step %scan3A_38  : i32 {
      %jit3A = arith.constant 2 : i32
      %eq3A_47 = arith.constant 0 : i32
      %eq3A_48 = arith.cmpi eq, %jit3A, %eq3A_47 : i32
      %jit3A_49 = arith.constant 1 : i32
      %select_n3A = arith.select %eq3A_48, %jit3A_49, %jit3A : i32
      %rem3A = arith.remsi %scan3A_46, %select_n3A : i32
      %ne3A = arith.constant 0 : i32
      %ne3A_50 = arith.cmpi ne, %rem3A, %ne3A : i32
      %lt3A = arith.constant 0 : i32
      %lt3A_51 = arith.cmpi slt, %rem3A, %lt3A : i32
      %lt3A_52 = arith.constant 0 : i32
      %lt3A_53 = arith.cmpi slt, %select_n3A, %lt3A_52 : i32
      %ne3A_54 = arith.xori %lt3A_51, %lt3A_53 : i1
      %and3A = arith.andi %ne3A_54, %ne3A_50 : i1
      %add3A_55 = arith.addi %rem3A, %select_n3A : i32
      %select_n3A_56 = arith.select %and3A, %add3A_55, %rem3A : i32
      %sub3A = arith.constant 1 : i32
      %sub3A_57 = arith.subi %sub3A, %select_n3A_56 : i32
      %lt3A_58 = arith.constant 108 : i32
      %lt3A_59 = arith.cmpi slt, %scan3A_46, %lt3A_58 : i32
      %convert_element_type3A_60 = arith.extui %lt3A_59 : i1 to i32
      %cond3A_61 = arith.constant 0 : i32
      %cond3A_62 = arith.cmpi ne, %convert_element_type3A_60, %cond3A_61 : i32
      scf.if %cond3A_62 {
        %add3A_67 = arith.addi %mul3A_18, %scan3A_46 : i32
        %mul3A_68 = arith.constant 192 : i32
        %mul3A_69 = arith.muli %add3A_67, %mul3A_68 : i32
        %dma_wait3A = arith.constant 0 : i32
        %dma_wait3A_70 = tpu.memref_slice %arg6[%select_n3A_56, %dma_wait3A] : memref<2x192xi32, #tpu.memory_space<vmem>> -> memref<1x192xi32, #tpu.memory_space<vmem>>
        %dma_wait3A_71 = tpu.memref_squeeze %dma_wait3A_70 : memref<1x192xi32, #tpu.memory_space<vmem>> -> memref<192xi32, #tpu.memory_space<vmem>>
        %dma_wait3A_72 = tpu.memref_slice %arg4[%mul3A_69] : memref<663552xi32, #tpu.memory_space<hbm>> -> memref<192xi32, #tpu.memory_space<hbm>>
        %dma_wait3A_73 = tpu.memref_slice %arg13[%select_n3A_56] : memref<2x!tpu.dma_semaphore, #tpu.memory_space<semaphore_mem>> -> memref<1x!tpu.dma_semaphore, #tpu.memory_space<semaphore_mem>>
        %dma_wait3A_74 = tpu.memref_squeeze %dma_wait3A_73 : memref<1x!tpu.dma_semaphore, #tpu.memory_space<semaphore_mem>> -> memref<!tpu.dma_semaphore, #tpu.memory_space<semaphore_mem>>
        %dma_wait3A_75 = arith.constant 0 : i32
        %dma_wait3A_76 = tpu.memref_slice %arg6[%select_n3A_56, %dma_wait3A_75] : memref<2x192xi32, #tpu.memory_space<vmem>> -> memref<1x192xi32, #tpu.memory_space<vmem>>
        %dma_wait3A_77 = tpu.memref_squeeze %dma_wait3A_76 : memref<1x192xi32, #tpu.memory_space<vmem>> -> memref<192xi32, #tpu.memory_space<vmem>>
        %dma_wait3A_78 = tpu.memref_slice %arg4[%mul3A_69] : memref<663552xi32, #tpu.memory_space<hbm>> -> memref<192xi32, #tpu.memory_space<hbm>>
        tpu.wait_dma2 semaphore(%dma_wait3A_74 : memref<!tpu.dma_semaphore, #tpu.memory_space<semaphore_mem>>) src(%dma_wait3A_78 : memref<192xi32, #tpu.memory_space<hbm>>) dst(%dma_wait3A_77 : memref<192xi32, #tpu.memory_space<vmem>>)
        %get3A = arith.index_cast %select_n3A_56 : i32 to index
        %get3A_79 = arith.constant 0 : index
        %get3A_80 = tpu.vector_load %arg6[%get3A, %get3A_79] {strides = array<i32>} : memref<2x192xi32, #tpu.memory_space<vmem>>, vector<16xi32>,
        %get3A_81 = arith.index_cast %select_n3A_56 : i32 to index
        %get3A_82 = arith.constant 96 : index
        %get3A_83 = tpu.vector_load %arg6[%get3A_81, %get3A_82] {strides = array<i32>} : memref<2x192xi32, #tpu.memory_space<vmem>>, vector<16xi32>,
        %add3A_84 = arith.constant 0 : i32
        %add3A_85 = vector.broadcast %add3A_84 : i32 to vector<16xi32>
        %add3A_86 = arith.addi %get3A_80, %add3A_85 : vector<16xi32>
        %swap3A = arith.index_cast %select_n3A_56 : i32 to index
        %swap3A_87 = arith.constant 0 : index
        %swap3A_88 = tpu.vector_load %arg7[%swap3A, %swap3A_87] {strides = array<i32>} : memref<2x96xi32, #tpu.memory_space<vmem>>, vector<16xi32>,
        tpu.vector_store %arg7[%swap3A, %swap3A_87], %add3A_86 {strides = array<i32>} : memref<2x96xi32, #tpu.memory_space<vmem>>, vector<16xi32>,
        %add3A_89 = arith.constant 0 : i32
        %add3A_90 = vector.broadcast %add3A_89 : i32 to vector<16xi32>
        %add3A_91 = arith.addi %get3A_83, %add3A_90 : vector<16xi32>
        %swap3A_92 = arith.index_cast %select_n3A_56 : i32 to index
        %swap3A_93 = arith.constant 0 : index
        %swap3A_94 = tpu.vector_load %arg8[%swap3A_92, %swap3A_93] {strides = array<i32>} : memref<2x96xi32, #tpu.memory_space<vmem>>, vector<16xi32>,
        tpu.vector_store %arg8[%swap3A_92, %swap3A_93], %add3A_91 {strides = array<i32>} : memref<2x96xi32, #tpu.memory_space<vmem>>, vector<16xi32>,
        %swap3A_95 = arith.index_cast %select_n3A_56 : i32 to index
        %swap3A_96 = arith.constant 0 : index
        %swap3A_97 = tpu.vector_load %arg9[%swap3A_95, %swap3A_96] {strides = array<i32>} : memref<2x96xi32, #tpu.memory_space<vmem>>, vector<16xi32>,
        tpu.vector_store %arg9[%swap3A_95, %swap3A_96], %get3A_83 {strides = array<i32>} : memref<2x96xi32, #tpu.memory_space<vmem>>, vector<16xi32>,
        %get3A_98 = arith.index_cast %select_n3A_56 : i32 to index
        %get3A_99 = arith.constant 16 : index
        %get3A_100 = tpu.vector_load %arg6[%get3A_98, %get3A_99] {strides = array<i32>} : memref<2x192xi32, #tpu.memory_space<vmem>>, vector<16xi32>,
        %get3A_101 = arith.index_cast %select_n3A_56 : i32 to index
        %get3A_102 = arith.constant 112 : index
        %get3A_103 = tpu.vector_load %arg6[%get3A_101, %get3A_102] {strides = array<i32>} : memref<2x192xi32, #tpu.memory_space<vmem>>, vector<16xi32>,
        %add3A_104 = arith.constant 0 : i32
        %add3A_105 = vector.broadcast %add3A_104 : i32 to vector<16xi32>
        %add3A_106 = arith.addi %get3A_100, %add3A_105 : vector<16xi32>
        %swap3A_107 = arith.index_cast %select_n3A_56 : i32 to index
        %swap3A_108 = arith.constant 16 : index
        %swap3A_109 = tpu.vector_load %arg7[%swap3A_107, %swap3A_108] {strides = array<i32>} : memref<2x96xi32, #tpu.memory_space<vmem>>, vector<16xi32>,
        tpu.vector_store %arg7[%swap3A_107, %swap3A_108], %add3A_106 {strides = array<i32>} : memref<2x96xi32, #tpu.memory_space<vmem>>, vector<16xi32>,
        %add3A_110 = arith.constant 0 : i32
        %add3A_111 = vector.broadcast %add3A_110 : i32 to vector<16xi32>
        %add3A_112 = arith.addi %get3A_103, %add3A_111 : vector<16xi32>
        %swap3A_113 = arith.index_cast %select_n3A_56 : i32 to index
        %swap3A_114 = arith.constant 16 : index
        %swap3A_115 = tpu.vector_load %arg8[%swap3A_113, %swap3A_114] {strides = array<i32>} : memref<2x96xi32, #tpu.memory_space<vmem>>, vector<16xi32>,
        tpu.vector_store %arg8[%swap3A_113, %swap3A_114], %add3A_112 {strides = array<i32>} : memref<2x96xi32, #tpu.memory_space<vmem>>, vector<16xi32>,
        %swap3A_116 = arith.index_cast %select_n3A_56 : i32 to index
        %swap3A_117 = arith.constant 16 : index
        %swap3A_118 = tpu.vector_load %arg9[%swap3A_116, %swap3A_117] {strides = array<i32>} : memref<2x96xi32, #tpu.memory_space<vmem>>, vector<16xi32>,
        tpu.vector_store %arg9[%swap3A_116, %swap3A_117], %get3A_103 {strides = array<i32>} : memref<2x96xi32, #tpu.memory_space<vmem>>, vector<16xi32>,
        %get3A_119 = arith.index_cast %select_n3A_56 : i32 to index
        %get3A_120 = arith.constant 32 : index
        %get3A_121 = tpu.vector_load %arg6[%get3A_119, %get3A_120] {strides = array<i32>} : memref<2x192xi32, #tpu.memory_space<vmem>>, vector<16xi32>,
        %get3A_122 = arith.index_cast %select_n3A_56 : i32 to index
        %get3A_123 = arith.constant 128 : index
        %get3A_124 = tpu.vector_load %arg6[%get3A_122, %get3A_123] {strides = array<i32>} : memref<2x192xi32, #tpu.memory_space<vmem>>, vector<16xi32>,
        %add3A_125 = arith.constant 0 : i32
        %add3A_126 = vector.broadcast %add3A_125 : i32 to vector<16xi32>
        %add3A_127 = arith.addi %get3A_121, %add3A_126 : vector<16xi32>
        %swap3A_128 = arith.index_cast %select_n3A_56 : i32 to index
        %swap3A_129 = arith.constant 32 : index
        %swap3A_130 = tpu.vector_load %arg7[%swap3A_128, %swap3A_129] {strides = array<i32>} : memref<2x96xi32, #tpu.memory_space<vmem>>, vector<16xi32>,
        tpu.vector_store %arg7[%swap3A_128, %swap3A_129], %add3A_127 {strides = array<i32>} : memref<2x96xi32, #tpu.memory_space<vmem>>, vector<16xi32>,
        %add3A_131 = arith.constant 0 : i32
        %add3A_132 = vector.broadcast %add3A_131 : i32 to vector<16xi32>
        %add3A_133 = arith.addi %get3A_124, %add3A_132 : vector<16xi32>
        %swap3A_134 = arith.index_cast %select_n3A_56 : i32 to index
        %swap3A_135 = arith.constant 32 : index
        %swap3A_136 = tpu.vector_load %arg8[%swap3A_134, %swap3A_135] {strides = array<i32>} : memref<2x96xi32, #tpu.memory_space<vmem>>, vector<16xi32>,
        tpu.vector_store %arg8[%swap3A_134, %swap3A_135], %add3A_133 {strides = array<i32>} : memref<2x96xi32, #tpu.memory_space<vmem>>, vector<16xi32>,
        %swap3A_137 = arith.index_cast %select_n3A_56 : i32 to index
        %swap3A_138 = arith.constant 32 : index
        %swap3A_139 = tpu.vector_load %arg9[%swap3A_137, %swap3A_138] {strides = array<i32>} : memref<2x96xi32, #tpu.memory_space<vmem>>, vector<16xi32>,
        tpu.vector_store %arg9[%swap3A_137, %swap3A_138], %get3A_124 {strides = array<i32>} : memref<2x96xi32, #tpu.memory_space<vmem>>, vector<16xi32>,
        %get3A_140 = arith.index_cast %select_n3A_56 : i32 to index
        %get3A_141 = arith.constant 48 : index
        %get3A_142 = tpu.vector_load %arg6[%get3A_140, %get3A_141] {strides = array<i32>} : memref<2x192xi32, #tpu.memory_space<vmem>>, vector<16xi32>,
        %get3A_143 = arith.index_cast %select_n3A_56 : i32 to index
        %get3A_144 = arith.constant 144 : index
        %get3A_145 = tpu.vector_load %arg6[%get3A_143, %get3A_144] {strides = array<i32>} : memref<2x192xi32, #tpu.memory_space<vmem>>, vector<16xi32>,
        %add3A_146 = arith.constant 0 : i32
        %add3A_147 = vector.broadcast %add3A_146 : i32 to vector<16xi32>
        %add3A_148 = arith.addi %get3A_142, %add3A_147 : vector<16xi32>
        %swap3A_149 = arith.index_cast %select_n3A_56 : i32 to index
        %swap3A_150 = arith.constant 48 : index
        %swap3A_151 = tpu.vector_load %arg7[%swap3A_149, %swap3A_150] {strides = array<i32>} : memref<2x96xi32, #tpu.memory_space<vmem>>, vector<16xi32>,
        tpu.vector_store %arg7[%swap3A_149, %swap3A_150], %add3A_148 {strides = array<i32>} : memref<2x96xi32, #tpu.memory_space<vmem>>, vector<16xi32>,
        %add3A_152 = arith.constant 0 : i32
        %add3A_153 = vector.broadcast %add3A_152 : i32 to vector<16xi32>
        %add3A_154 = arith.addi %get3A_145, %add3A_153 : vector<16xi32>
        %swap3A_155 = arith.index_cast %select_n3A_56 : i32 to index
        %swap3A_156 = arith.constant 48 : index
        %swap3A_157 = tpu.vector_load %arg8[%swap3A_155, %swap3A_156] {strides = array<i32>} : memref<2x96xi32, #tpu.memory_space<vmem>>, vector<16xi32>,
        tpu.vector_store %arg8[%swap3A_155, %swap3A_156], %add3A_154 {strides = array<i32>} : memref<2x96xi32, #tpu.memory_space<vmem>>, vector<16xi32>,
        %swap3A_158 = arith.index_cast %select_n3A_56 : i32 to index
        %swap3A_159 = arith.constant 48 : index
        %swap3A_160 = tpu.vector_load %arg9[%swap3A_158, %swap3A_159] {strides = array<i32>} : memref<2x96xi32, #tpu.memory_space<vmem>>, vector<16xi32>,
        tpu.vector_store %arg9[%swap3A_158, %swap3A_159], %get3A_145 {strides = array<i32>} : memref<2x96xi32, #tpu.memory_space<vmem>>, vector<16xi32>,
        %get3A_161 = arith.index_cast %select_n3A_56 : i32 to index
        %get3A_162 = arith.constant 64 : index
        %get3A_163 = tpu.vector_load %arg6[%get3A_161, %get3A_162] {strides = array<i32>} : memref<2x192xi32, #tpu.memory_space<vmem>>, vector<16xi32>,
        %get3A_164 = arith.index_cast %select_n3A_56 : i32 to index
        %get3A_165 = arith.constant 160 : index
        %get3A_166 = tpu.vector_load %arg6[%get3A_164, %get3A_165] {strides = array<i32>} : memref<2x192xi32, #tpu.memory_space<vmem>>, vector<16xi32>,
        %add3A_167 = arith.constant 0 : i32
        %add3A_168 = vector.broadcast %add3A_167 : i32 to vector<16xi32>
        %add3A_169 = arith.addi %get3A_163, %add3A_168 : vector<16xi32>
        %swap3A_170 = arith.index_cast %select_n3A_56 : i32 to index
        %swap3A_171 = arith.constant 64 : index
        %swap3A_172 = tpu.vector_load %arg7[%swap3A_170, %swap3A_171] {strides = array<i32>} : memref<2x96xi32, #tpu.memory_space<vmem>>, vector<16xi32>,
        tpu.vector_store %arg7[%swap3A_170, %swap3A_171], %add3A_169 {strides = array<i32>} : memref<2x96xi32, #tpu.memory_space<vmem>>, vector<16xi32>,
        %add3A_173 = arith.constant 0 : i32
        %add3A_174 = vector.broadcast %add3A_173 : i32 to vector<16xi32>
        %add3A_175 = arith.addi %get3A_166, %add3A_174 : vector<16xi32>
        %swap3A_176 = arith.index_cast %select_n3A_56 : i32 to index
        %swap3A_177 = arith.constant 64 : index
        %swap3A_178 = tpu.vector_load %arg8[%swap3A_176, %swap3A_177] {strides = array<i32>} : memref<2x96xi32, #tpu.memory_space<vmem>>, vector<16xi32>,
        tpu.vector_store %arg8[%swap3A_176, %swap3A_177], %add3A_175 {strides = array<i32>} : memref<2x96xi32, #tpu.memory_space<vmem>>, vector<16xi32>,
        %swap3A_179 = arith.index_cast %select_n3A_56 : i32 to index
        %swap3A_180 = arith.constant 64 : index
        %swap3A_181 = tpu.vector_load %arg9[%swap3A_179, %swap3A_180] {strides = array<i32>} : memref<2x96xi32, #tpu.memory_space<vmem>>, vector<16xi32>,
        tpu.vector_store %arg9[%swap3A_179, %swap3A_180], %get3A_166 {strides = array<i32>} : memref<2x96xi32, #tpu.memory_space<vmem>>, vector<16xi32>,
        %get3A_182 = arith.index_cast %select_n3A_56 : i32 to index
        %get3A_183 = arith.constant 80 : index
        %get3A_184 = tpu.vector_load %arg6[%get3A_182, %get3A_183] {strides = array<i32>} : memref<2x192xi32, #tpu.memory_space<vmem>>, vector<16xi32>,
        %get3A_185 = arith.index_cast %select_n3A_56 : i32 to index
        %get3A_186 = arith.constant 176 : index
        %get3A_187 = tpu.vector_load %arg6[%get3A_185, %get3A_186] {strides = array<i32>} : memref<2x192xi32, #tpu.memory_space<vmem>>, vector<16xi32>,
        %add3A_188 = arith.constant 0 : i32
        %add3A_189 = vector.broadcast %add3A_188 : i32 to vector<16xi32>
        %add3A_190 = arith.addi %get3A_184, %add3A_189 : vector<16xi32>
        %swap3A_191 = arith.index_cast %select_n3A_56 : i32 to index
        %swap3A_192 = arith.constant 80 : index
        %swap3A_193 = tpu.vector_load %arg7[%swap3A_191, %swap3A_192] {strides = array<i32>} : memref<2x96xi32, #tpu.memory_space<vmem>>, vector<16xi32>,
        tpu.vector_store %arg7[%swap3A_191, %swap3A_192], %add3A_190 {strides = array<i32>} : memref<2x96xi32, #tpu.memory_space<vmem>>, vector<16xi32>,
        %add3A_194 = arith.constant 0 : i32
        %add3A_195 = vector.broadcast %add3A_194 : i32 to vector<16xi32>
        %add3A_196 = arith.addi %get3A_187, %add3A_195 : vector<16xi32>
        %swap3A_197 = arith.index_cast %select_n3A_56 : i32 to index
        %swap3A_198 = arith.constant 80 : index
        %swap3A_199 = tpu.vector_load %arg8[%swap3A_197, %swap3A_198] {strides = array<i32>} : memref<2x96xi32, #tpu.memory_space<vmem>>, vector<16xi32>,
        tpu.vector_store %arg8[%swap3A_197, %swap3A_198], %add3A_196 {strides = array<i32>} : memref<2x96xi32, #tpu.memory_space<vmem>>, vector<16xi32>,
        %swap3A_200 = arith.index_cast %select_n3A_56 : i32 to index
        %swap3A_201 = arith.constant 80 : index
        %swap3A_202 = tpu.vector_load %arg9[%swap3A_200, %swap3A_201] {strides = array<i32>} : memref<2x96xi32, #tpu.memory_space<vmem>>, vector<16xi32>,
        tpu.vector_store %arg9[%swap3A_200, %swap3A_201], %get3A_187 {strides = array<i32>} : memref<2x96xi32, #tpu.memory_space<vmem>>, vector<16xi32>,
        %dma_start3A_203 = arith.constant 0 : i32
        %dma_start3A_204 = arith.constant 0 : i32
        %dma_start3A_205 = tpu.memref_slice %arg11[%select_n3A_56, %dma_start3A_203, %dma_start3A_204] : memref<2x96x80xf32, #tpu.memory_space<vmem>> -> memref<1x96x80xf32, #tpu.memory_space<vmem>>
        %dma_start3A_206 = tpu.memref_squeeze %dma_start3A_205 : memref<1x96x80xf32, #tpu.memory_space<vmem>> -> memref<96x80xf32, #tpu.memory_space<vmem>>
        %dma_start3A_207 = arith.constant 0 : i32
        %dma_start3A_208 = tpu.memref_slice %arg7[%select_n3A_56, %dma_start3A_207] : memref<2x96xi32, #tpu.memory_space<vmem>> -> memref<1x96xi32, #tpu.memory_space<vmem>>
        %dma_start3A_209 = tpu.memref_squeeze %dma_start3A_208 : memref<1x96xi32, #tpu.memory_space<vmem>> -> memref<96xi32, #tpu.memory_space<vmem>>
        %dma_start3A_210 = arith.constant 0 : i32
        %dma_start3A_211 = arith.constant 0 : i32
        %dma_start3A_212 = tpu.memref_slice %arg2[%dma_start3A_210, %dma_start3A_211] : memref<10000x80xf32, #tpu.memory_space<hbm>> -> memref<10000x80xf32, #tpu.memory_space<hbm>>
        %dma_start3A_213 = tpu.memref_slice %arg14[%select_n3A_56] : memref<2x!tpu.dma_semaphore, #tpu.memory_space<semaphore_mem>> -> memref<1x!tpu.dma_semaphore, #tpu.memory_space<semaphore_mem>>
        %dma_start3A_214 = tpu.memref_squeeze %dma_start3A_213 : memref<1x!tpu.dma_semaphore, #tpu.memory_space<semaphore_mem>> -> memref<!tpu.dma_semaphore, #tpu.memory_space<semaphore_mem>>
        tpu.enqueue_indirect_dma source(%dma_start3A_212 : memref<10000x80xf32, #tpu.memory_space<hbm>>) target(%dma_start3A_206 : memref<96x80xf32, #tpu.memory_space<vmem>>) offsets(%dma_start3A_209 : memref<96xi32, #tpu.memory_space<vmem>>) semaphore(%dma_start3A_214 : memref<!tpu.dma_semaphore, #tpu.memory_space<semaphore_mem>>)
        %dma_start3A_215 = arith.constant 0 : i32
        %dma_start3A_216 = arith.constant 0 : i32
        %dma_start3A_217 = tpu.memref_slice %arg12[%select_n3A_56, %dma_start3A_215, %dma_start3A_216] : memref<2x96x16xf32, #tpu.memory_space<vmem>> -> memref<1x96x16xf32, #tpu.memory_space<vmem>>
        %dma_start3A_218 = tpu.memref_squeeze %dma_start3A_217 : memref<1x96x16xf32, #tpu.memory_space<vmem>> -> memref<96x16xf32, #tpu.memory_space<vmem>>
        %dma_start3A_219 = arith.constant 0 : i32
        %dma_start3A_220 = tpu.memref_slice %arg8[%select_n3A_56, %dma_start3A_219] : memref<2x96xi32, #tpu.memory_space<vmem>> -> memref<1x96xi32, #tpu.memory_space<vmem>>
        %dma_start3A_221 = tpu.memref_squeeze %dma_start3A_220 : memref<1x96xi32, #tpu.memory_space<vmem>> -> memref<96xi32, #tpu.memory_space<vmem>>
        %dma_start3A_222 = arith.constant 0 : i32
        %dma_start3A_223 = arith.constant 0 : i32
        %dma_start3A_224 = tpu.memref_slice %arg3[%dma_start3A_222, %dma_start3A_223] : memref<10000x16xf32, #tpu.memory_space<hbm>> -> memref<10000x16xf32, #tpu.memory_space<hbm>>
        %dma_start3A_225 = tpu.memref_slice %arg15[%select_n3A_56] : memref<2x!tpu.dma_semaphore, #tpu.memory_space<semaphore_mem>> -> memref<1x!tpu.dma_semaphore, #tpu.memory_space<semaphore_mem>>
        %dma_start3A_226 = tpu.memref_squeeze %dma_start3A_225 : memref<1x!tpu.dma_semaphore, #tpu.memory_space<semaphore_mem>> -> memref<!tpu.dma_semaphore, #tpu.memory_space<semaphore_mem>>
        tpu.enqueue_indirect_dma source(%dma_start3A_224 : memref<10000x16xf32, #tpu.memory_space<hbm>>) target(%dma_start3A_218 : memref<96x16xf32, #tpu.memory_space<vmem>>) offsets(%dma_start3A_221 : memref<96xi32, #tpu.memory_space<vmem>>) semaphore(%dma_start3A_226 : memref<!tpu.dma_semaphore, #tpu.memory_space<semaphore_mem>>)
        %add3A_227 = arith.constant 1 : i32
        %add3A_228 = arith.addi %scan3A_46, %add3A_227 : i32
        %lt3A_229 = arith.constant 108 : i32
        %lt3A_230 = arith.cmpi slt, %add3A_228, %lt3A_229 : i32
        %convert_element_type3A_231 = arith.extui %lt3A_230 : i1 to i32
        %cond3A_232 = arith.constant 0 : i32
        %cond3A_233 = arith.cmpi ne, %convert_element_type3A_231, %cond3A_232 : i32
        scf.if %cond3A_233 {
          %add3A_234 = arith.constant 1 : i32
          %add3A_235 = arith.addi %scan3A_46, %add3A_234 : i32
          %add3A_236 = arith.addi %mul3A_18, %add3A_235 : i32
          %mul3A_237 = arith.constant 192 : i32
          %mul3A_238 = arith.muli %add3A_236, %mul3A_237 : i32
          %dma_start3A_239 = arith.constant 0 : i32
          %dma_start3A_240 = tpu.memref_slice %arg6[%sub3A_57, %dma_start3A_239] : memref<2x192xi32, #tpu.memory_space<vmem>> -> memref<1x192xi32, #tpu.memory_space<vmem>>
          %dma_start3A_241 = tpu.memref_squeeze %dma_start3A_240 : memref<1x192xi32, #tpu.memory_space<vmem>> -> memref<192xi32, #tpu.memory_space<vmem>>
          %dma_start3A_242 = tpu.memref_slice %arg4[%mul3A_238] : memref<663552xi32, #tpu.memory_space<hbm>> -> memref<192xi32, #tpu.memory_space<hbm>>
          %dma_start3A_243 = tpu.memref_slice %arg13[%sub3A_57] : memref<2x!tpu.dma_semaphore, #tpu.memory_space<semaphore_mem>> -> memref<1x!tpu.dma_semaphore, #tpu.memory_space<semaphore_mem>>
          %dma_start3A_244 = tpu.memref_squeeze %dma_start3A_243 : memref<1x!tpu.dma_semaphore, #tpu.memory_space<semaphore_mem>> -> memref<!tpu.dma_semaphore, #tpu.memory_space<semaphore_mem>>
          %dma_start3A_245 = arith.constant 0 : i32
          %dma_start3A_246 = tpu.memref_slice %arg6[%sub3A_57, %dma_start3A_245] : memref<2x192xi32, #tpu.memory_space<vmem>> -> memref<1x192xi32, #tpu.memory_space<vmem>>
          %dma_start3A_247 = tpu.memref_squeeze %dma_start3A_246 : memref<1x192xi32, #tpu.memory_space<vmem>> -> memref<192xi32, #tpu.memory_space<vmem>>
          %dma_start3A_248 = tpu.memref_slice %arg4[%mul3A_238] : memref<663552xi32, #tpu.memory_space<hbm>> -> memref<192xi32, #tpu.memory_space<hbm>>
          tpu.enqueue_dma source(%dma_start3A_248 : memref<192xi32, #tpu.memory_space<hbm>>) target(%dma_start3A_247 : memref<192xi32, #tpu.memory_space<vmem>>) target_semaphore(%dma_start3A_244 : memref<!tpu.dma_semaphore, #tpu.memory_space<semaphore_mem>>)
        } else {
        }
      } else {
      }
      %ge3A = arith.constant 1 : i32
      %ge3A_63 = arith.cmpi sge, %scan3A_46, %ge3A : i32
      %convert_element_type3A_64 = arith.extui %ge3A_63 : i1 to i32
      %cond3A_65 = arith.constant 0 : i32
      %cond3A_66 = arith.cmpi ne, %convert_element_type3A_64, %cond3A_65 : i32
      scf.if %cond3A_66 {
        %sub3A_67 = arith.constant 1 : i32
        %sub3A_68 = arith.subi %scan3A_46, %sub3A_67 : i32
        %dma_wait3A = arith.constant 0 : i32
        %dma_wait3A_69 = arith.constant 0 : i32
        %dma_wait3A_70 = tpu.memref_slice %arg11[%sub3A_57, %dma_wait3A, %dma_wait3A_69] : memref<2x96x80xf32, #tpu.memory_space<vmem>> -> memref<1x96x80xf32, #tpu.memory_space<vmem>>
        %dma_wait3A_71 = tpu.memref_squeeze %dma_wait3A_70 : memref<1x96x80xf32, #tpu.memory_space<vmem>> -> memref<96x80xf32, #tpu.memory_space<vmem>>
        %dma_wait3A_72 = arith.constant 0 : i32
        %dma_wait3A_73 = tpu.memref_slice %arg7[%sub3A_57, %dma_wait3A_72] : memref<2x96xi32, #tpu.memory_space<vmem>> -> memref<1x96xi32, #tpu.memory_space<vmem>>
        %dma_wait3A_74 = tpu.memref_squeeze %dma_wait3A_73 : memref<1x96xi32, #tpu.memory_space<vmem>> -> memref<96xi32, #tpu.memory_space<vmem>>
        %dma_wait3A_75 = arith.constant 0 : i32
        %dma_wait3A_76 = arith.constant 0 : i32
        %dma_wait3A_77 = tpu.memref_slice %arg2[%dma_wait3A_75, %dma_wait3A_76] : memref<10000x80xf32, #tpu.memory_space<hbm>> -> memref<10000x80xf32, #tpu.memory_space<hbm>>
        %dma_wait3A_78 = tpu.memref_slice %arg14[%sub3A_57] : memref<2x!tpu.dma_semaphore, #tpu.memory_space<semaphore_mem>> -> memref<1x!tpu.dma_semaphore, #tpu.memory_space<semaphore_mem>>
        %dma_wait3A_79 = tpu.memref_squeeze %dma_wait3A_78 : memref<1x!tpu.dma_semaphore, #tpu.memory_space<semaphore_mem>> -> memref<!tpu.dma_semaphore, #tpu.memory_space<semaphore_mem>>
        tpu.wait_indirect_dma semaphore(%dma_wait3A_79 : memref<!tpu.dma_semaphore, #tpu.memory_space<semaphore_mem>>) src(%dma_wait3A_77 : memref<10000x80xf32, #tpu.memory_space<hbm>>) dst(%dma_wait3A_71 : memref<96x80xf32, #tpu.memory_space<vmem>>)
        %dma_wait3A_80 = arith.constant 0 : i32
        %dma_wait3A_81 = arith.constant 0 : i32
        %dma_wait3A_82 = tpu.memref_slice %arg12[%sub3A_57, %dma_wait3A_80, %dma_wait3A_81] : memref<2x96x16xf32, #tpu.memory_space<vmem>> -> memref<1x96x16xf32, #tpu.memory_space<vmem>>
        %dma_wait3A_83 = tpu.memref_squeeze %dma_wait3A_82 : memref<1x96x16xf32, #tpu.memory_space<vmem>> -> memref<96x16xf32, #tpu.memory_space<vmem>>
        %dma_wait3A_84 = arith.constant 0 : i32
        %dma_wait3A_85 = tpu.memref_slice %arg8[%sub3A_57, %dma_wait3A_84] : memref<2x96xi32, #tpu.memory_space<vmem>> -> memref<1x96xi32, #tpu.memory_space<vmem>>
        %dma_wait3A_86 = tpu.memref_squeeze %dma_wait3A_85 : memref<1x96xi32, #tpu.memory_space<vmem>> -> memref<96xi32, #tpu.memory_space<vmem>>
        %dma_wait3A_87 = arith.constant 0 : i32
        %dma_wait3A_88 = arith.constant 0 : i32
        %dma_wait3A_89 = tpu.memref_slice %arg3[%dma_wait3A_87, %dma_wait3A_88] : memref<10000x16xf32, #tpu.memory_space<hbm>> -> memref<10000x16xf32, #tpu.memory_space<hbm>>
        %dma_wait3A_90 = tpu.memref_slice %arg15[%sub3A_57] : memref<2x!tpu.dma_semaphore, #tpu.memory_space<semaphore_mem>> -> memref<1x!tpu.dma_semaphore, #tpu.memory_space<semaphore_mem>>
        %dma_wait3A_91 = tpu.memref_squeeze %dma_wait3A_90 : memref<1x!tpu.dma_semaphore, #tpu.memory_space<semaphore_mem>> -> memref<!tpu.dma_semaphore, #tpu.memory_space<semaphore_mem>>
        tpu.wait_indirect_dma semaphore(%dma_wait3A_91 : memref<!tpu.dma_semaphore, #tpu.memory_space<semaphore_mem>>) src(%dma_wait3A_89 : memref<10000x16xf32, #tpu.memory_space<hbm>>) dst(%dma_wait3A_83 : memref<96x16xf32, #tpu.memory_space<vmem>>)
        %add3A_92 = arith.addi %mul3A_18, %sub3A_68 : i32
        %mul3A_93 = arith.constant 96 : i32
        %mul3A_94 = arith.muli %add3A_92, %mul3A_93 : i32
        %broadcast_in_dim3A_95 = arith.constant 0 : i32
        %broadcast_in_dim3A_96 = vector.broadcast %broadcast_in_dim3A_95 : i32 to vector<16xi32>
        %add3A_97 = vector.broadcast %sub3A_57 : i32 to vector<16xi32>
        %add3A_98 = arith.addi %broadcast_in_dim3A_96, %add3A_97 : vector<16xi32>
        %scan3A_99 = arith.constant 0 : i32
        %scan3A_100 = arith.constant 0 : i32
        %scan3A_101 = arith.constant 6 : i32
        %scan3A_102 = arith.addi %scan3A_100, %scan3A_101 : i32
        %scan3A_103 = arith.constant 1 : i32
        scf.for %scan3A_111 = %scan3A_100 to %scan3A_102 step %scan3A_103  : i32 {
          %mul3A_112 = arith.constant 16 : i32
          %mul3A_113 = arith.muli %scan3A_111, %mul3A_112 : i32
          %add3A_114 = arith.addi %mul3A_94, %mul3A_113 : i32
          %add3A_115 = vector.broadcast %add3A_114 : i32 to vector<16xi32>
          %add3A_116 = arith.addi %add3A_115, %iota3A : vector<16xi32>
          %lt3A_117 = arith.constant 330000 : i32
          %lt3A_118 = vector.broadcast %lt3A_117 : i32 to vector<16xi32>
          %lt3A_119 = arith.cmpi slt, %add3A_116, %lt3A_118 : vector<16xi32>
          %mul3A_120 = arith.constant 16 : i32
          %mul3A_121 = arith.muli %scan3A_111, %mul3A_120 : i32
          %add3A_122 = vector.broadcast %mul3A_121 : i32 to vector<16xi32>
          %add3A_123 = arith.addi %add3A_122, %iota3A : vector<16xi32>
          %broadcast_in_dim3A_124 = arith.constant 64 : i32
          %broadcast_in_dim3A_125 = vector.broadcast %broadcast_in_dim3A_124 : i32 to vector<16xi32>
          %gather3A = tpu.vector_load_idx %arg11[%add3A_98, %add3A_123, %broadcast_in_dim3A_125] : memref<2x96x80xf32, #tpu.memory_space<vmem>>[vector<16xi32>, vector<16xi32>, vector<16xi32>], vector<16xf32>,
          %broadcast_in_dim3A_126 = arith.constant 1 : i32
          %broadcast_in_dim3A_127 = vector.broadcast %broadcast_in_dim3A_126 : i32 to vector<16xi32>
          %gather3A_128 = tpu.vector_load_idx %arg12[%add3A_98, %add3A_123, %broadcast_in_dim3A_127] : memref<2x96x16xf32, #tpu.memory_space<vmem>>[vector<16xi32>, vector<16xi32>, vector<16xi32>], vector<16xf32>,
          %add3A_129 = arith.addf %gather3A, %gather3A_128 : vector<16xf32>
          %mul3A_130 = arith.constant 2.000000e-01 : f32
          %mul3A_131 = vector.broadcast %mul3A_130 : f32 to vector<16xf32>
          %mul3A_132 = arith.mulf %mul3A_131, %add3A_129 : vector<16xf32>
          %max3A = arith.maximumf %add3A_129, %mul3A_132 : vector<16xf32>
          %exp3A = math.exp %max3A : vector<16xf32>
          %jit3A_133 = arith.constant 0.000000e+00 : f32
          %broadcast_in_dim3A_134 = vector.broadcast %jit3A_133 : f32 to vector<16xf32>
          %select_n3A_135 = arith.select %lt3A_119, %exp3A, %broadcast_in_dim3A_134 : vector<16xi1>, vector<16xf32>
          %mul3A_136 = arith.constant 16 : i32
          %mul3A_137 = arith.muli %scan3A_111, %mul3A_136 : i32
          %add3A_138 = arith.constant 0 : i32
          %add3A_139 = arith.addi %add3A_138, %mul3A_137 : i32
          %swap3A = arith.index_cast %add3A_139 : i32 to index
          %swap3A_140 = tpu.vector_load %arg10[%swap3A] {strides = array<i32>} : memref<96xf32, #tpu.memory_space<vmem>>, vector<16xf32>,
          tpu.vector_store %arg10[%swap3A], %select_n3A_135 {strides = array<i32>} : memref<96xf32, #tpu.memory_space<vmem>>, vector<16xf32>,
          %broadcast_in_dim3A_141 = arith.constant 64 : i32
          %broadcast_in_dim3A_142 = vector.broadcast %broadcast_in_dim3A_141 : i32 to vector<16xi32>
          tpu.vector_store_idx %arg11[%add3A_98, %add3A_123, %broadcast_in_dim3A_142], %select_n3A_135 : memref<2x96x80xf32, #tpu.memory_space<vmem>>[vector<16xi32>, vector<16xi32>, vector<16xi32>], vector<16xf32>,
        }
        %scan3A_104 = arith.constant 6 : i32
        %scan3A_105 = arith.constant 0 : i32
        %scan3A_106 = arith.constant 0 : i32
        %scan3A_107 = arith.constant 6 : i32
        %scan3A_108 = arith.addi %scan3A_106, %scan3A_107 : i32
        %scan3A_109 = arith.constant 1 : i32
        scf.for %scan3A_111 = %scan3A_106 to %scan3A_108 step %scan3A_109  : i32 {
          %mul3A_112 = arith.constant 16 : i32
          %mul3A_113 = arith.muli %scan3A_111, %mul3A_112 : i32
          %add3A_114 = vector.broadcast %mul3A_113 : i32 to vector<16xi32>
          %add3A_115 = arith.addi %add3A_114, %iota3A : vector<16xi32>
          %mul3A_116 = arith.constant 16 : i32
          %mul3A_117 = arith.muli %scan3A_111, %mul3A_116 : i32
          %add3A_118 = arith.constant 0 : i32
          %add3A_119 = arith.addi %add3A_118, %mul3A_117 : i32
          %get3A = arith.index_cast %add3A_119 : i32 to index
          %get3A_120 = tpu.vector_load %arg10[%get3A] {strides = array<i32>} : memref<96xf32, #tpu.memory_space<vmem>>, vector<16xf32>,
          %scan3A_121 = arith.constant 0 : i32
          %scan3A_122 = arith.constant 0 : i32
          %scan3A_123 = arith.constant 8 : i32
          %scan3A_124 = arith.addi %scan3A_122, %scan3A_123 : i32
          %scan3A_125 = arith.constant 1 : i32
          scf.for %scan3A_127 = %scan3A_122 to %scan3A_124 step %scan3A_125  : i32 {
            %mul3A_128 = arith.constant 8 : i32
            %mul3A_129 = arith.muli %scan3A_127, %mul3A_128 : i32
            %broadcast_in_dim3A_130 = arith.constant 0 : i32
            %broadcast_in_dim3A_131 = vector.broadcast %broadcast_in_dim3A_130 : i32 to vector<16xi32>
            %add3A_132 = vector.broadcast %mul3A_129 : i32 to vector<16xi32>
            %add3A_133 = arith.addi %broadcast_in_dim3A_131, %add3A_132 : vector<16xi32>
            %gather3A = tpu.vector_load_idx %arg11[%add3A_98, %add3A_115, %add3A_133] : memref<2x96x80xf32, #tpu.memory_space<vmem>>[vector<16xi32>, vector<16xi32>, vector<16xi32>], vector<16xf32>,
            %mul3A_134 = arith.mulf %gather3A, %get3A_120 : vector<16xf32>
            tpu.vector_store_idx %arg11[%add3A_98, %add3A_115, %add3A_133], %mul3A_134 : memref<2x96x80xf32, #tpu.memory_space<vmem>>[vector<16xi32>, vector<16xi32>, vector<16xi32>], vector<16xf32>,
            %broadcast_in_dim3A_135 = arith.constant 1 : i32
            %broadcast_in_dim3A_136 = vector.broadcast %broadcast_in_dim3A_135 : i32 to vector<16xi32>
            %add3A_137 = vector.broadcast %mul3A_129 : i32 to vector<16xi32>
            %add3A_138 = arith.addi %broadcast_in_dim3A_136, %add3A_137 : vector<16xi32>
            %gather3A_139 = tpu.vector_load_idx %arg11[%add3A_98, %add3A_115, %add3A_138] : memref<2x96x80xf32, #tpu.memory_space<vmem>>[vector<16xi32>, vector<16xi32>, vector<16xi32>], vector<16xf32>,
            %mul3A_140 = arith.mulf %gather3A_139, %get3A_120 : vector<16xf32>
            tpu.vector_store_idx %arg11[%add3A_98, %add3A_115, %add3A_138], %mul3A_140 : memref<2x96x80xf32, #tpu.memory_space<vmem>>[vector<16xi32>, vector<16xi32>, vector<16xi32>], vector<16xf32>,
            %broadcast_in_dim3A_141 = arith.constant 2 : i32
            %broadcast_in_dim3A_142 = vector.broadcast %broadcast_in_dim3A_141 : i32 to vector<16xi32>
            %add3A_143 = vector.broadcast %mul3A_129 : i32 to vector<16xi32>
            %add3A_144 = arith.addi %broadcast_in_dim3A_142, %add3A_143 : vector<16xi32>
            %gather3A_145 = tpu.vector_load_idx %arg11[%add3A_98, %add3A_115, %add3A_144] : memref<2x96x80xf32, #tpu.memory_space<vmem>>[vector<16xi32>, vector<16xi32>, vector<16xi32>], vector<16xf32>,
            %mul3A_146 = arith.mulf %gather3A_145, %get3A_120 : vector<16xf32>
            tpu.vector_store_idx %arg11[%add3A_98, %add3A_115, %add3A_144], %mul3A_146 : memref<2x96x80xf32, #tpu.memory_space<vmem>>[vector<16xi32>, vector<16xi32>, vector<16xi32>], vector<16xf32>,
            %broadcast_in_dim3A_147 = arith.constant 3 : i32
            %broadcast_in_dim3A_148 = vector.broadcast %broadcast_in_dim3A_147 : i32 to vector<16xi32>
            %add3A_149 = vector.broadcast %mul3A_129 : i32 to vector<16xi32>
            %add3A_150 = arith.addi %broadcast_in_dim3A_148, %add3A_149 : vector<16xi32>
            %gather3A_151 = tpu.vector_load_idx %arg11[%add3A_98, %add3A_115, %add3A_150] : memref<2x96x80xf32, #tpu.memory_space<vmem>>[vector<16xi32>, vector<16xi32>, vector<16xi32>], vector<16xf32>,
            %mul3A_152 = arith.mulf %gather3A_151, %get3A_120 : vector<16xf32>
            tpu.vector_store_idx %arg11[%add3A_98, %add3A_115, %add3A_150], %mul3A_152 : memref<2x96x80xf32, #tpu.memory_space<vmem>>[vector<16xi32>, vector<16xi32>, vector<16xi32>], vector<16xf32>,
            %broadcast_in_dim3A_153 = arith.constant 4 : i32
            %broadcast_in_dim3A_154 = vector.broadcast %broadcast_in_dim3A_153 : i32 to vector<16xi32>
            %add3A_155 = vector.broadcast %mul3A_129 : i32 to vector<16xi32>
            %add3A_156 = arith.addi %broadcast_in_dim3A_154, %add3A_155 : vector<16xi32>
            %gather3A_157 = tpu.vector_load_idx %arg11[%add3A_98, %add3A_115, %add3A_156] : memref<2x96x80xf32, #tpu.memory_space<vmem>>[vector<16xi32>, vector<16xi32>, vector<16xi32>], vector<16xf32>,
            %mul3A_158 = arith.mulf %gather3A_157, %get3A_120 : vector<16xf32>
            tpu.vector_store_idx %arg11[%add3A_98, %add3A_115, %add3A_156], %mul3A_158 : memref<2x96x80xf32, #tpu.memory_space<vmem>>[vector<16xi32>, vector<16xi32>, vector<16xi32>], vector<16xf32>,
            %broadcast_in_dim3A_159 = arith.constant 5 : i32
            %broadcast_in_dim3A_160 = vector.broadcast %broadcast_in_dim3A_159 : i32 to vector<16xi32>
            %add3A_161 = vector.broadcast %mul3A_129 : i32 to vector<16xi32>
            %add3A_162 = arith.addi %broadcast_in_dim3A_160, %add3A_161 : vector<16xi32>
            %gather3A_163 = tpu.vector_load_idx %arg11[%add3A_98, %add3A_115, %add3A_162] : memref<2x96x80xf32, #tpu.memory_space<vmem>>[vector<16xi32>, vector<16xi32>, vector<16xi32>], vector<16xf32>,
            %mul3A_164 = arith.mulf %gather3A_163, %get3A_120 : vector<16xf32>
            tpu.vector_store_idx %arg11[%add3A_98, %add3A_115, %add3A_162], %mul3A_164 : memref<2x96x80xf32, #tpu.memory_space<vmem>>[vector<16xi32>, vector<16xi32>, vector<16xi32>], vector<16xf32>,
            %broadcast_in_dim3A_165 = arith.constant 6 : i32
            %broadcast_in_dim3A_166 = vector.broadcast %broadcast_in_dim3A_165 : i32 to vector<16xi32>
            %add3A_167 = vector.broadcast %mul3A_129 : i32 to vector<16xi32>
            %add3A_168 = arith.addi %broadcast_in_dim3A_166, %add3A_167 : vector<16xi32>
            %gather3A_169 = tpu.vector_load_idx %arg11[%add3A_98, %add3A_115, %add3A_168] : memref<2x96x80xf32, #tpu.memory_space<vmem>>[vector<16xi32>, vector<16xi32>, vector<16xi32>], vector<16xf32>,
            %mul3A_170 = arith.mulf %gather3A_169, %get3A_120 : vector<16xf32>
            tpu.vector_store_idx %arg11[%add3A_98, %add3A_115, %add3A_168], %mul3A_170 : memref<2x96x80xf32, #tpu.memory_space<vmem>>[vector<16xi32>, vector<16xi32>, vector<16xi32>], vector<16xf32>,
            %broadcast_in_dim3A_171 = arith.constant 7 : i32
            %broadcast_in_dim3A_172 = vector.broadcast %broadcast_in_dim3A_171 : i32 to vector<16xi32>
            %add3A_173 = vector.broadcast %mul3A_129 : i32 to vector<16xi32>
            %add3A_174 = arith.addi %broadcast_in_dim3A_172, %add3A_173 : vector<16xi32>
            %gather3A_175 = tpu.vector_load_idx %arg11[%add3A_98, %add3A_115, %add3A_174] : memref<2x96x80xf32, #tpu.memory_space<vmem>>[vector<16xi32>, vector<16xi32>, vector<16xi32>], vector<16xf32>,
            %mul3A_176 = arith.mulf %gather3A_175, %get3A_120 : vector<16xf32>
            tpu.vector_store_idx %arg11[%add3A_98, %add3A_115, %add3A_174], %mul3A_176 : memref<2x96x80xf32, #tpu.memory_space<vmem>>[vector<16xi32>, vector<16xi32>, vector<16xi32>], vector<16xf32>,
          }
          %scan3A_126 = arith.constant 8 : i32
        }
        %scan3A_110 = arith.constant 6 : i32
        "tpu.region"() ({
          %run_scoped3A = tpu.sem_alloc : memref<!tpu.dma_semaphore, #tpu.memory_space<semaphore_mem>>
          %dma_start3A_111 = arith.constant 0 : i32
          %dma_start3A_112 = arith.constant 0 : i32
          %dma_start3A_113 = tpu.memref_slice %arg11[%sub3A_57, %dma_start3A_111, %dma_start3A_112] : memref<2x96x80xf32, #tpu.memory_space<vmem>> -> memref<1x96x80xf32, #tpu.memory_space<vmem>>
          %dma_start3A_114 = tpu.memref_squeeze %dma_start3A_113 : memref<1x96x80xf32, #tpu.memory_space<vmem>> -> memref<96x80xf32, #tpu.memory_space<vmem>>
          %dma_start3A_115 = arith.constant 0 : i32
          %dma_start3A_116 = tpu.memref_slice %arg9[%sub3A_57, %dma_start3A_115] : memref<2x96xi32, #tpu.memory_space<vmem>> -> memref<1x96xi32, #tpu.memory_space<vmem>>
          %dma_start3A_117 = tpu.memref_squeeze %dma_start3A_116 : memref<1x96xi32, #tpu.memory_space<vmem>> -> memref<96xi32, #tpu.memory_space<vmem>>
          %dma_start3A_118 = arith.constant 0 : i32
          %dma_start3A_119 = arith.constant 0 : i32
          %dma_start3A_120 = tpu.memref_slice %arg16[%dma_start3A_118, %dma_start3A_119] : memref<10000x80xf32, #tpu.memory_space<vmem_shared>> -> memref<10000x80xf32, #tpu.memory_space<vmem_shared>>
          tpu.enqueue_indirect_dma source(%dma_start3A_114 : memref<96x80xf32, #tpu.memory_space<vmem>>) target(%dma_start3A_120 : memref<10000x80xf32, #tpu.memory_space<vmem_shared>>) offsets(%dma_start3A_117 : memref<96xi32, #tpu.memory_space<vmem>>) semaphore(%run_scoped3A : memref<!tpu.dma_semaphore, #tpu.memory_space<semaphore_mem>>) {add = true}
          %dma_wait3A_121 = arith.constant 0 : i32
          %dma_wait3A_122 = arith.constant 0 : i32
          %dma_wait3A_123 = tpu.memref_slice %arg11[%sub3A_57, %dma_wait3A_121, %dma_wait3A_122] : memref<2x96x80xf32, #tpu.memory_space<vmem>> -> memref<1x96x80xf32, #tpu.memory_space<vmem>>
          %dma_wait3A_124 = tpu.memref_squeeze %dma_wait3A_123 : memref<1x96x80xf32, #tpu.memory_space<vmem>> -> memref<96x80xf32, #tpu.memory_space<vmem>>
          %dma_wait3A_125 = arith.constant 0 : i32
          %dma_wait3A_126 = tpu.memref_slice %arg9[%sub3A_57, %dma_wait3A_125] : memref<2x96xi32, #tpu.memory_space<vmem>> -> memref<1x96xi32, #tpu.memory_space<vmem>>
          %dma_wait3A_127 = tpu.memref_squeeze %dma_wait3A_126 : memref<1x96xi32, #tpu.memory_space<vmem>> -> memref<96xi32, #tpu.memory_space<vmem>>
          %dma_wait3A_128 = arith.constant 0 : i32
          %dma_wait3A_129 = arith.constant 0 : i32
          %dma_wait3A_130 = tpu.memref_slice %arg16[%dma_wait3A_128, %dma_wait3A_129] : memref<10000x80xf32, #tpu.memory_space<vmem_shared>> -> memref<10000x80xf32, #tpu.memory_space<vmem_shared>>
          tpu.wait_indirect_dma semaphore(%run_scoped3A : memref<!tpu.dma_semaphore, #tpu.memory_space<semaphore_mem>>) src(%dma_wait3A_124 : memref<96x80xf32, #tpu.memory_space<vmem>>) dst(%dma_wait3A_130 : memref<10000x80xf32, #tpu.memory_space<vmem_shared>>)
          tpu.yield
        }) : () -> ()
      } else {
      }
    }
    %scan3A_39 = arith.constant 109 : i32
    %barrier3A_40 = arith.constant 0 : index
    tpu.barrier barrier_id(%barrier3A_40)
    "tpu.region"() ({
      %run_scoped3A = tpu.sem_alloc : memref<!tpu.dma_semaphore, #tpu.memory_space<semaphore_mem>>
      %dma_start3A_46 = arith.constant 0 : i32
      %dma_start3A_47 = tpu.memref_slice %arg5[%arg0, %mul3A_6, %dma_start3A_46] : memref<2x10000x80xf32, #tpu.memory_space<hbm>> -> memref<1x624x80xf32, #tpu.memory_space<hbm>>
      %dma_start3A_48 = tpu.memref_squeeze %dma_start3A_47 : memref<1x624x80xf32, #tpu.memory_space<hbm>> -> memref<624x80xf32, #tpu.memory_space<hbm>>
      %dma_start3A_49 = arith.constant 0 : i32
      %dma_start3A_50 = tpu.memref_slice %arg16[%mul3A_6, %dma_start3A_49] : memref<10000x80xf32, #tpu.memory_space<vmem_shared>> -> memref<624x80xf32, #tpu.memory_space<vmem_shared>>
      tpu.enqueue_dma source(%dma_start3A_50 : memref<624x80xf32, #tpu.memory_space<vmem_shared>>) target(%dma_start3A_48 : memref<624x80xf32, #tpu.memory_space<hbm>>) target_semaphore(%run_scoped3A : memref<!tpu.dma_semaphore, #tpu.memory_space<semaphore_mem>>)
      %dma_wait3A = arith.constant 0 : i32
      %dma_wait3A_51 = tpu.memref_slice %arg5[%arg0, %mul3A_6, %dma_wait3A] : memref<2x10000x80xf32, #tpu.memory_space<hbm>> -> memref<1x624x80xf32, #tpu.memory_space<hbm>>
      %dma_wait3A_52 = tpu.memref_squeeze %dma_wait3A_51 : memref<1x624x80xf32, #tpu.memory_space<hbm>> -> memref<624x80xf32, #tpu.memory_space<hbm>>
      %dma_wait3A_53 = arith.constant 0 : i32
      %dma_wait3A_54 = tpu.memref_slice %arg16[%mul3A_6, %dma_wait3A_53] : memref<10000x80xf32, #tpu.memory_space<vmem_shared>> -> memref<624x80xf32, #tpu.memory_space<vmem_shared>>
      tpu.wait_dma2 semaphore(%run_scoped3A : memref<!tpu.dma_semaphore, #tpu.memory_space<semaphore_mem>>) src(%dma_wait3A_54 : memref<624x80xf32, #tpu.memory_space<vmem_shared>>) dst(%dma_wait3A_52 : memref<624x80xf32, #tpu.memory_space<hbm>>)
      tpu.yield
    }) : () -> ()
    %eq3A_41 = arith.constant 15 : i32
    %eq3A_42 = arith.cmpi eq, %arg1, %eq3A_41 : i32
    %convert_element_type3A_43 = arith.extui %eq3A_42 : i1 to i32
    %cond3A_44 = arith.constant 0 : i32
    %cond3A_45 = arith.cmpi ne, %convert_element_type3A_43, %cond3A_44 : i32
    scf.if %cond3A_45 {
      "tpu.region"() ({
        %run_scoped3A = tpu.sem_alloc : memref<!tpu.dma_semaphore, #tpu.memory_space<semaphore_mem>>
        %dma_start3A_46 = arith.constant 9984 : i32
        %dma_start3A_47 = arith.constant 0 : i32
        %dma_start3A_48 = tpu.memref_slice %arg5[%arg0, %dma_start3A_46, %dma_start3A_47] : memref<2x10000x80xf32, #tpu.memory_space<hbm>> -> memref<1x16x80xf32, #tpu.memory_space<hbm>>
        %dma_start3A_49 = tpu.memref_squeeze %dma_start3A_48 : memref<1x16x80xf32, #tpu.memory_space<hbm>> -> memref<16x80xf32, #tpu.memory_space<hbm>>
        %dma_start3A_50 = arith.constant 9984 : i32
        %dma_start3A_51 = arith.constant 0 : i32
        %dma_start3A_52 = tpu.memref_slice %arg16[%dma_start3A_50, %dma_start3A_51] : memref<10000x80xf32, #tpu.memory_space<vmem_shared>> -> memref<16x80xf32, #tpu.memory_space<vmem_shared>>
        tpu.enqueue_dma source(%dma_start3A_52 : memref<16x80xf32, #tpu.memory_space<vmem_shared>>) target(%dma_start3A_49 : memref<16x80xf32, #tpu.memory_space<hbm>>) target_semaphore(%run_scoped3A : memref<!tpu.dma_semaphore, #tpu.memory_space<semaphore_mem>>)
        %dma_wait3A = arith.constant 9984 : i32
        %dma_wait3A_53 = arith.constant 0 : i32
        %dma_wait3A_54 = tpu.memref_slice %arg5[%arg0, %dma_wait3A, %dma_wait3A_53] : memref<2x10000x80xf32, #tpu.memory_space<hbm>> -> memref<1x16x80xf32, #tpu.memory_space<hbm>>
        %dma_wait3A_55 = tpu.memref_squeeze %dma_wait3A_54 : memref<1x16x80xf32, #tpu.memory_space<hbm>> -> memref<16x80xf32, #tpu.memory_space<hbm>>
        %dma_wait3A_56 = arith.constant 9984 : i32
        %dma_wait3A_57 = arith.constant 0 : i32
        %dma_wait3A_58 = tpu.memref_slice %arg16[%dma_wait3A_56, %dma_wait3A_57] : memref<10000x80xf32, #tpu.memory_space<vmem_shared>> -> memref<16x80xf32, #tpu.memory_space<vmem_shared>>
        tpu.wait_dma2 semaphore(%run_scoped3A : memref<!tpu.dma_semaphore, #tpu.memory_space<semaphore_mem>>) src(%dma_wait3A_58 : memref<16x80xf32, #tpu.memory_space<vmem_shared>>) dst(%dma_wait3A_55 : memref<16x80xf32, #tpu.memory_space<hbm>>)
        tpu.yield
      }) : () -> ()
    } else {
    }
    return
  }
}

module attributes {stable_mosaic.version = 14 : i64} {
  func.func @_pre_body(%arg0: i32, %arg1: memref<1000x128xf32, #tpu.memory_space<vmem>>, %arg2: memref<128x256xf32, #tpu.memory_space<vmem>>, %arg3: memref<256x4xf32, #tpu.memory_space<vmem>>, %arg4: memref<256x4xf32, #tpu.memory_space<vmem>>, %arg5: memref<2x1000x144xf32, #tpu.memory_space<vmem>>, %arg6: memref<1000x4xf32, #tpu.memory_space<vmem>>, %arg7: memref<1000x4xf32, #tpu.memory_space<vmem>>) attributes {dimension_semantics = [#tpu.dimension_semantics<arbitrary>], iteration_bounds = array<i64: 10>, scalar_prefetch = 0 : i64, scratch_operands = 0 : i64, tpu.core_type = #tpu.core_type<tc>, window_params = [{transform_indices = @transform_0, window_bounds = array<i64: 1000, 128>}, {pipeline_mode = #tpu.pipeline_mode<synchronous>, transform_indices = @transform_1, window_bounds = array<i64: 128, 256>}, {pipeline_mode = #tpu.pipeline_mode<synchronous>, transform_indices = @transform_2, window_bounds = array<i64: 256, 4>}, {pipeline_mode = #tpu.pipeline_mode<synchronous>, transform_indices = @transform_3, window_bounds = array<i64: 256, 4>}, {transform_indices = @transform_4, window_bounds = array<i64: 2, 1000, 144>}, {transform_indices = @transform_5, window_bounds = array<i64: 1000, 4>}, {transform_indices = @transform_6, window_bounds = array<i64: 1000, 4>}]} {
    %get3A = arith.constant 0 : index
    %get3A_0 = arith.constant 0 : index
    %get3A_1 = vector.load %arg1[%get3A, %get3A_0] : memref<1000x128xf32, #tpu.memory_space<vmem>>, vector<1000x128xf32>
    %get3A_2 = arith.constant 0 : index
    %get3A_3 = arith.constant 0 : index
    %get3A_4 = vector.load %arg2[%get3A_2, %get3A_3] : memref<128x256xf32, #tpu.memory_space<vmem>>, vector<128x256xf32>
    %dot_general3A = arith.constant dense<0.000000e+00> : vector<1000x256xf32>
    %dot_general3A_5 = tpu.matmul %get3A_1, %get3A_4, %dot_general3A {dimension_numbers = #tpu.dot_dimension_numbers<[1], [0], [0], [1], [0, 0, 1, 1], [], []>, transpose_lhs_hint = false} : vector<1000x128xf32>, vector<128x256xf32>, vector<1000x256xf32> -> vector<1000x256xf32>
    %get3A_6 = arith.constant 0 : index
    %get3A_7 = arith.constant 0 : index
    %get3A_8 = vector.load %arg3[%get3A_6, %get3A_7] : memref<256x4xf32, #tpu.memory_space<vmem>>, vector<256x4xf32>
    %dot_general3A_9 = arith.constant dense<0.000000e+00> : vector<1000x4xf32>
    %dot_general3A_10 = tpu.matmul %dot_general3A_5, %get3A_8, %dot_general3A_9 {dimension_numbers = #tpu.dot_dimension_numbers<[1], [0], [0], [1], [0, 0, 1, 1], [], []>, transpose_lhs_hint = false} : vector<1000x256xf32>, vector<256x4xf32>, vector<1000x4xf32> -> vector<1000x4xf32>
    %broadcast_in_dim3A = arith.constant 0.000000e+00 : f32
    %broadcast_in_dim3A_11 = vector.broadcast %broadcast_in_dim3A : f32 to vector<1000x14xf32>
    %slice3A = vector.extract_strided_slice %dot_general3A_5 {offsets = [0, 0], sizes = [1000, 128], strides = [1, 1]} : vector<1000x256xf32> to vector<1000x128xf32>
    %slice3A_12 = vector.extract_strided_slice %dot_general3A_10 {offsets = [0, 0], sizes = [1000, 2], strides = [1, 1]} : vector<1000x4xf32> to vector<1000x2xf32>
    %concatenate3A = tpu.concatenate %slice3A, %slice3A_12, %broadcast_in_dim3A_11 in 1 : vector<1000x128xf32>, vector<1000x2xf32>, vector<1000x14xf32> -> vector<1000x144xf32>
    %swap3A = arith.constant 0 : index
    %swap3A_13 = arith.constant 0 : index
    %swap3A_14 = arith.constant 0 : index
    %swap3A_15 = vector.load %arg5[%swap3A, %swap3A_13, %swap3A_14] : memref<2x1000x144xf32, #tpu.memory_space<vmem>>, vector<1x1000x144xf32>
    %swap3A_16 = vector.shape_cast %swap3A_15 : vector<1x1000x144xf32> to vector<1000x144xf32>
    %swap3A_17 = vector.shape_cast %concatenate3A : vector<1000x144xf32> to vector<1x1000x144xf32>
    tpu.vector_store %arg5[%swap3A, %swap3A_13, %swap3A_14], %swap3A_17 {strides = array<i32>} : memref<2x1000x144xf32, #tpu.memory_space<vmem>>, vector<1x1000x144xf32>,
    %slice3A_18 = vector.extract_strided_slice %dot_general3A_5 {offsets = [0, 128], sizes = [1000, 128], strides = [1, 1]} : vector<1000x256xf32> to vector<1000x128xf32>
    %slice3A_19 = vector.extract_strided_slice %dot_general3A_10 {offsets = [0, 2], sizes = [1000, 2], strides = [1, 1]} : vector<1000x4xf32> to vector<1000x2xf32>
    %concatenate3A_20 = tpu.concatenate %slice3A_18, %slice3A_19, %broadcast_in_dim3A_11 in 1 : vector<1000x128xf32>, vector<1000x2xf32>, vector<1000x14xf32> -> vector<1000x144xf32>
    %swap3A_21 = arith.constant 1 : index
    %swap3A_22 = arith.constant 0 : index
    %swap3A_23 = arith.constant 0 : index
    %swap3A_24 = vector.load %arg5[%swap3A_21, %swap3A_22, %swap3A_23] : memref<2x1000x144xf32, #tpu.memory_space<vmem>>, vector<1x1000x144xf32>
    %swap3A_25 = vector.shape_cast %swap3A_24 : vector<1x1000x144xf32> to vector<1000x144xf32>
    %swap3A_26 = vector.shape_cast %concatenate3A_20 : vector<1000x144xf32> to vector<1x1000x144xf32>
    tpu.vector_store %arg5[%swap3A_21, %swap3A_22, %swap3A_23], %swap3A_26 {strides = array<i32>} : memref<2x1000x144xf32, #tpu.memory_space<vmem>>, vector<1x1000x144xf32>,
    %swap3A_27 = arith.constant 0 : index
    %swap3A_28 = arith.constant 0 : index
    %swap3A_29 = vector.load %arg6[%swap3A_27, %swap3A_28] : memref<1000x4xf32, #tpu.memory_space<vmem>>, vector<1000x4xf32>
    tpu.vector_store %arg6[%swap3A_27, %swap3A_28], %dot_general3A_10 {strides = array<i32>} : memref<1000x4xf32, #tpu.memory_space<vmem>>, vector<1000x4xf32>,
    %get3A_30 = arith.constant 0 : index
    %get3A_31 = arith.constant 0 : index
    %get3A_32 = vector.load %arg4[%get3A_30, %get3A_31] : memref<256x4xf32, #tpu.memory_space<vmem>>, vector<256x4xf32>
    %dot_general3A_33 = arith.constant dense<0.000000e+00> : vector<1000x4xf32>
    %dot_general3A_34 = tpu.matmul %dot_general3A_5, %get3A_32, %dot_general3A_33 {dimension_numbers = #tpu.dot_dimension_numbers<[1], [0], [0], [1], [0, 0, 1, 1], [], []>, transpose_lhs_hint = false} : vector<1000x256xf32>, vector<256x4xf32>, vector<1000x4xf32> -> vector<1000x4xf32>
    %swap3A_35 = arith.constant 0 : index
    %swap3A_36 = arith.constant 0 : index
    %swap3A_37 = vector.load %arg7[%swap3A_35, %swap3A_36] : memref<1000x4xf32, #tpu.memory_space<vmem>>, vector<1000x4xf32>
    tpu.vector_store %arg7[%swap3A_35, %swap3A_36], %dot_general3A_34 {strides = array<i32>} : memref<1000x4xf32, #tpu.memory_space<vmem>>, vector<1000x4xf32>,
    return
  }
  func.func @transform_0(%arg0: i32) -> (i32, i32) {
    %c0_i32 = arith.constant 0 : i32
    %c0_i32_0 = arith.constant 0 : i32
    return %arg0, %c0_i32 : i32, i32
  }
  func.func @transform_1(%arg0: i32) -> (i32, i32) {
    %c0_i32 = arith.constant 0 : i32
    %c0_i32_0 = arith.constant 0 : i32
    %c0_i32_1 = arith.constant 0 : i32
    return %c0_i32, %c0_i32_0 : i32, i32
  }
  func.func @transform_2(%arg0: i32) -> (i32, i32) {
    %c0_i32 = arith.constant 0 : i32
    %c0_i32_0 = arith.constant 0 : i32
    %c0_i32_1 = arith.constant 0 : i32
    return %c0_i32, %c0_i32_0 : i32, i32
  }
  func.func @transform_3(%arg0: i32) -> (i32, i32) {
    %c0_i32 = arith.constant 0 : i32
    %c0_i32_0 = arith.constant 0 : i32
    %c0_i32_1 = arith.constant 0 : i32
    return %c0_i32, %c0_i32_0 : i32, i32
  }
  func.func @transform_4(%arg0: i32) -> (i32, i32, i32) {
    %c0_i32 = arith.constant 0 : i32
    %c0_i32_0 = arith.constant 0 : i32
    %c0_i32_1 = arith.constant 0 : i32
    return %c0_i32, %arg0, %c0_i32_0 : i32, i32, i32
  }
  func.func @transform_5(%arg0: i32) -> (i32, i32) {
    %c0_i32 = arith.constant 0 : i32
    %c0_i32_0 = arith.constant 0 : i32
    return %arg0, %c0_i32 : i32, i32
  }
  func.func @transform_6(%arg0: i32) -> (i32, i32) {
    %c0_i32 = arith.constant 0 : i32
    %c0_i32_0 = arith.constant 0 : i32
    return %arg0, %c0_i32 : i32, i32
  }
}

module attributes {stable_mosaic.version = 14 : i64} {
  func.func @_mid_body(%arg0: i32, %arg1: memref<2x1000x144xf32, #tpu.memory_space<vmem>>, %arg2: memref<1x256xf32, #tpu.memory_space<vmem>>, %arg3: memref<1000x256xf32, #tpu.memory_space<vmem>>, %arg4: memref<1x256xf32, #tpu.memory_space<vmem>>, %arg5: memref<1x256xf32, #tpu.memory_space<vmem>>) attributes {dimension_semantics = [#tpu.dimension_semantics<arbitrary>], iteration_bounds = array<i64: 10>, scalar_prefetch = 0 : i64, scratch_operands = 0 : i64, tpu.core_type = #tpu.core_type<tc>, window_params = [{transform_indices = @transform_0, window_bounds = array<i64: 2, 1000, 144>}, {pipeline_mode = #tpu.pipeline_mode<synchronous>, transform_indices = @transform_1, window_bounds = array<i64: 1, 256>}, {transform_indices = @transform_2, window_bounds = array<i64: 1000, 256>}, {pipeline_mode = #tpu.pipeline_mode<synchronous>, transform_indices = @transform_3, window_bounds = array<i64: 1, 256>}, {pipeline_mode = #tpu.pipeline_mode<synchronous>, transform_indices = @transform_4, window_bounds = array<i64: 1, 256>}]} {
    %get3A = arith.constant 0 : index
    %get3A_0 = arith.constant 0 : index
    %get3A_1 = arith.constant 0 : index
    %get3A_2 = vector.load %arg1[%get3A, %get3A_0, %get3A_1] : memref<2x1000x144xf32, #tpu.memory_space<vmem>>, vector<2x1000x144xf32>
    %slice3A = vector.extract_strided_slice %get3A_2 {offsets = [0, 0, 0], sizes = [1, 1000, 64], strides = [1, 1, 1]} : vector<2x1000x144xf32> to vector<1x1000x64xf32>
    %squeeze3A = vector.shape_cast %slice3A : vector<1x1000x64xf32> to vector<1000x64xf32>
    %slice3A_3 = vector.extract_strided_slice %get3A_2 {offsets = [0, 0, 128], sizes = [1, 1000, 1], strides = [1, 1, 1]} : vector<2x1000x144xf32> to vector<1x1000x1xf32>
    %squeeze3A_4 = vector.shape_cast %slice3A_3 : vector<1x1000x1xf32> to vector<1000xf32>
    %broadcast_in_dim3A = vector.shape_cast %squeeze3A_4 : vector<1000xf32> to vector<1000x1xf32>
    %add3A = arith.constant 1.000000e-16 : f32
    %add3A_5 = vector.broadcast %add3A : f32 to vector<1000x1xf32>
    %add3A_6 = arith.addf %broadcast_in_dim3A, %add3A_5 : vector<1000x1xf32>
    %div3A = vector.broadcast %add3A_6 : vector<1000x1xf32> to vector<1000x64xf32>
    %div3A_7 = arith.divf %squeeze3A, %div3A : vector<1000x64xf32>
    %slice3A_8 = vector.extract_strided_slice %get3A_2 {offsets = [0, 0, 64], sizes = [1, 1000, 64], strides = [1, 1, 1]} : vector<2x1000x144xf32> to vector<1x1000x64xf32>
    %squeeze3A_9 = vector.shape_cast %slice3A_8 : vector<1x1000x64xf32> to vector<1000x64xf32>
    %slice3A_10 = vector.extract_strided_slice %get3A_2 {offsets = [0, 0, 129], sizes = [1, 1000, 1], strides = [1, 1, 1]} : vector<2x1000x144xf32> to vector<1x1000x1xf32>
    %squeeze3A_11 = vector.shape_cast %slice3A_10 : vector<1x1000x1xf32> to vector<1000xf32>
    %broadcast_in_dim3A_12 = vector.shape_cast %squeeze3A_11 : vector<1000xf32> to vector<1000x1xf32>
    %add3A_13 = arith.constant 1.000000e-16 : f32
    %add3A_14 = vector.broadcast %add3A_13 : f32 to vector<1000x1xf32>
    %add3A_15 = arith.addf %broadcast_in_dim3A_12, %add3A_14 : vector<1000x1xf32>
    %div3A_16 = vector.broadcast %add3A_15 : vector<1000x1xf32> to vector<1000x64xf32>
    %div3A_17 = arith.divf %squeeze3A_9, %div3A_16 : vector<1000x64xf32>
    %slice3A_18 = vector.extract_strided_slice %get3A_2 {offsets = [1, 0, 0], sizes = [1, 1000, 64], strides = [1, 1, 1]} : vector<2x1000x144xf32> to vector<1x1000x64xf32>
    %squeeze3A_19 = vector.shape_cast %slice3A_18 : vector<1x1000x64xf32> to vector<1000x64xf32>
    %slice3A_20 = vector.extract_strided_slice %get3A_2 {offsets = [1, 0, 128], sizes = [1, 1000, 1], strides = [1, 1, 1]} : vector<2x1000x144xf32> to vector<1x1000x1xf32>
    %squeeze3A_21 = vector.shape_cast %slice3A_20 : vector<1x1000x1xf32> to vector<1000xf32>
    %broadcast_in_dim3A_22 = vector.shape_cast %squeeze3A_21 : vector<1000xf32> to vector<1000x1xf32>
    %add3A_23 = arith.constant 1.000000e-16 : f32
    %add3A_24 = vector.broadcast %add3A_23 : f32 to vector<1000x1xf32>
    %add3A_25 = arith.addf %broadcast_in_dim3A_22, %add3A_24 : vector<1000x1xf32>
    %div3A_26 = vector.broadcast %add3A_25 : vector<1000x1xf32> to vector<1000x64xf32>
    %div3A_27 = arith.divf %squeeze3A_19, %div3A_26 : vector<1000x64xf32>
    %slice3A_28 = vector.extract_strided_slice %get3A_2 {offsets = [1, 0, 64], sizes = [1, 1000, 64], strides = [1, 1, 1]} : vector<2x1000x144xf32> to vector<1x1000x64xf32>
    %squeeze3A_29 = vector.shape_cast %slice3A_28 : vector<1x1000x64xf32> to vector<1000x64xf32>
    %slice3A_30 = vector.extract_strided_slice %get3A_2 {offsets = [1, 0, 129], sizes = [1, 1000, 1], strides = [1, 1, 1]} : vector<2x1000x144xf32> to vector<1x1000x1xf32>
    %squeeze3A_31 = vector.shape_cast %slice3A_30 : vector<1x1000x1xf32> to vector<1000xf32>
    %broadcast_in_dim3A_32 = vector.shape_cast %squeeze3A_31 : vector<1000xf32> to vector<1000x1xf32>
    %add3A_33 = arith.constant 1.000000e-16 : f32
    %add3A_34 = vector.broadcast %add3A_33 : f32 to vector<1000x1xf32>
    %add3A_35 = arith.addf %broadcast_in_dim3A_32, %add3A_34 : vector<1000x1xf32>
    %div3A_36 = vector.broadcast %add3A_35 : vector<1000x1xf32> to vector<1000x64xf32>
    %div3A_37 = arith.divf %squeeze3A_29, %div3A_36 : vector<1000x64xf32>
    %concatenate3A = tpu.concatenate %div3A_7, %div3A_17, %div3A_27, %div3A_37 in 1 : vector<1000x64xf32>, vector<1000x64xf32>, vector<1000x64xf32>, vector<1000x64xf32> -> vector<1000x256xf32>
    %get3A_38 = arith.constant 0 : index
    %get3A_39 = arith.constant 0 : index
    %get3A_40 = vector.load %arg2[%get3A_38, %get3A_39] : memref<1x256xf32, #tpu.memory_space<vmem>>, vector<1x256xf32>
    %add3A_41 = vector.broadcast %get3A_40 : vector<1x256xf32> to vector<1000x256xf32>
    %add3A_42 = arith.addf %concatenate3A, %add3A_41 : vector<1000x256xf32>
    %swap3A = arith.constant 0 : index
    %swap3A_43 = arith.constant 0 : index
    %swap3A_44 = vector.load %arg3[%swap3A, %swap3A_43] : memref<1000x256xf32, #tpu.memory_space<vmem>>, vector<1000x256xf32>
    tpu.vector_store %arg3[%swap3A, %swap3A_43], %add3A_42 {strides = array<i32>} : memref<1000x256xf32, #tpu.memory_space<vmem>>, vector<1000x256xf32>,
    %eq3A = arith.constant 0 : i32
    %eq3A_45 = arith.cmpi eq, %arg0, %eq3A : i32
    %convert_element_type3A = arith.extui %eq3A_45 : i1 to i32
    %cond3A = arith.constant 0 : i32
    %cond3A_46 = arith.cmpi ne, %convert_element_type3A, %cond3A : i32
    scf.if %cond3A_46 {
      %broadcast_in_dim3A_66 = arith.constant 0.000000e+00 : f32
      %broadcast_in_dim3A_67 = vector.broadcast %broadcast_in_dim3A_66 : f32 to vector<1x256xf32>
      %swap3A_68 = arith.constant 0 : index
      %swap3A_69 = arith.constant 0 : index
      %swap3A_70 = vector.load %arg4[%swap3A_68, %swap3A_69] : memref<1x256xf32, #tpu.memory_space<vmem>>, vector<1x256xf32>
      tpu.vector_store %arg4[%swap3A_68, %swap3A_69], %broadcast_in_dim3A_67 {strides = array<i32>} : memref<1x256xf32, #tpu.memory_space<vmem>>, vector<1x256xf32>,
      %broadcast_in_dim3A_71 = arith.constant 0.000000e+00 : f32
      %broadcast_in_dim3A_72 = vector.broadcast %broadcast_in_dim3A_71 : f32 to vector<1x256xf32>
      %swap3A_73 = arith.constant 0 : index
      %swap3A_74 = arith.constant 0 : index
      %swap3A_75 = vector.load %arg5[%swap3A_73, %swap3A_74] : memref<1x256xf32, #tpu.memory_space<vmem>>, vector<1x256xf32>
      tpu.vector_store %arg5[%swap3A_73, %swap3A_74], %broadcast_in_dim3A_72 {strides = array<i32>} : memref<1x256xf32, #tpu.memory_space<vmem>>, vector<1x256xf32>,
    } else {
    }
    %get3A_47 = arith.constant 0 : index
    %get3A_48 = arith.constant 0 : index
    %get3A_49 = vector.load %arg4[%get3A_47, %get3A_48] : memref<1x256xf32, #tpu.memory_space<vmem>>, vector<1x256xf32>
    %reduce_sum3A = arith.constant dense<0.000000e+00> : vector<256xf32>
    %reduce_sum3A_50 = vector.multi_reduction <add>, %add3A_42, %reduce_sum3A [0] : vector<1000x256xf32> to vector<256xf32>
    %broadcast_in_dim3A_51 = vector.shape_cast %reduce_sum3A_50 : vector<256xf32> to vector<1x256xf32>
    %add3A_52 = arith.addf %get3A_49, %broadcast_in_dim3A_51 : vector<1x256xf32>
    %swap3A_53 = arith.constant 0 : index
    %swap3A_54 = arith.constant 0 : index
    %swap3A_55 = vector.load %arg4[%swap3A_53, %swap3A_54] : memref<1x256xf32, #tpu.memory_space<vmem>>, vector<1x256xf32>
    tpu.vector_store %arg4[%swap3A_53, %swap3A_54], %add3A_52 {strides = array<i32>} : memref<1x256xf32, #tpu.memory_space<vmem>>, vector<1x256xf32>,
    %get3A_56 = arith.constant 0 : index
    %get3A_57 = arith.constant 0 : index
    %get3A_58 = vector.load %arg5[%get3A_56, %get3A_57] : memref<1x256xf32, #tpu.memory_space<vmem>>, vector<1x256xf32>
    %mul3A = arith.mulf %add3A_42, %add3A_42 : vector<1000x256xf32>
    %reduce_sum3A_59 = arith.constant dense<0.000000e+00> : vector<256xf32>
    %reduce_sum3A_60 = vector.multi_reduction <add>, %mul3A, %reduce_sum3A_59 [0] : vector<1000x256xf32> to vector<256xf32>
    %broadcast_in_dim3A_61 = vector.shape_cast %reduce_sum3A_60 : vector<256xf32> to vector<1x256xf32>
    %add3A_62 = arith.addf %get3A_58, %broadcast_in_dim3A_61 : vector<1x256xf32>
    %swap3A_63 = arith.constant 0 : index
    %swap3A_64 = arith.constant 0 : index
    %swap3A_65 = vector.load %arg5[%swap3A_63, %swap3A_64] : memref<1x256xf32, #tpu.memory_space<vmem>>, vector<1x256xf32>
    tpu.vector_store %arg5[%swap3A_63, %swap3A_64], %add3A_62 {strides = array<i32>} : memref<1x256xf32, #tpu.memory_space<vmem>>, vector<1x256xf32>,
    return
  }
  func.func @transform_0(%arg0: i32) -> (i32, i32, i32) {
    %c0_i32 = arith.constant 0 : i32
    %c0_i32_0 = arith.constant 0 : i32
    %c0_i32_1 = arith.constant 0 : i32
    return %c0_i32, %arg0, %c0_i32_0 : i32, i32, i32
  }
  func.func @transform_1(%arg0: i32) -> (i32, i32) {
    %c0_i32 = arith.constant 0 : i32
    %c0_i32_0 = arith.constant 0 : i32
    %c0_i32_1 = arith.constant 0 : i32
    return %c0_i32, %c0_i32_0 : i32, i32
  }
  func.func @transform_2(%arg0: i32) -> (i32, i32) {
    %c0_i32 = arith.constant 0 : i32
    %c0_i32_0 = arith.constant 0 : i32
    return %arg0, %c0_i32 : i32, i32
  }
  func.func @transform_3(%arg0: i32) -> (i32, i32) {
    %c0_i32 = arith.constant 0 : i32
    %c0_i32_0 = arith.constant 0 : i32
    %c0_i32_1 = arith.constant 0 : i32
    return %c0_i32, %c0_i32_0 : i32, i32
  }
  func.func @transform_4(%arg0: i32) -> (i32, i32) {
    %c0_i32 = arith.constant 0 : i32
    %c0_i32_0 = arith.constant 0 : i32
    %c0_i32_1 = arith.constant 0 : i32
    return %c0_i32, %c0_i32_0 : i32, i32
  }
}

module attributes {stable_mosaic.version = 14 : i64} {
  func.func @_bnmm_body(%arg0: i32, %arg1: memref<1000x256xf32, #tpu.memory_space<vmem>>, %arg2: memref<1x256xf32, #tpu.memory_space<vmem>>, %arg3: memref<1x256xf32, #tpu.memory_space<vmem>>, %arg4: memref<1x256xf32, #tpu.memory_space<vmem>>, %arg5: memref<1x256xf32, #tpu.memory_space<vmem>>, %arg6: memref<256x64xf32, #tpu.memory_space<vmem>>, %arg7: memref<64x1xf32, #tpu.memory_space<vmem>>, %arg8: memref<64x1xf32, #tpu.memory_space<vmem>>, %arg9: memref<1000x80xf32, #tpu.memory_space<vmem>>, %arg10: memref<1000x2xf32, #tpu.memory_space<vmem>>) attributes {dimension_semantics = [#tpu.dimension_semantics<arbitrary>], iteration_bounds = array<i64: 10>, scalar_prefetch = 0 : i64, scratch_operands = 0 : i64, tpu.core_type = #tpu.core_type<tc>, window_params = [{transform_indices = @transform_0, window_bounds = array<i64: 1000, 256>}, {pipeline_mode = #tpu.pipeline_mode<synchronous>, transform_indices = @transform_1, window_bounds = array<i64: 1, 256>}, {pipeline_mode = #tpu.pipeline_mode<synchronous>, transform_indices = @transform_2, window_bounds = array<i64: 1, 256>}, {pipeline_mode = #tpu.pipeline_mode<synchronous>, transform_indices = @transform_3, window_bounds = array<i64: 1, 256>}, {pipeline_mode = #tpu.pipeline_mode<synchronous>, transform_indices = @transform_4, window_bounds = array<i64: 1, 256>}, {pipeline_mode = #tpu.pipeline_mode<synchronous>, transform_indices = @transform_5, window_bounds = array<i64: 256, 64>}, {pipeline_mode = #tpu.pipeline_mode<synchronous>, transform_indices = @transform_6, window_bounds = array<i64: 64, 1>}, {pipeline_mode = #tpu.pipeline_mode<synchronous>, transform_indices = @transform_7, window_bounds = array<i64: 64, 1>}, {transform_indices = @transform_8, window_bounds = array<i64: 1000, 80>}, {transform_indices = @transform_9, window_bounds = array<i64: 1000, 2>}]} {
    %get3A = arith.constant 0 : index
    %get3A_0 = arith.constant 0 : index
    %get3A_1 = vector.load %arg2[%get3A, %get3A_0] : memref<1x256xf32, #tpu.memory_space<vmem>>, vector<1x256xf32>
    %div3A = arith.constant 1.000000e+04 : f32
    %div3A_2 = vector.broadcast %div3A : f32 to vector<1x256xf32>
    %div3A_3 = arith.divf %get3A_1, %div3A_2 : vector<1x256xf32>
    %get3A_4 = arith.constant 0 : index
    %get3A_5 = arith.constant 0 : index
    %get3A_6 = vector.load %arg3[%get3A_4, %get3A_5] : memref<1x256xf32, #tpu.memory_space<vmem>>, vector<1x256xf32>
    %div3A_7 = arith.constant 1.000000e+04 : f32
    %div3A_8 = vector.broadcast %div3A_7 : f32 to vector<1x256xf32>
    %div3A_9 = arith.divf %get3A_6, %div3A_8 : vector<1x256xf32>
    %mul3A = arith.mulf %div3A_3, %div3A_3 : vector<1x256xf32>
    %sub3A = arith.subf %div3A_9, %mul3A : vector<1x256xf32>
    %get3A_10 = arith.constant 0 : index
    %get3A_11 = arith.constant 0 : index
    %get3A_12 = vector.load %arg4[%get3A_10, %get3A_11] : memref<1x256xf32, #tpu.memory_space<vmem>>, vector<1x256xf32>
    %get3A_13 = arith.constant 0 : index
    %get3A_14 = arith.constant 0 : index
    %get3A_15 = vector.load %arg1[%get3A_13, %get3A_14] : memref<1000x256xf32, #tpu.memory_space<vmem>>, vector<1000x256xf32>
    %sub3A_16 = vector.broadcast %div3A_3 : vector<1x256xf32> to vector<1000x256xf32>
    %sub3A_17 = arith.subf %get3A_15, %sub3A_16 : vector<1000x256xf32>
    %mul3A_18 = vector.broadcast %get3A_12 : vector<1x256xf32> to vector<1000x256xf32>
    %mul3A_19 = arith.mulf %mul3A_18, %sub3A_17 : vector<1000x256xf32>
    %add3A = arith.constant 9.99999974E-6 : f32
    %add3A_20 = vector.broadcast %add3A : f32 to vector<1x256xf32>
    %add3A_21 = arith.addf %sub3A, %add3A_20 : vector<1x256xf32>
    %sqrt3A = math.sqrt %add3A_21 : vector<1x256xf32>
    %div3A_22 = vector.broadcast %sqrt3A : vector<1x256xf32> to vector<1000x256xf32>
    %div3A_23 = arith.divf %mul3A_19, %div3A_22 : vector<1000x256xf32>
    %get3A_24 = arith.constant 0 : index
    %get3A_25 = arith.constant 0 : index
    %get3A_26 = vector.load %arg5[%get3A_24, %get3A_25] : memref<1x256xf32, #tpu.memory_space<vmem>>, vector<1x256xf32>
    %add3A_27 = vector.broadcast %get3A_26 : vector<1x256xf32> to vector<1000x256xf32>
    %add3A_28 = arith.addf %div3A_23, %add3A_27 : vector<1000x256xf32>
    %gt3A = arith.constant 0.000000e+00 : f32
    %gt3A_29 = vector.broadcast %gt3A : f32 to vector<1000x256xf32>
    %gt3A_30 = arith.cmpf ogt, %add3A_28, %gt3A_29 : vector<1000x256xf32>
    %min3A = arith.constant 0.000000e+00 : f32
    %min3A_31 = vector.broadcast %min3A : f32 to vector<1000x256xf32>
    %min3A_32 = arith.minimumf %add3A_28, %min3A_31 : vector<1000x256xf32>
    %exp3A = math.exp %min3A_32 : vector<1000x256xf32>
    %sub3A_33 = arith.constant 1.000000e+00 : f32
    %sub3A_34 = vector.broadcast %sub3A_33 : f32 to vector<1000x256xf32>
    %sub3A_35 = arith.subf %exp3A, %sub3A_34 : vector<1000x256xf32>
    %select_n3A = arith.select %gt3A_30, %add3A_28, %sub3A_35 : vector<1000x256xi1>, vector<1000x256xf32>
    %get3A_36 = arith.constant 0 : index
    %get3A_37 = arith.constant 0 : index
    %get3A_38 = vector.load %arg6[%get3A_36, %get3A_37] : memref<256x64xf32, #tpu.memory_space<vmem>>, vector<256x64xf32>
    %dot_general3A = arith.constant dense<0.000000e+00> : vector<1000x64xf32>
    %dot_general3A_39 = tpu.matmul %select_n3A, %get3A_38, %dot_general3A {dimension_numbers = #tpu.dot_dimension_numbers<[1], [0], [0], [1], [0, 0, 1, 1], [], []>, transpose_lhs_hint = false} : vector<1000x256xf32>, vector<256x64xf32>, vector<1000x64xf32> -> vector<1000x64xf32>
    %get3A_40 = arith.constant 0 : index
    %get3A_41 = arith.constant 0 : index
    %get3A_42 = vector.load %arg7[%get3A_40, %get3A_41] : memref<64x1xf32, #tpu.memory_space<vmem>>, vector<64x1xf32>
    %dot_general3A_43 = arith.constant dense<0.000000e+00> : vector<1000x1xf32>
    %dot_general3A_44 = tpu.matmul %dot_general3A_39, %get3A_42, %dot_general3A_43 {dimension_numbers = #tpu.dot_dimension_numbers<[1], [0], [0], [1], [0, 0, 1, 1], [], []>, transpose_lhs_hint = false} : vector<1000x64xf32>, vector<64x1xf32>, vector<1000x1xf32> -> vector<1000x1xf32>
    %get3A_45 = arith.constant 0 : index
    %get3A_46 = arith.constant 0 : index
    %get3A_47 = vector.load %arg8[%get3A_45, %get3A_46] : memref<64x1xf32, #tpu.memory_space<vmem>>, vector<64x1xf32>
    %dot_general3A_48 = arith.constant dense<0.000000e+00> : vector<1000x1xf32>
    %dot_general3A_49 = tpu.matmul %dot_general3A_39, %get3A_47, %dot_general3A_48 {dimension_numbers = #tpu.dot_dimension_numbers<[1], [0], [0], [1], [0, 0, 1, 1], [], []>, transpose_lhs_hint = false} : vector<1000x64xf32>, vector<64x1xf32>, vector<1000x1xf32> -> vector<1000x1xf32>
    %broadcast_in_dim3A = arith.constant 0.000000e+00 : f32
    %broadcast_in_dim3A_50 = vector.broadcast %broadcast_in_dim3A : f32 to vector<1000x15xf32>
    %concatenate3A = tpu.concatenate %dot_general3A_39, %dot_general3A_44, %broadcast_in_dim3A_50 in 1 : vector<1000x64xf32>, vector<1000x1xf32>, vector<1000x15xf32> -> vector<1000x80xf32>
    %swap3A = arith.constant 0 : index
    %swap3A_51 = arith.constant 0 : index
    %swap3A_52 = vector.load %arg9[%swap3A, %swap3A_51] : memref<1000x80xf32, #tpu.memory_space<vmem>>, vector<1000x80xf32>
    tpu.vector_store %arg9[%swap3A, %swap3A_51], %concatenate3A {strides = array<i32>} : memref<1000x80xf32, #tpu.memory_space<vmem>>, vector<1000x80xf32>,
    %concatenate3A_53 = tpu.concatenate %dot_general3A_44, %dot_general3A_49 in 1 : vector<1000x1xf32>, vector<1000x1xf32> -> vector<1000x2xf32>
    %swap3A_54 = arith.constant 0 : index
    %swap3A_55 = arith.constant 0 : index
    %swap3A_56 = vector.load %arg10[%swap3A_54, %swap3A_55] : memref<1000x2xf32, #tpu.memory_space<vmem>>, vector<1000x2xf32>
    tpu.vector_store %arg10[%swap3A_54, %swap3A_55], %concatenate3A_53 {strides = array<i32>} : memref<1000x2xf32, #tpu.memory_space<vmem>>, vector<1000x2xf32>,
    return
  }
  func.func @transform_0(%arg0: i32) -> (i32, i32) {
    %c0_i32 = arith.constant 0 : i32
    %c0_i32_0 = arith.constant 0 : i32
    return %arg0, %c0_i32 : i32, i32
  }
  func.func @transform_1(%arg0: i32) -> (i32, i32) {
    %c0_i32 = arith.constant 0 : i32
    %c0_i32_0 = arith.constant 0 : i32
    %c0_i32_1 = arith.constant 0 : i32
    return %c0_i32, %c0_i32_0 : i32, i32
  }
  func.func @transform_2(%arg0: i32) -> (i32, i32) {
    %c0_i32 = arith.constant 0 : i32
    %c0_i32_0 = arith.constant 0 : i32
    %c0_i32_1 = arith.constant 0 : i32
    return %c0_i32, %c0_i32_0 : i32, i32
  }
  func.func @transform_3(%arg0: i32) -> (i32, i32) {
    %c0_i32 = arith.constant 0 : i32
    %c0_i32_0 = arith.constant 0 : i32
    %c0_i32_1 = arith.constant 0 : i32
    return %c0_i32, %c0_i32_0 : i32, i32
  }
  func.func @transform_4(%arg0: i32) -> (i32, i32) {
    %c0_i32 = arith.constant 0 : i32
    %c0_i32_0 = arith.constant 0 : i32
    %c0_i32_1 = arith.constant 0 : i32
    return %c0_i32, %c0_i32_0 : i32, i32
  }
  func.func @transform_5(%arg0: i32) -> (i32, i32) {
    %c0_i32 = arith.constant 0 : i32
    %c0_i32_0 = arith.constant 0 : i32
    %c0_i32_1 = arith.constant 0 : i32
    return %c0_i32, %c0_i32_0 : i32, i32
  }
  func.func @transform_6(%arg0: i32) -> (i32, i32) {
    %c0_i32 = arith.constant 0 : i32
    %c0_i32_0 = arith.constant 0 : i32
    %c0_i32_1 = arith.constant 0 : i32
    return %c0_i32, %c0_i32_0 : i32, i32
  }
  func.func @transform_7(%arg0: i32) -> (i32, i32) {
    %c0_i32 = arith.constant 0 : i32
    %c0_i32_0 = arith.constant 0 : i32
    %c0_i32_1 = arith.constant 0 : i32
    return %c0_i32, %c0_i32_0 : i32, i32
  }
  func.func @transform_8(%arg0: i32) -> (i32, i32) {
    %c0_i32 = arith.constant 0 : i32
    %c0_i32_0 = arith.constant 0 : i32
    return %arg0, %c0_i32 : i32, i32
  }
  func.func @transform_9(%arg0: i32) -> (i32, i32) {
    %c0_i32 = arith.constant 0 : i32
    %c0_i32_0 = arith.constant 0 : i32
    return %arg0, %c0_i32 : i32, i32
  }
}

module attributes {stable_mosaic.version = 14 : i64} {
  func.func @_post_body(%arg0: i32, %arg1: memref<2x1000x80xf32, #tpu.memory_space<vmem>>, %arg2: memref<1x64xf32, #tpu.memory_space<vmem>>, %arg3: memref<1000x64xf32, #tpu.memory_space<vmem>>, %arg4: memref<1x64xf32, #tpu.memory_space<vmem>>, %arg5: memref<1x64xf32, #tpu.memory_space<vmem>>) attributes {dimension_semantics = [#tpu.dimension_semantics<arbitrary>], iteration_bounds = array<i64: 10>, scalar_prefetch = 0 : i64, scratch_operands = 0 : i64, tpu.core_type = #tpu.core_type<tc>, window_params = [{transform_indices = @transform_0, window_bounds = array<i64: 2, 1000, 80>}, {pipeline_mode = #tpu.pipeline_mode<synchronous>, transform_indices = @transform_1, window_bounds = array<i64: 1, 64>}, {transform_indices = @transform_2, window_bounds = array<i64: 1000, 64>}, {pipeline_mode = #tpu.pipeline_mode<synchronous>, transform_indices = @transform_3, window_bounds = array<i64: 1, 64>}, {pipeline_mode = #tpu.pipeline_mode<synchronous>, transform_indices = @transform_4, window_bounds = array<i64: 1, 64>}]} {
    %get3A = arith.constant 0 : index
    %get3A_0 = arith.constant 0 : index
    %get3A_1 = arith.constant 64 : index
    %get3A_2 = vector.load %arg1[%get3A, %get3A_0, %get3A_1] : memref<2x1000x80xf32, #tpu.memory_space<vmem>>, vector<1x1000x1xf32>
    %get3A_3 = vector.shape_cast %get3A_2 : vector<1x1000x1xf32> to vector<1000xf32>
    %get3A_4 = arith.constant 1 : index
    %get3A_5 = arith.constant 0 : index
    %get3A_6 = arith.constant 64 : index
    %get3A_7 = vector.load %arg1[%get3A_4, %get3A_5, %get3A_6] : memref<2x1000x80xf32, #tpu.memory_space<vmem>>, vector<1x1000x1xf32>
    %get3A_8 = vector.shape_cast %get3A_7 : vector<1x1000x1xf32> to vector<1000xf32>
    %add3A = arith.addf %get3A_3, %get3A_8 : vector<1000xf32>
    %get3A_9 = arith.constant 0 : index
    %get3A_10 = arith.constant 0 : index
    %get3A_11 = arith.constant 0 : index
    %get3A_12 = vector.load %arg1[%get3A_9, %get3A_10, %get3A_11] : memref<2x1000x80xf32, #tpu.memory_space<vmem>>, vector<1x1000x64xf32>
    %get3A_13 = vector.shape_cast %get3A_12 : vector<1x1000x64xf32> to vector<1000x64xf32>
    %get3A_14 = arith.constant 1 : index
    %get3A_15 = arith.constant 0 : index
    %get3A_16 = arith.constant 0 : index
    %get3A_17 = vector.load %arg1[%get3A_14, %get3A_15, %get3A_16] : memref<2x1000x80xf32, #tpu.memory_space<vmem>>, vector<1x1000x64xf32>
    %get3A_18 = vector.shape_cast %get3A_17 : vector<1x1000x64xf32> to vector<1000x64xf32>
    %add3A_19 = arith.addf %get3A_13, %get3A_18 : vector<1000x64xf32>
    %broadcast_in_dim3A = vector.shape_cast %add3A : vector<1000xf32> to vector<1000x1xf32>
    %add3A_20 = arith.constant 1.000000e-16 : f32
    %add3A_21 = vector.broadcast %add3A_20 : f32 to vector<1000x1xf32>
    %add3A_22 = arith.addf %broadcast_in_dim3A, %add3A_21 : vector<1000x1xf32>
    %div3A = vector.broadcast %add3A_22 : vector<1000x1xf32> to vector<1000x64xf32>
    %div3A_23 = arith.divf %add3A_19, %div3A : vector<1000x64xf32>
    %get3A_24 = arith.constant 0 : index
    %get3A_25 = arith.constant 0 : index
    %get3A_26 = vector.load %arg2[%get3A_24, %get3A_25] : memref<1x64xf32, #tpu.memory_space<vmem>>, vector<1x64xf32>
    %add3A_27 = vector.broadcast %get3A_26 : vector<1x64xf32> to vector<1000x64xf32>
    %add3A_28 = arith.addf %div3A_23, %add3A_27 : vector<1000x64xf32>
    %swap3A = arith.constant 0 : index
    %swap3A_29 = arith.constant 0 : index
    %swap3A_30 = vector.load %arg3[%swap3A, %swap3A_29] : memref<1000x64xf32, #tpu.memory_space<vmem>>, vector<1000x64xf32>
    tpu.vector_store %arg3[%swap3A, %swap3A_29], %add3A_28 {strides = array<i32>} : memref<1000x64xf32, #tpu.memory_space<vmem>>, vector<1000x64xf32>,
    %eq3A = arith.constant 0 : i32
    %eq3A_31 = arith.cmpi eq, %arg0, %eq3A : i32
    %convert_element_type3A = arith.extui %eq3A_31 : i1 to i32
    %cond3A = arith.constant 0 : i32
    %cond3A_32 = arith.cmpi ne, %convert_element_type3A, %cond3A : i32
    scf.if %cond3A_32 {
      %broadcast_in_dim3A_52 = arith.constant 0.000000e+00 : f32
      %broadcast_in_dim3A_53 = vector.broadcast %broadcast_in_dim3A_52 : f32 to vector<1x64xf32>
      %swap3A_54 = arith.constant 0 : index
      %swap3A_55 = arith.constant 0 : index
      %swap3A_56 = vector.load %arg4[%swap3A_54, %swap3A_55] : memref<1x64xf32, #tpu.memory_space<vmem>>, vector<1x64xf32>
      tpu.vector_store %arg4[%swap3A_54, %swap3A_55], %broadcast_in_dim3A_53 {strides = array<i32>} : memref<1x64xf32, #tpu.memory_space<vmem>>, vector<1x64xf32>,
      %broadcast_in_dim3A_57 = arith.constant 0.000000e+00 : f32
      %broadcast_in_dim3A_58 = vector.broadcast %broadcast_in_dim3A_57 : f32 to vector<1x64xf32>
      %swap3A_59 = arith.constant 0 : index
      %swap3A_60 = arith.constant 0 : index
      %swap3A_61 = vector.load %arg5[%swap3A_59, %swap3A_60] : memref<1x64xf32, #tpu.memory_space<vmem>>, vector<1x64xf32>
      tpu.vector_store %arg5[%swap3A_59, %swap3A_60], %broadcast_in_dim3A_58 {strides = array<i32>} : memref<1x64xf32, #tpu.memory_space<vmem>>, vector<1x64xf32>,
    } else {
    }
    %get3A_33 = arith.constant 0 : index
    %get3A_34 = arith.constant 0 : index
    %get3A_35 = vector.load %arg4[%get3A_33, %get3A_34] : memref<1x64xf32, #tpu.memory_space<vmem>>, vector<1x64xf32>
    %reduce_sum3A = arith.constant dense<0.000000e+00> : vector<64xf32>
    %reduce_sum3A_36 = vector.multi_reduction <add>, %add3A_28, %reduce_sum3A [0] : vector<1000x64xf32> to vector<64xf32>
    %broadcast_in_dim3A_37 = vector.shape_cast %reduce_sum3A_36 : vector<64xf32> to vector<1x64xf32>
    %add3A_38 = arith.addf %get3A_35, %broadcast_in_dim3A_37 : vector<1x64xf32>
    %swap3A_39 = arith.constant 0 : index
    %swap3A_40 = arith.constant 0 : index
    %swap3A_41 = vector.load %arg4[%swap3A_39, %swap3A_40] : memref<1x64xf32, #tpu.memory_space<vmem>>, vector<1x64xf32>
    tpu.vector_store %arg4[%swap3A_39, %swap3A_40], %add3A_38 {strides = array<i32>} : memref<1x64xf32, #tpu.memory_space<vmem>>, vector<1x64xf32>,
    %get3A_42 = arith.constant 0 : index
    %get3A_43 = arith.constant 0 : index
    %get3A_44 = vector.load %arg5[%get3A_42, %get3A_43] : memref<1x64xf32, #tpu.memory_space<vmem>>, vector<1x64xf32>
    %mul3A = arith.mulf %add3A_28, %add3A_28 : vector<1000x64xf32>
    %reduce_sum3A_45 = arith.constant dense<0.000000e+00> : vector<64xf32>
    %reduce_sum3A_46 = vector.multi_reduction <add>, %mul3A, %reduce_sum3A_45 [0] : vector<1000x64xf32> to vector<64xf32>
    %broadcast_in_dim3A_47 = vector.shape_cast %reduce_sum3A_46 : vector<64xf32> to vector<1x64xf32>
    %add3A_48 = arith.addf %get3A_44, %broadcast_in_dim3A_47 : vector<1x64xf32>
    %swap3A_49 = arith.constant 0 : index
    %swap3A_50 = arith.constant 0 : index
    %swap3A_51 = vector.load %arg5[%swap3A_49, %swap3A_50] : memref<1x64xf32, #tpu.memory_space<vmem>>, vector<1x64xf32>
    tpu.vector_store %arg5[%swap3A_49, %swap3A_50], %add3A_48 {strides = array<i32>} : memref<1x64xf32, #tpu.memory_space<vmem>>, vector<1x64xf32>,
    return
  }
  func.func @transform_0(%arg0: i32) -> (i32, i32, i32) {
    %c0_i32 = arith.constant 0 : i32
    %c0_i32_0 = arith.constant 0 : i32
    %c0_i32_1 = arith.constant 0 : i32
    return %c0_i32, %arg0, %c0_i32_0 : i32, i32, i32
  }
  func.func @transform_1(%arg0: i32) -> (i32, i32) {
    %c0_i32 = arith.constant 0 : i32
    %c0_i32_0 = arith.constant 0 : i32
    %c0_i32_1 = arith.constant 0 : i32
    return %c0_i32, %c0_i32_0 : i32, i32
  }
  func.func @transform_2(%arg0: i32) -> (i32, i32) {
    %c0_i32 = arith.constant 0 : i32
    %c0_i32_0 = arith.constant 0 : i32
    return %arg0, %c0_i32 : i32, i32
  }
  func.func @transform_3(%arg0: i32) -> (i32, i32) {
    %c0_i32 = arith.constant 0 : i32
    %c0_i32_0 = arith.constant 0 : i32
    %c0_i32_1 = arith.constant 0 : i32
    return %c0_i32, %c0_i32_0 : i32, i32
  }
  func.func @transform_4(%arg0: i32) -> (i32, i32) {
    %c0_i32 = arith.constant 0 : i32
    %c0_i32_0 = arith.constant 0 : i32
    %c0_i32_1 = arith.constant 0 : i32
    return %c0_i32, %c0_i32_0 : i32, i32
  }
}

module attributes {stable_mosaic.version = 14 : i64} {
  func.func @_final_body(%arg0: i32, %arg1: memref<1000x64xf32, #tpu.memory_space<vmem>>, %arg2: memref<1x64xf32, #tpu.memory_space<vmem>>, %arg3: memref<1x64xf32, #tpu.memory_space<vmem>>, %arg4: memref<1x64xf32, #tpu.memory_space<vmem>>, %arg5: memref<1x64xf32, #tpu.memory_space<vmem>>, %arg6: memref<1000x64xf32, #tpu.memory_space<vmem>>) attributes {dimension_semantics = [#tpu.dimension_semantics<arbitrary>], iteration_bounds = array<i64: 10>, scalar_prefetch = 0 : i64, scratch_operands = 0 : i64, tpu.core_type = #tpu.core_type<tc>, window_params = [{transform_indices = @transform_0, window_bounds = array<i64: 1000, 64>}, {pipeline_mode = #tpu.pipeline_mode<synchronous>, transform_indices = @transform_1, window_bounds = array<i64: 1, 64>}, {pipeline_mode = #tpu.pipeline_mode<synchronous>, transform_indices = @transform_2, window_bounds = array<i64: 1, 64>}, {pipeline_mode = #tpu.pipeline_mode<synchronous>, transform_indices = @transform_3, window_bounds = array<i64: 1, 64>}, {pipeline_mode = #tpu.pipeline_mode<synchronous>, transform_indices = @transform_4, window_bounds = array<i64: 1, 64>}, {transform_indices = @transform_5, window_bounds = array<i64: 1000, 64>}]} {
    %get3A = arith.constant 0 : index
    %get3A_0 = arith.constant 0 : index
    %get3A_1 = vector.load %arg2[%get3A, %get3A_0] : memref<1x64xf32, #tpu.memory_space<vmem>>, vector<1x64xf32>
    %div3A = arith.constant 1.000000e+04 : f32
    %div3A_2 = vector.broadcast %div3A : f32 to vector<1x64xf32>
    %div3A_3 = arith.divf %get3A_1, %div3A_2 : vector<1x64xf32>
    %get3A_4 = arith.constant 0 : index
    %get3A_5 = arith.constant 0 : index
    %get3A_6 = vector.load %arg3[%get3A_4, %get3A_5] : memref<1x64xf32, #tpu.memory_space<vmem>>, vector<1x64xf32>
    %div3A_7 = arith.constant 1.000000e+04 : f32
    %div3A_8 = vector.broadcast %div3A_7 : f32 to vector<1x64xf32>
    %div3A_9 = arith.divf %get3A_6, %div3A_8 : vector<1x64xf32>
    %mul3A = arith.mulf %div3A_3, %div3A_3 : vector<1x64xf32>
    %sub3A = arith.subf %div3A_9, %mul3A : vector<1x64xf32>
    %get3A_10 = arith.constant 0 : index
    %get3A_11 = arith.constant 0 : index
    %get3A_12 = vector.load %arg4[%get3A_10, %get3A_11] : memref<1x64xf32, #tpu.memory_space<vmem>>, vector<1x64xf32>
    %get3A_13 = arith.constant 0 : index
    %get3A_14 = arith.constant 0 : index
    %get3A_15 = vector.load %arg1[%get3A_13, %get3A_14] : memref<1000x64xf32, #tpu.memory_space<vmem>>, vector<1000x64xf32>
    %sub3A_16 = vector.broadcast %div3A_3 : vector<1x64xf32> to vector<1000x64xf32>
    %sub3A_17 = arith.subf %get3A_15, %sub3A_16 : vector<1000x64xf32>
    %mul3A_18 = vector.broadcast %get3A_12 : vector<1x64xf32> to vector<1000x64xf32>
    %mul3A_19 = arith.mulf %mul3A_18, %sub3A_17 : vector<1000x64xf32>
    %add3A = arith.constant 9.99999974E-6 : f32
    %add3A_20 = vector.broadcast %add3A : f32 to vector<1x64xf32>
    %add3A_21 = arith.addf %sub3A, %add3A_20 : vector<1x64xf32>
    %sqrt3A = math.sqrt %add3A_21 : vector<1x64xf32>
    %div3A_22 = vector.broadcast %sqrt3A : vector<1x64xf32> to vector<1000x64xf32>
    %div3A_23 = arith.divf %mul3A_19, %div3A_22 : vector<1000x64xf32>
    %get3A_24 = arith.constant 0 : index
    %get3A_25 = arith.constant 0 : index
    %get3A_26 = vector.load %arg5[%get3A_24, %get3A_25] : memref<1x64xf32, #tpu.memory_space<vmem>>, vector<1x64xf32>
    %add3A_27 = vector.broadcast %get3A_26 : vector<1x64xf32> to vector<1000x64xf32>
    %add3A_28 = arith.addf %div3A_23, %add3A_27 : vector<1000x64xf32>
    %gt3A = arith.constant 0.000000e+00 : f32
    %gt3A_29 = vector.broadcast %gt3A : f32 to vector<1000x64xf32>
    %gt3A_30 = arith.cmpf ogt, %add3A_28, %gt3A_29 : vector<1000x64xf32>
    %min3A = arith.constant 0.000000e+00 : f32
    %min3A_31 = vector.broadcast %min3A : f32 to vector<1000x64xf32>
    %min3A_32 = arith.minimumf %add3A_28, %min3A_31 : vector<1000x64xf32>
    %exp3A = math.exp %min3A_32 : vector<1000x64xf32>
    %sub3A_33 = arith.constant 1.000000e+00 : f32
    %sub3A_34 = vector.broadcast %sub3A_33 : f32 to vector<1000x64xf32>
    %sub3A_35 = arith.subf %exp3A, %sub3A_34 : vector<1000x64xf32>
    %select_n3A = arith.select %gt3A_30, %add3A_28, %sub3A_35 : vector<1000x64xi1>, vector<1000x64xf32>
    %swap3A = arith.constant 0 : index
    %swap3A_36 = arith.constant 0 : index
    %swap3A_37 = vector.load %arg6[%swap3A, %swap3A_36] : memref<1000x64xf32, #tpu.memory_space<vmem>>, vector<1000x64xf32>
    tpu.vector_store %arg6[%swap3A, %swap3A_36], %select_n3A {strides = array<i32>} : memref<1000x64xf32, #tpu.memory_space<vmem>>, vector<1000x64xf32>,
    return
  }
  func.func @transform_0(%arg0: i32) -> (i32, i32) {
    %c0_i32 = arith.constant 0 : i32
    %c0_i32_0 = arith.constant 0 : i32
    return %arg0, %c0_i32 : i32, i32
  }
  func.func @transform_1(%arg0: i32) -> (i32, i32) {
    %c0_i32 = arith.constant 0 : i32
    %c0_i32_0 = arith.constant 0 : i32
    %c0_i32_1 = arith.constant 0 : i32
    return %c0_i32, %c0_i32_0 : i32, i32
  }
  func.func @transform_2(%arg0: i32) -> (i32, i32) {
    %c0_i32 = arith.constant 0 : i32
    %c0_i32_0 = arith.constant 0 : i32
    %c0_i32_1 = arith.constant 0 : i32
    return %c0_i32, %c0_i32_0 : i32, i32
  }
  func.func @transform_3(%arg0: i32) -> (i32, i32) {
    %c0_i32 = arith.constant 0 : i32
    %c0_i32_0 = arith.constant 0 : i32
    %c0_i32_1 = arith.constant 0 : i32
    return %c0_i32, %c0_i32_0 : i32, i32
  }
  func.func @transform_4(%arg0: i32) -> (i32, i32) {
    %c0_i32 = arith.constant 0 : i32
    %c0_i32_0 = arith.constant 0 : i32
    %c0_i32_1 = arith.constant 0 : i32
    return %c0_i32, %c0_i32_0 : i32, i32
  }
  func.func @transform_5(%arg0: i32) -> (i32, i32) {
    %c0_i32 = arith.constant 0 : i32
    %c0_i32_0 = arith.constant 0 : i32
    return %arg0, %c0_i32 : i32, i32
  }
}

</mosaic_0001>

<sc_bundles>
// kernel: kernel.12.cloned.1.call-start
scs
__scs_entry_jumppad:
0x0: {  	(pc) =	sbr.rel $0x88, $3  }
0x1: {  	(tag) =	ssettag $0x0;
	lr =	simm.s32 $0x1  }
0x2: {  	[smem:$0x3F93] =	sst lr;
	_ =	strace $0xD0000000  }
0x3: {  	_ = 	snop  }
0x4: {  	_ = 	snop  }
0x5: {  	_ = 	snop  }
0x6: {  	_ = 	snop  }
0x7: {  	_ = 	snop  }
__scs_overlays_trampoline_lowered:
0x8: {  	[smem:$0x3FA2] =	sst s0  }
0x9: {  	[smem:$0x3FA3] =	sst s1  }
0xa: {  	[smem:$0x3FA4] =	sst s2  }
0xb: {  	[smem:$0x3FA5] =	sst s3  }
0xc: {  	[smem:$0x3FA6] =	sst s4  }
0xd: {  	[smem:$0x3FA7] =	sst s5  }
0xe: {  	[smem:$0x3FA8] =	sst s6  }
0xf: {  	[smem:$0x3FA9] =	sst s7  }
0x10: {  	[smem:$0x3FAA] =	sst s8  }
0x11: {  	[smem:$0x3FAB] =	sst s9;
	s0 =	simm.s32 @!p0 $0x0  }
0x12: {  	s1 =	sld [smem:$0x3F91];
	s0 =	simm.s32 @p0 $0x1  }
0x13: {  	[smem:$0x3FAC] =	sst s0;
	s0 =	simm.s32 @!p1 $0x0  }
0x14: {  	s2 =	sld [smem:$0x3F90];
	s0 =	simm.s32 @p1 $0x1  }
0x15: {  	[smem:$0x3FAD] =	sst s0;
	s0 =	simm.s32 @!p2 $0x0  }
0x16: {  	s3 =	sld [smem:$0x3FDB];
	s0 =	simm.s32 @p2 $0x1  }
0x17: {  	s4 =	simm.s32 $0x1BF5;
	[smem:$0x3FAF] =	sst s0  }
0x18: {  	s0 =	sld [smem:$0x3F92];
	_ =	swait.ge [sflag:s4], $0x0  }
0x19: {  	s7 =	sld [smem:$0x3F93]  }
0x1a: {  	s8 =	sadd.s32 $0xFFFFE003, lr  }
0x1b: {  	s9 =	sadd.s32 $0xFFFFFEF7, lr;
	s5 =	simm.s32 $0xFFFFFFFF;
	p2 =	slt.u32 s8, $0xFFFFF086  }
0x1c: {  	p1 =	slt.u32 s9, $0xF7A;
	s5 =	simm.s32 @!p2 $0x0  }
0x1d: {  	s5 =	simm.s32 @p1 $0x1;
	p0 =	seq.s32 s7, s2  }
0x1e: {  	s7 =	smul.u32 @!p0 $0xF7A, s2;
	p2 =	seq.s32 @!p0 s5, $0x0  }
0x1f: {  	s9 =	smul.u32 $0xF7A, s1;
	s8 =	simm.s32 @!p0 $0x1BF5;
	p2 =	por !p2, p0  }
0x20: {  	[sflag:s8] =	ssyncset.s32 @!p0 $0xFFFFF086;
	s6 =	sadd.s32 @!p0 s3, s7;
	s7 =	simm.s32 @!p0 $0x108  }
0x21: {  	s3 =	sadd.s32 s3, s9;
	s6 =	sadd.s32 @!p0 $0x88, s6;
	s7 =	simm.s32 @p2 $0x1082  }
0x22: {  	[simem:s7], [sflag:s8] =	dma.local @!p0 [hbm:s6], $0xF7A  }
0x23: {  	s9 =	sor.u32 $0xD0000000, s2;
	s6 =	simm.s32 $0x108;
	_ =	swait.ge @!p0 [sflag:s8], $0x0  }
0x24: {  	s3 =	sadd.s32 $0x88, s3;
	s6 =	simm.s32 @!p1 $0x1082;
	[sflag:s4] =	ssyncset.s32 $0xFFFFF086  }
0x25: {  	[simem:s6], [sflag:s4] =	dma.local [hbm:s3], $0xF7A  }
0x26: {  	[smem:$0x3F93] =	sst s1;
	(tag) =	ssettag s2;
	_ =	strace s9  }
0x27: {  	s1 =	sld [smem:$0x3FA3]  }
0x28: {  	s2 =	sld [smem:$0x3FA4]  }
0x29: {  	s4 =	sld [smem:$0x3FA6]  }
0x2a: {  	p0 =	seq.s32 s5, $0x0;
	s5 =	sld [smem:$0x3FA7]  }
0x2b: {  	s6 =	sld [smem:$0x3FA8]  }
0x2c: {  	s7 =	sld [smem:$0x3FA9]  }
0x2d: {  	s3 =	simm.s32 $0x108;
	s8 =	sld [smem:$0x3FAA]  }
0x2e: {  	s3 =	simm.s32 @!p0 $0x1082;
	s9 =	sld [smem:$0x3FAB]  }
0x2f: {  	lr =	sadd.s32 s0, s3;
	s0 =	sld [smem:$0x3FA2]  }
0x30: {  	s3 =	sld [smem:$0x3FA5]  }
0x31: {  	[smem:$0x3FAE] =	sst s10  }
0x32: {  	s10 =	sld [smem:$0x3FAC];
	_ =	sdelay $0x3  }
0x33: {  	p0 =	seq.s32 s10, $0x1;
	s10 =	sld [smem:$0x3FAE];
	_ =	sdelay $0x3  }
0x34: {  	[smem:$0x3FAE] =	sst s10  }
0x35: {  	s10 =	sld [smem:$0x3FAD];
	_ =	sdelay $0x3  }
0x36: {  	p1 =	seq.s32 s10, $0x1;
	s10 =	sld [smem:$0x3FAE];
	_ =	sdelay $0x3  }
0x37: {  	[smem:$0x3FAE] =	sst s10  }
0x38: {  	s10 =	sld [smem:$0x3FAF]  }
0x39: {  	_ = 	snop;
	(pc) =	sbr.ind lr, $3  }
0x3a: {  	_ = 	snop  }
0x3b: {  	_ = 	snop  }
0x3c: {  	p2 =	seq.s32 s10, $0x1;
	s10 =	sld [smem:$0x3FAE]  }
0x3d: {  	_ =	shalt  }
0x3e: {  	_ =	shalt  }
0x3f: {  	_ =	shalt  }
0x40: {  	_ =	shalt  }
0x41: {  	_ =	shalt  }
0x42: {  	_ =	shalt  }
0x43: {  	_ =	shalt  }
0x44: {  	_ =	shalt  }
0x45: {  	_ =	shalt  }
0x46: {  	_ =	shalt  }
0x47: {  	_ =	shalt  }
0x48: {  	_ =	shalt  }
0x49: {  	_ =	shalt  }
0x4a: {  	_ =	shalt  }
0x4b: {  	_ =	shalt  }
0x4c: {  	_ =	shalt  }
0x4d: {  	_ =	shalt  }
0x4e: {  	_ =	shalt  }
0x4f: {  	_ =	shalt  }
0x50: {  	_ =	shalt  }
0x51: {  	_ =	shalt  }
0x52: {  	_ =	shalt  }
0x53: {  	_ =	shalt  }
0x54: {  	_ =	shalt  }
0x55: {  	_ =	shalt  }
0x56: {  	_ =	shalt  }
0x57: {  	_ =	shalt  }
0x58: {  	_ =	shalt  }
0x59: {  	_ =	shalt  }
0x5a: {  	_ =	shalt  }
0x5b: {  	_ =	shalt  }
0x5c: {  	_ =	shalt  }
0x5d: {  	_ =	shalt  }
0x5e: {  	_ =	shalt  }
0x5f: {  	_ =	shalt  }
0x60: {  	_ =	shalt  }
0x61: {  	_ =	shalt  }
0x62: {  	_ =	shalt  }
0x63: {  	_ =	shalt  }
0x64: {  	_ =	shalt  }
0x65: {  	_ =	shalt  }
0x66: {  	_ =	shalt  }
0x67: {  	_ =	shalt  }
0x68: {  	_ =	shalt  }
0x69: {  	_ =	shalt  }
0x6a: {  	_ =	shalt  }
0x6b: {  	_ =	shalt  }
0x6c: {  	_ =	shalt  }
0x6d: {  	_ =	shalt  }
0x6e: {  	_ =	shalt  }
0x6f: {  	_ =	shalt  }
0x70: {  	_ =	shalt  }
0x71: {  	_ =	shalt  }
0x72: {  	_ =	shalt  }
0x73: {  	_ =	shalt  }
0x74: {  	_ =	shalt  }
0x75: {  	_ =	shalt  }
0x76: {  	_ =	shalt  }
0x77: {  	_ =	shalt  }
0x78: {  	_ =	shalt  }
0x79: {  	_ =	shalt  }
0x7a: {  	_ =	shalt  }
0x7b: {  	_ =	shalt  }
0x7c: {  	_ =	shalt  }
0x7d: {  	_ =	shalt  }
0x7e: {  	_ =	shalt  }
0x7f: {  	_ =	shalt  }
0x80: {  	_ =	shalt  }
0x81: {  	_ =	shalt  }
0x82: {  	_ =	shalt  }
0x83: {  	_ =	shalt  }
0x84: {  	_ =	shalt  }
0x85: {  	_ =	shalt  }
0x86: {  	_ =	shalt  }
0x87: {  	_ =	shalt  }
.Lfunc_end0:
.L_simem_size_0:
called_computation.1_lowered:
.L_overlay_start_0:
0x88: {  	s2 =	sld [smem:$0x3FD9]  }
0x89: {  	s3 =	sld [smem:$0x3FFE];
	_ =	sdelay $0x1  }
0x8a: {  	s1 =	srdreg.scid  }
0x8b: {  	s0 =	sand.u32 $0x1, s1  }
0x8c: {  	s17 =	sshll.u32 s0, $0xA;
	s2 =	sadd.s32 s3, s2  }
0x8d: {  	s2 =	sadd.s32 s2, s17  }
0x8e: {  	[smem:$0x3FBA] =	sst s2  }
0x8f: {  	_ = 	snop  }
0x90: {  	s2 =	sld [smem:$0x3FD0];
	(tm) =	ssettm $0x1  }
0x91: {  	s18 =	sld [smem:$0x3FFB];
	_ =	sdelay $0x3  }
0x92: {  	_ =	strace s18  }
0x93: {  	s3 =	sld [smem:$0x3FFC];
	_ =	sdelay $0x3  }
0x94: {  	_ =	strace s3  }
0x95: {  	s3 =	sld [smem:$0x3FFD];
	_ =	sdelay $0x3  }
0x96: {  	_ =	strace s3  }
0x97: {  	_ =	strace $0x8FFFFFFF  }
0x98: {  	s19 =	sld [smem:$0x3FDB];
	_ =	sdelay $0x1  }
0x99: {  	s4 =	simm.s32 $_scs_section_size  }
0x9a: {  	s5 =	simm.s32 $_size__tile_overlayer_lowered;
	s6 =	simm.s32 $_tile_overlayer_lowered  }
0x9b: {  	s22 =	simm.s32 $0x1BFF;
	s21 =	sshll.u32 s6, $0x1;
	s3 =	sadd.s32 s4, s19  }
0x9c: {  	s7 =	simm.s32 $0x0;
	s20 =	sshll.u32 s5, $0x1;
	s5 =	sadd.s32 s21, s3  }
0x9d: {  	[timem:s7], [sflag:s22] =	dma.local [hbm:s5], s20  }
0x9e: {  	_ =	swait.ge [sflag:s22], s20  }
0x9f: {  	s4 =	ssub.s32 $0x0, s20;
	[sflag:s22] =	ssyncset.done $0x0  }
0xa0: {  	[sflag:s22] =	ssyncadd.s32 s4;
	_ =	sdelay $0x1  }
0xa1: {  	s23 =	simm.s32 $0x1B8B  }
0xa2: {  	_ =	swait.ge [sflag:s23], $0x1  }
0xa3: {  	[sflag:s23] =	ssyncset.done $0x0  }
0xa4: {  	s25 =	simm.s32 $0x1B8E;
	s24 =	sld [smem:$0x3FFE];
	[sflag:s23] =	ssyncadd.s32 $0xFFFFFFFF  }
0xa5: {  	s26 =	simm.s32 $execute0_lowered;
	[smem:$0x3FD2] =	sst s25  }
0xa6: {  	s5 =	sshll.u32 s26, $0x1;
	_ =	strace $0x80000049;
	[dreg:$0x1] =	wrdreg $0xFFFFFFFF  }
0xa7: {  	s28 =	simm.s32 $_size_execute0_lowered;
	s3 =	sadd.s32 s3, s5;
	[dreg:$0x0] =	wrdreg $0x0  }
0xa8: {  	s5 =	sshll.u32 s28, $0x1;
	[dreg:$0x2] =	wrdreg s3  }
0xa9: {  	[dreg:$0x3] =	wrdreg s5  }
0xaa: {  	[dreg:$0x4] =	wrdreg $0xC0  }
0xab: {  	_ =	task [dreg:s7], $0x5FFFF  }
0xac: {  	[dreg:$0x1] =	wrdreg $0xFFFFFFFF  }
0xad: {  	[dreg:$0x0] =	wrdreg $0x60  }
0xae: {  	[dreg:$0x2] =	wrdreg s24  }
0xaf: {  	[dreg:$0x3] =	wrdreg s2  }
0xb0: {  	[dreg:$0x4] =	wrdreg $0x4C200  }
0xb1: {  	[dreg:$0x5] =	wrdreg $0x9  }
0xb2: {  	_ =	task.clear_ibuf [dreg:s7], $0x6FFFF;
	_ =	strace $0x90000049  }
0xb3: {  	s29 =	simm.s32 $0x9;
	_ =	strace $0x8000004B  }
0xb4: {  	_ =	swait.ge [sflag:s29], $0x1  }
0xb5: {  	[sflag:s29] =	ssyncadd.s32 $0xFFFFFFFF  }
0xb6: {  	_ =	strace $0x9000004B  }
0xb7: {  	_ =	sfence  }
0xb8: {  	s30 =	sld [smem:$0x0];
	_ =	sdelay $0x2  }
0xb9: {  	s31 =	sshll.u32 s1, $0xD;
	s1 =	sshrl.u32 s1, $0x2  }
0xba: {  	s3 =	sand.u32 $0x4000, s31;
	s1 =	sadd.s32 s1, s30  }
0xbb: {  	s0 =	sor.u32 s3, s0;
	s1 =	sshll.u32 s1, $0x11  }
0xbc: {  	s0 =	sor.u32 s1, s0  }
0xbd: {  	s0 =	sadd.s32 $0x8F2B, s0  }
0xbe: {  	[sflag:s0] =	ssyncadd.remote.s32 $0x1  }
0xbf: {  	_ =	sfence.sel $0xFFFF  }
0xc0: {  	[dreg:$0x0] =	wrdreg $0xFFFFFFFF;
	(pc) =	sbr.abs _section_cstart, $3  }
0xc1: {  	[dreg:$0x1] =	wrdreg $0xFFFFFFFF  }
0xc2: {  	_ =	task.clear_ibuf [dreg:s7], $0x2FFFF;
	_ =	strace $0x9FFFFFFF  }
0xc3: {  	(tm) =	ssettm $0x7FFFFFFF  }
tec
execute0_lowered:
.L_overlay_start_1:
0x0: {  	(tag) =	ssettag $0x1  }
0x1: {  	s0 =	rddreg [dreg:$0x0]  }
0x2: {  	s1 =	rddreg [dreg:$0x1]  }
0x3: {  	s2 =	rddreg [dreg:$0x2]  }
0x4: {  	s3 =	srdreg.scid;
	s4 =	simm.s32 $0x0;
	s15 =	stileid.u32  }
0x5: {  	s29 =	simm.s32 $0x420;
	s30 =	simm.s32 $0x7;
	s12 =	smul.u32 $0xC300, s15  }
0x6: {  	s31 =	simm.s32 $0x4020;
	s3 =	sand.u32 $0x1, s3;
	s14 =	smul.u32 $0x30C00, s15  }
0x7: {  	[smem:$0x7FF] =	sst s4;
	s6 =	sadd.s32 $0x2400, s0;
	s26 =	smul.u32 $0x2880, s15  }
0x8: {  	p0 =	sne.s32 s15, $0xF;
	s5 =	sshll.u32 s3, $0x4;
	s10 =	smul.u32 $0xC3500, s3  }
0x9: {  	_ =	strace $0x8000004A;
	s9 =	ssub.s32 $0x2, s3;
	s24 =	smul.u32 $0x28800, s3  }
0xa: {  	s7 =	sor.u32 s15, s5;
	s5 =	sadd.s32 $0x16800, s0;
	s11 =	sshrl.u32 s9, $0x1  }
0xb: {  	s0 =	sadd.s32 $0x2F000, s0;
	s19 =	sshrl.u32 s14, $0x2;
	s8 =	smul.u32 $0x6C, s7  }
0xc: {  	s13 =	ssub.s32 s9, s11;
	s11 =	smul.u32 $0xA20, s7;
	s7 =	sadd.s32 $0xC3000, s2  }
0xd: {  	s16 =	sadd.s32 s12, s10;
	s18 =	sshrl.u32 s10, $0x3;
	s20 =	smax.u32 s13, $0x1  }
0xe: {  	s12 =	sadd.s32 s12, s2;
	s9 =	sadd.s32 s6, s11;
	[dreg:$0x7] =	wrdreg s20  }
0xf: {  	s17 =	sshrl.u32 s16, $0x3;
	s11 =	sadd.s32 s19, s2;
	[dreg:$0x4] =	wrdreg s9  }
0x10: {  	s9 =	sor.u32 $0x1, s8;
	s8 =	sadd.s32 s0, s17;
	s0 =	sadd.s32 s0, s18  }
0x11: {  	s21 =	sadd.s32 $0xF00, s11;
	s22 =	sadd.s32 $0x1E00, s11;
	[dreg:$0x5] =	wrdreg s8  }
0x12: {  	s23 =	sadd.s32 $0x2D00, s11;
	s25 =	sadd.s32 $0x3C00, s11;
	[dreg:$0x8] =	wrdreg s21  }
0x13: {  	v0 =	vlaneseq.u32;
	s18 =	sadd.s32 $0x4B00, s11;
	s19 =	sadd.s32 $0x5A00, s11;
	[dreg:$0x9] =	wrdreg s22  }
.Ltmp0:
0x14: {  	v1 =	vmul.u32 $0x50, v0;
	s20 =	sadd.s32 $0x6900, s11;
	[dreg:$0xa] =	wrdreg s23;
	(pc) =	sbr.rel .LBB2_1-.Ltmp0, $4  }
0x15: {  	s28 =	sadd.s32 $0xB400, s11;
	s0 =	sadd.s32 $0x18600, s0;
	[dreg:$0xb] =	wrdreg s25  }
0x16: {  	v2 =	vimm.f32 $0.0e+00;
	v3 =	vor.u32 $0x1, v1;
	s21 =	sadd.s32 $0x7800, s11;
	s22 =	sadd.s32 $0x8700, s11;
	s23 =	sadd.s32 $0x9600, s11  }
0x17: {  	v4 =	vor.u32 $0x2, v1;
	v5 =	vor.u32 $0x3, v1;
	v6 =	vor.u32 $0x4, v1;
	s25 =	sshrl.u32 s12, $0x3;
	[dreg:$0x6] =	wrdreg s0;
	s0 =	sadd.s32 s26, s24  }
0x18: {  	v7 =	vor.u32 $0x5, v1;
	v8 =	vor.u32 $0x6, v1;
	v9 =	vor.u32 $0x7, v1;
	s26 =	sadd.s32 $0xA500, s11;
	s8 =	sadd.s32 $0xFFFFFFA0, s0;
	s0 =	simm.s32 $0x60  }
.LBB2_13:
0x19: {  	s3 =	stileid.u32  }
0x1a: {  	[bflag:$0x0] =	sbarrier.arrive $0xFFFF;
	s3 =	sshll.u32 s3, $0x6  }
0x1b: {  	s10 =	rddreg [dreg:$0x5];
	s3 =	sor.u32 $0x1C07, s3  }
0x1c: {  	[hbm:s10], [sflag:s3] =	dma.local [spmem:s25], $0x1860  }
0x1d: {  	_ =	swait.ge [sflag:s30], $0x1860  }
0x1e: {  	[sflag:s30] =	ssyncset.done $0x0  }
0x1f: {  	s10 =	sshrl.u32 @!p0 s7, $0x3;
	s12 =	rddreg [dreg:$0x6];
	[sflag:s30] =	ssyncadd.s32 $0xFFFFE7A0  }
0x20: {  	[hbm:s12], [sflag:s3] =	dma.local @!p0 [spmem:s10], $0xA0  }
0x21: {  	s3 =	simm.s32 @!p0 $0x7  }
0x22: {  	_ =	swait.ge @!p0 [sflag:s3], $0xA0  }
0x23: {  	s4 =	sadd.s32 $0x1, s4;
	s24 =	rddreg [dreg:$0x7]  }
0x24: {  	p1 =	sne.s32 s4, s24  }
.Ltmp1:
0x25: {  	_ = 	snop;
	(pc) =	sbr.rel @!p1 .LBB2_14-.Ltmp1, $3  }
0x26: {  	_ =	sdelay $0x1  }
0x27: {  	[sflag:s3] =	ssyncset.done @!p0 $0x0  }
0x28: {  	[sflag:s3] =	ssyncadd.s32 @!p0 $0xFFFFFF60  }
.LBB2_1:
0x29: {  	s10 =	simm.s32 $0x140;
	s3 =	simm.s32 $0x0  }
.LBB2_2:
0x2a: {  	p1 =	sne.s32 s10, $0x76C0;
	[tilespmem:s3+$0x460] =	vst v2;
	s12 =	smov.u32 s10;
	s10 =	sadd.s32 $0x140, s10  }
.Ltmp2:
0x2b: {  	[tilespmem:s3+$0x450] =	vst v2;
	(pc) =	sbr.rel @p1 .LBB2_2-.Ltmp2, $4  }
0x2c: {  	[tilespmem:s3+$0x440] =	vst v2  }
0x2d: {  	[tilespmem:s3+$0x420] =	vst v2  }
0x2e: {  	[tilespmem:s3+$0x430] =	vst v2  }
0x2f: {  	s3 =	sshra.s32 s12, $0x2  }
0x30: {  	[tilespmem:s3+$0x460] =	vst v2  }
0x31: {  	[tilespmem:s3+$0x450] =	vst v2  }
0x32: {  	[tilespmem:s3+$0x440] =	vst v2  }
0x33: {  	[tilespmem:s3+$0x420] =	vst v2  }
0x34: {  	[tilespmem:s3+$0x430] =	vst v2  }
0x35: {  	[spmem:s11] =	stream.linear.scatter [tilespmem:s29], [sflag:$0x7], $0xF00, $0x38;
	[tilespmem:$0x10F70] =	vst v63  }
0x36: {  	_ =	swait.ge [sflag:s30], $0xF00  }
0x37: {  	[sflag:s30] =	ssyncset.done $0x0  }
0x38: {  	s15 =	rddreg [dreg:$0x8];
	[sflag:s30] =	ssyncadd.s32 $0xFFFFF100  }
0x39: {  	[spmem:s15] =	stream.linear.scatter [tilespmem:s29], [sflag:$0x7], $0xF00, $0x38;
	[tilespmem:$0x10F70] =	vst v63  }
0x3a: {  	_ =	swait.ge [sflag:s30], $0xF00  }
0x3b: {  	[sflag:s30] =	ssyncset.done $0x0  }
0x3c: {  	s16 =	rddreg [dreg:$0x9];
	[sflag:s30] =	ssyncadd.s32 $0xFFFFF100  }
0x3d: {  	[spmem:s16] =	stream.linear.scatter [tilespmem:s29], [sflag:$0x7], $0xF00, $0x38;
	[tilespmem:$0x10F70] =	vst v63  }
0x3e: {  	_ =	swait.ge [sflag:s30], $0xF00  }
0x3f: {  	[sflag:s30] =	ssyncset.done $0x0  }
0x40: {  	s17 =	rddreg [dreg:$0xa];
	[sflag:s30] =	ssyncadd.s32 $0xFFFFF100  }
0x41: {  	[spmem:s17] =	stream.linear.scatter [tilespmem:s29], [sflag:$0x7], $0xF00, $0x38;
	[tilespmem:$0x10F70] =	vst v63  }
0x42: {  	_ =	swait.ge [sflag:s30], $0xF00  }
0x43: {  	[sflag:s30] =	ssyncset.done $0x0  }
0x44: {  	s24 =	rddreg [dreg:$0xb];
	[sflag:s30] =	ssyncadd.s32 $0xFFFFF100  }
0x45: {  	[spmem:s24] =	stream.linear.scatter [tilespmem:s29], [sflag:$0x7], $0xF00, $0x38;
	[tilespmem:$0x10F70] =	vst v63  }
0x46: {  	_ =	swait.ge [sflag:s30], $0xF00  }
0x47: {  	[sflag:s30] =	ssyncset.done $0x0  }
0x48: {  	[sflag:s30] =	ssyncadd.s32 $0xFFFFF100  }
0x49: {  	[spmem:s18] =	stream.linear.scatter [tilespmem:s29], [sflag:$0x7], $0xF00, $0x38;
	[tilespmem:$0x10F70] =	vst v63  }
0x4a: {  	_ =	swait.ge [sflag:s30], $0xF00  }
0x4b: {  	[sflag:s30] =	ssyncset.done $0x0  }
0x4c: {  	[sflag:s30] =	ssyncadd.s32 $0xFFFFF100  }
0x4d: {  	[spmem:s19] =	stream.linear.scatter [tilespmem:s29], [sflag:$0x7], $0xF00, $0x38;
	[tilespmem:$0x10F70] =	vst v63  }
0x4e: {  	_ =	swait.ge [sflag:s30], $0xF00  }
0x4f: {  	[sflag:s30] =	ssyncset.done $0x0  }
0x50: {  	[sflag:s30] =	ssyncadd.s32 $0xFFFFF100  }
0x51: {  	[spmem:s20] =	stream.linear.scatter [tilespmem:s29], [sflag:$0x7], $0xF00, $0x38;
	[tilespmem:$0x10F70] =	vst v63  }
0x52: {  	_ =	swait.ge [sflag:s30], $0xF00  }
0x53: {  	[sflag:s30] =	ssyncset.done $0x0  }
0x54: {  	[sflag:s30] =	ssyncadd.s32 $0xFFFFF100  }
0x55: {  	[spmem:s21] =	stream.linear.scatter [tilespmem:s29], [sflag:$0x7], $0xF00, $0x38;
	[tilespmem:$0x10F70] =	vst v63  }
0x56: {  	_ =	swait.ge [sflag:s30], $0xF00  }
0x57: {  	[sflag:s30] =	ssyncset.done $0x0  }
0x58: {  	[sflag:s30] =	ssyncadd.s32 $0xFFFFF100  }
0x59: {  	[spmem:s22] =	stream.linear.scatter [tilespmem:s29], [sflag:$0x7], $0xF00, $0x38;
	[tilespmem:$0x10F70] =	vst v63  }
0x5a: {  	_ =	swait.ge [sflag:s30], $0xF00  }
0x5b: {  	[sflag:s30] =	ssyncset.done $0x0  }
0x5c: {  	[sflag:s30] =	ssyncadd.s32 $0xFFFFF100  }
0x5d: {  	[spmem:s23] =	stream.linear.scatter [tilespmem:s29], [sflag:$0x7], $0xF00, $0x38;
	[tilespmem:$0x10F70] =	vst v63  }
0x5e: {  	_ =	swait.ge [sflag:s30], $0xF00  }
0x5f: {  	[sflag:s30] =	ssyncset.done $0x0  }
0x60: {  	[sflag:s30] =	ssyncadd.s32 $0xFFFFF100  }
0x61: {  	[spmem:s26] =	stream.linear.scatter [tilespmem:s29], [sflag:$0x7], $0xF00, $0x38;
	[tilespmem:$0x10F70] =	vst v63  }
0x62: {  	_ =	swait.ge [sflag:s30], $0xF00  }
0x63: {  	[sflag:s30] =	ssyncset.done $0x0  }
0x64: {  	[sflag:s30] =	ssyncadd.s32 $0xFFFFF100  }
0x65: {  	[spmem:s28] =	stream.linear.scatter [tilespmem:s29], [sflag:$0x7], $0xF00, $0x38;
	[tilespmem:$0x10F70] =	vst v63  }
0x66: {  	_ =	swait.ge [sflag:s30], $0xF00  }
0x67: {  	[sflag:s30] =	ssyncset.done $0x0  }
0x68: {  	s3 =	simm.s32 @!p0 $0x420;
	[sflag:s30] =	ssyncadd.s32 $0xFFFFF100  }
0x69: {  	[spmem:s7] =	stream.linear.scatter @!p0 [tilespmem:s3], [sflag:$0x7], $0x500, $0x38;
	[tilespmem:$0x10F70] =	vst v63  }
0x6a: {  	s3 =	simm.s32 @!p0 $0x7  }
0x6b: {  	_ =	swait.ge @!p0 [sflag:s3], $0x500  }
.Ltmp3:
0x6c: {  	[sflag:s3] =	ssyncset.done @!p0 $0x0;
	(pc) =	sbr.rel .LBB2_4-.Ltmp3, $4  }
0x6d: {  	[sflag:s3] =	ssyncadd.s32 @!p0 $0xFFFFFB00  }
0x6e: {  	[bflag:$0x0] =	sbarrier.arrive $0xFFFF  }
0x6f: {  	s24 =	smov.u32 s8;
	s3 =	simm.s32 $0x0;
	s10 =	rddreg [dreg:$0x4]  }
0x70: {  	[tilespmem:s3], [sflag:$0x1] =	stream.linear.gather [hbm4b:s10+s3], $0xC0, $0x38;
	[tilespmem:$0x10F70] =	vst v63  }
.LBB2_12:
0x71: {  	s3 =	sadd.s32 $0x1, s3  }
0x72: {  	p1 =	sne.s32 s3, $0x6D  }
.Ltmp4:
0x73: {  	_ = 	snop;
	(pc) =	sbr.rel @!p1 .LBB2_13-.Ltmp4, $2  }
0x74: {  	_ =	sdelay $0x2  }
0x75: {  	s24 =	sadd.s32 $0x60, s24  }
.LBB2_4:
0x76: {  	s10 =	sand.u32 $0x1, s3;
	p1 =	seq.s32 s3, $0x6C  }
0x77: {  	s12 =	sadd.s32 @!p1 $0x1, s10  }
0x78: {  	s13 =	smul.u32 @!p1 $0x300, s10;
	_ =	swait.ge @!p1 [sflag:s12], $0xC0  }
0x79: {  	[sflag:s12] =	ssyncset.done @!p1 $0x0  }
0x7a: {  	[sflag:s12] =	ssyncadd.s32 @!p1 $0xFFFFFF40;
	s12 =	sshrl.u32 @!p1 s13, $0x2  }
0x7b: {  	v10 =	vld @!p1 [tilespmem:s12+$0x0]  }
0x7c: {  	v11 =	vld @!p1 [tilespmem:s12+$0x60];
	_ =	sdelay $0x1  }
0x7d: {  	s13 =	smul.u32 @!p1 $0x60, s10;
	_ =	sdelay $0x1  }
0x7e: {  	[tilespmem:s13+$0x180] =	vst @!p1 v10  }
0x7f: {  	[tilespmem:s13+$0x240] =	vst @!p1 v11  }
0x80: {  	[tilespmem:s13+$0x300] =	vst @!p1 v11  }
0x81: {  	v10 =	vld @!p1 [tilespmem:s12+$0x10]  }
0x82: {  	v11 =	vld @!p1 [tilespmem:s12+$0x70];
	_ =	sdelay $0x3  }
0x83: {  	[tilespmem:s13+$0x190] =	vst @!p1 v10  }
0x84: {  	[tilespmem:s13+$0x250] =	vst @!p1 v11  }
0x85: {  	[tilespmem:s13+$0x310] =	vst @!p1 v11  }
0x86: {  	v10 =	vld @!p1 [tilespmem:s12+$0x20]  }
0x87: {  	v11 =	vld @!p1 [tilespmem:s12+$0x80];
	_ =	sdelay $0x3  }
0x88: {  	[tilespmem:s13+$0x1A0] =	vst @!p1 v10  }
0x89: {  	[tilespmem:s13+$0x260] =	vst @!p1 v11  }
0x8a: {  	[tilespmem:s13+$0x320] =	vst @!p1 v11  }
0x8b: {  	v10 =	vld @!p1 [tilespmem:s12+$0x30]  }
0x8c: {  	v11 =	vld @!p1 [tilespmem:s12+$0x90];
	_ =	sdelay $0x3  }
0x8d: {  	[tilespmem:s13+$0x1B0] =	vst @!p1 v10  }
0x8e: {  	[tilespmem:s13+$0x270] =	vst @!p1 v11  }
0x8f: {  	[tilespmem:s13+$0x330] =	vst @!p1 v11  }
0x90: {  	v10 =	vld @!p1 [tilespmem:s12+$0x40]  }
0x91: {  	v11 =	vld @!p1 [tilespmem:s12+$0xA0];
	_ =	sdelay $0x3  }
0x92: {  	[tilespmem:s13+$0x1C0] =	vst @!p1 v10  }
0x93: {  	[tilespmem:s13+$0x280] =	vst @!p1 v11  }
0x94: {  	[tilespmem:s13+$0x340] =	vst @!p1 v11  }
0x95: {  	v10 =	vld @!p1 [tilespmem:s12+$0x50]  }
0x96: {  	v11 =	vld @!p1 [tilespmem:s12+$0xB0];
	_ =	sdelay $0x2  }
0x97: {  	s12 =	smul.u32 @!p1 $0x7800, s10  }
0x98: {  	[tilespmem:s13+$0x1D0] =	vst @!p1 v10  }
0x99: {  	s15 =	sadd.s32 @!p1 $0x3, s10;
	s16 =	simm.s32 @!p1 $0x60;
	s12 =	sshrl.u32 @!p1 s12, $0x2;
	[tilespmem:s13+$0x290] =	vst @!p1 v11  }
0x9a: {  	s17 =	smul.u32 @!p1 $0x1800, s10;
	s14 =	sor.u32 @!p1 $0x180, s13;
	s12 =	sadd.s32 @!p1 $0x420, s12;
	[tilespmem:s13+$0x350] =	vst @!p1 v11  }
0x9b: {  	[tilespmem:s12], [sflag:s15] =	stream.indirect.gather @!p1 [hbm4b:s5+s16], $0x50, s14, s16, $0xb8;
	[tilespmem:$0x10F70] =	vst v63  }
0x9c: {  	p2 =	sgt.u32 @!p1 s3, $0x6A;
	s12 =	sshrl.u32 @!p1 s17, $0x2  }
0x9d: {  	s13 =	sadd.s32 @!p1 $0x240, s13;
	s14 =	sadd.s32 @!p1 $0x5, s10;
	s12 =	sor.u32 @!p1 $0x4020, s12  }
0x9e: {  	[tilespmem:s12], [sflag:s14] =	stream.indirect.gather @!p1 [hbm4b:s1+s16], $0x10, s13, s16, $0xb8;
	[tilespmem:$0x10F70] =	vst v63  }
0x9f: {  	s10 =	sxor.u32 $0x1, s10;
	p1 =	por p1, p2  }
0xa0: {  	s12 =	smul.u32 @!p1 $0x300, s10;
	s13 =	sadd.s32 @!p1 s3, s9  }
0xa1: {  	s13 =	smul.u32 @!p1 $0x18, s13  }
0xa2: {  	s14 =	sadd.s32 @!p1 $0x1, s10;
	s15 =	simm.s32 @!p1 $0x0  }
0xa3: {  	p2 =	seq.s32 @!p1 s3, $0x0;
	s12 =	sshrl.u32 @!p1 s12, $0x2;
	s13 =	sadd.s32 @!p1 s6, s13  }
0xa4: {  	[tilespmem:s12], [sflag:s14] =	stream.linear.gather @!p1 [hbm4b:s13+s15], $0xC0, $0x38;
	[tilespmem:$0x10F70] =	vst v63  }
0xa5: {  	p1 =	por p1, !p2  }
.Ltmp5:
0xa6: {  	_ = 	snop;
	(pc) =	sbr.rel @!p1 .LBB2_12-.Ltmp5, $1  }
0xa7: {  	_ =	sdelay $0x3  }
0xa8: {  	v11 =	vmov s10  }
0xa9: {  	s13 =	simm.s32 $0x0;
	v12 =	vmul.u32 $0x600, v11  }
0xaa: {  	s12 =	sadd.s32 $0x3, s10;
	v10 =	vmul.u32 $0x1E00, v11;
	v13 =	vor.u32 s13, v0  }
0xab: {  	_ =	swait.ge [sflag:s12], $0x1E00;
	v14 =	vmul.u32 $0x50, v13;
	v13 =	vshll.u32 v13, $0x4;
	v12 =	vor.u32 $0x1, v12  }
0xac: {  	[sflag:s12] =	ssyncset.done $0x0;
	v11 =	vor.u32 $0x40, v10;
	v13 =	vadd.s32 v12, v13  }
0xad: {  	s17 =	sadd.s32 $0x5, s10;
	[sflag:s12] =	ssyncadd.s32 $0xFFFFE200;
	v14 =	vadd.s32 v14, v11  }
0xae: {  	_ =	swait.ge [sflag:s17], $0x600  }
0xaf: {  	[sflag:s17] =	ssyncset.done $0x0  }
0xb0: {  	[sflag:s17] =	ssyncadd.s32 $0xFFFFFA00  }
0xb1: {  	v13 =	vld.idx.msk [tilespmem:v13+s31+$0x0], $0xffff  }
0xb2: {  	v15 =	vld.idx.msk [tilespmem:v14+s29+$0x0], $0xffff;
	_ =	sdelay $0x4  }
0xb3: {  	v13 =	vadd.f32 v13, v15;
	_ =	sdelay $0x1  }
0xb4: {  	v15 =	vmul.f32 $2.000000030e-01, v13;
	_ =	sdelay $0x1  }
0xb5: {  	v13 =	vmax.f32 v13, v15  }
0xb6: {  	v13 =	vmul.f32 $1.442695020e+00, v13;
	_ =	sdelay $0x1  }
0xb7: {  	(erf) = vpow2.f32 v13;
	_ =	sdelay $0x2  }
0xb8: {  	s13 =	simm.s32 $0x10  }
0xb9: {  	v13 =	vor.u32 s13, v0  }
0xba: {  	v15 =	vmul.u32 $0x50, v13;
	_ =	sdelay $0x1  }
0xbb: {  	v13 =	vshll.u32 v13, $0x4  }
0xbc: {  	s14 =	sadd.s32 $0x0, s24;
	v16 =	vadd.s32 v12, v13  }
0xbd: {  	p1 =	slt.u32 s14, $0x50910;
	v13 =	vadd.s32 v15, v11;
	v15 =	vpop (erf)  }
0xbe: {  	s12 =	simm.s32 $0x3C0;
	v15 =	vpsel !p1, $0x0, v15  }
0xbf: {  	[tilespmem:s12+$0x0] =	vst v15  }
0xc0: {  	[tilespmem:v14+s29+$0x0] =	vst.idx.msk $0xffff, v15  }
0xc1: {  	v14 =	vld.idx.msk [tilespmem:v16+s31+$0x0], $0xffff  }
0xc2: {  	v15 =	vld.idx.msk [tilespmem:v13+s29+$0x0], $0xffff;
	_ =	sdelay $0x4  }
0xc3: {  	v14 =	vadd.f32 v14, v15;
	_ =	sdelay $0x1  }
0xc4: {  	v15 =	vmul.f32 $2.000000030e-01, v14;
	_ =	sdelay $0x1  }
0xc5: {  	v14 =	vmax.f32 v14, v15  }
0xc6: {  	v14 =	vmul.f32 $1.442695020e+00, v14;
	_ =	sdelay $0x1  }
0xc7: {  	(erf) = vpow2.f32 v14;
	_ =	sdelay $0x4  }
0xc8: {  	s14 =	simm.s32 $0x20  }
0xc9: {  	v15 =	vor.u32 s14, v0  }
0xca: {  	s15 =	simm.s32 $0x30;
	v14 =	vmul.u32 $0x50, v15;
	v15 =	vshll.u32 v15, $0x4  }
.LBB2_6:
0xcb: {  	p1 =	seq.s32 s15, $0x50;
	v15 =	vadd.s32 v12, v15;
	s16 =	sadd.s32 s13, s24;
	s13 =	smov.u32 s14  }
0xcc: {  	s14 =	smov.u32 s15;
	v14 =	vadd.s32 v14, v11;
	p2 =	slt.u32 s16, $0x50910;
	v16 =	vpop (erf)  }
0xcd: {  	s12 =	sadd.s32 $0x10, s12;
	v16 =	vpsel !p2, $0x0, v16  }
0xce: {  	[tilespmem:s12+$0x0] =	vst v16  }
0xcf: {  	[tilespmem:v13+s29+$0x0] =	vst.idx.msk $0xffff, v16;
	v13 =	vmov v14  }
0xd0: {  	v15 =	vld.idx.msk [tilespmem:v15+s31+$0x0], $0xffff  }
0xd1: {  	v14 =	vld.idx.msk [tilespmem:v14+s29+$0x0], $0xffff;
	_ =	sdelay $0x5  }
0xd2: {  	v14 =	vadd.f32 v15, v14;
	_ =	sdelay $0x1  }
0xd3: {  	v15 =	vmul.f32 $2.000000030e-01, v14;
	_ =	sdelay $0x1  }
0xd4: {  	v14 =	vmax.f32 v14, v15  }
0xd5: {  	v14 =	vmul.f32 $1.442695020e+00, v14;
	_ =	sdelay $0x1  }
0xd6: {  	(erf) = vpow2.f32 v14;
	_ =	sdelay $0x2  }
.Ltmp6:
0xd7: {  	(pc) =	sbr.rel @!p1 .LBB2_6-.Ltmp6, $3  }
0xd8: {  	_ =	sdelay $0x1  }
0xd9: {  	v15 =	vor.u32 s15, v0  }
0xda: {  	s15 =	sadd.s32 $0x10, s15;
	v14 =	vmul.u32 $0x50, v15;
	v15 =	vshll.u32 v15, $0x4  }
0xdb: {  	v12 =	vadd.s32 v12, v15;
	s13 =	sadd.s32 s13, s24  }
0xdc: {  	v11 =	vadd.s32 v14, v11;
	p1 =	slt.u32 s13, $0x50910;
	v63 =	vpop (erf)  }
0xdd: {  	s12 =	sadd.s32 $0x10, s12;
	v14 =	vpsel !p1, $0x0, v63  }
0xde: {  	[tilespmem:s12+$0x0] =	vst v14  }
0xdf: {  	[tilespmem:v13+s29+$0x0] =	vst.idx.msk $0xffff, v14  }
0xe0: {  	v12 =	vld.idx.msk [tilespmem:v12+s31+$0x0], $0xffff  }
0xe1: {  	v13 =	vld.idx.msk [tilespmem:v11+s29+$0x0], $0xffff;
	_ =	sdelay $0x4  }
0xe2: {  	v12 =	vadd.f32 v12, v13;
	_ =	sdelay $0x1  }
0xe3: {  	v13 =	vmul.f32 $2.000000030e-01, v12;
	_ =	sdelay $0x1  }
0xe4: {  	v12 =	vmax.f32 v12, v13  }
0xe5: {  	v12 =	vmul.f32 $1.442695020e+00, v12;
	_ =	sdelay $0x1  }
0xe6: {  	(erf) = vpow2.f32 v12;
	_ =	sdelay $0x7  }
0xe7: {  	s17 =	sadd.s32 s14, s24  }
0xe8: {  	p6 =	slt.u32 s17, $0x50910;
	v12 =	vpop (erf)  }
0xe9: {  	s12 =	sadd.s32 $0x10, s12;
	v12 =	vpsel !p6, $0x0, v12  }
0xea: {  	[tilespmem:s12+$0x0] =	vst v12  }
0xeb: {  	s13 =	simm.s32 $0x0;
	s12 =	simm.s32 $0x0;
	[tilespmem:v11+s29+$0x0] =	vst.idx.msk $0xffff, v12  }
.LBB2_8:
0xec: {  	s14 =	sshll.u32 s13, $0x4  }
0xed: {  	v11 =	vmov s14  }
0xee: {  	v11 =	vmul.u32 $0x50, v11;
	_ =	sdelay $0x1  }
0xef: {  	v12 =	vadd.s32 v10, v11  }
0xf0: {  	v11 =	vadd.s32 s12, v12  }
0xf1: {  	v13 =	vbroadcast v11, $0x0;
	_ =	sdelay $0x1  }
0xf2: {  	v14 =	vadd.s32 v1, v13;
	_ =	sdelay $0x3  }
0xf3: {  	v11 =	vld [tilespmem:s14+$0x3C0]  }
0xf4: {  	v15 =	vld.idx.msk [tilespmem:v14+s29+$0x0], $0xffff;
	_ =	sdelay $0x2  }
0xf5: {  	v16 =	vadd.s32 v3, v13;
	_ =	sdelay $0x1  }
0xf6: {  	v15 =	vmul.f32 v15, v11;
	_ =	sdelay $0x1  }
0xf7: {  	[tilespmem:v14+s29+$0x0] =	vst.idx.msk $0xffff, v15  }
0xf8: {  	v14 =	vld.idx.msk [tilespmem:v16+s29+$0x0], $0xffff;
	_ =	sdelay $0x2  }
0xf9: {  	v15 =	vadd.s32 v4, v13;
	_ =	sdelay $0x1  }
0xfa: {  	v14 =	vmul.f32 v14, v11;
	_ =	sdelay $0x1  }
0xfb: {  	[tilespmem:v16+s29+$0x0] =	vst.idx.msk $0xffff, v14  }
0xfc: {  	v14 =	vld.idx.msk [tilespmem:v15+s29+$0x0], $0xffff;
	_ =	sdelay $0x2  }
0xfd: {  	v16 =	vadd.s32 v5, v13;
	_ =	sdelay $0x1  }
0xfe: {  	v14 =	vmul.f32 v14, v11;
	_ =	sdelay $0x1  }
0xff: {  	[tilespmem:v15+s29+$0x0] =	vst.idx.msk $0xffff, v14  }
0x100: {  	v14 =	vld.idx.msk [tilespmem:v16+s29+$0x0], $0xffff;
	_ =	sdelay $0x2  }
0x101: {  	v15 =	vadd.s32 v6, v13;
	_ =	sdelay $0x1  }
0x102: {  	v14 =	vmul.f32 v14, v11;
	_ =	sdelay $0x1  }
0x103: {  	[tilespmem:v16+s29+$0x0] =	vst.idx.msk $0xffff, v14  }
0x104: {  	v14 =	vld.idx.msk [tilespmem:v15+s29+$0x0], $0xffff;
	_ =	sdelay $0x2  }
0x105: {  	v16 =	vadd.s32 v7, v13;
	_ =	sdelay $0x1  }
0x106: {  	v14 =	vmul.f32 v14, v11;
	_ =	sdelay $0x1  }
0x107: {  	[tilespmem:v15+s29+$0x0] =	vst.idx.msk $0xffff, v14  }
0x108: {  	v14 =	vld.idx.msk [tilespmem:v16+s29+$0x0], $0xffff;
	_ =	sdelay $0x2  }
0x109: {  	v15 =	vadd.s32 v8, v13;
	_ =	sdelay $0x1  }
0x10a: {  	v14 =	vmul.f32 v14, v11;
	_ =	sdelay $0x1  }
0x10b: {  	[tilespmem:v16+s29+$0x0] =	vst.idx.msk $0xffff, v14  }
0x10c: {  	v16 =	vld.idx.msk [tilespmem:v15+s29+$0x0], $0xffff;
	_ =	sdelay $0x2  }
0x10d: {  	v14 =	vadd.s32 v9, v13;
	_ =	sdelay $0x1  }
0x10e: {  	v13 =	vmul.f32 v16, v11;
	_ =	sdelay $0x1  }
0x10f: {  	s17 =	simm.s32 $0x8;
	[tilespmem:v15+s29+$0x0] =	vst.idx.msk $0xffff, v13  }
0x110: {  	v13 =	vadd.s32 s17, v12;
	v16 =	vld.idx.msk [tilespmem:v14+s29+$0x0], $0xffff  }
0x111: {  	v13 =	vbroadcast v13, $0x0;
	_ =	sdelay $0x1  }
0x112: {  	v15 =	vadd.s32 v1, v13;
	_ =	sdelay $0x1  }
0x113: {  	s14 =	simm.s32 $0x10;
	v16 =	vmul.f32 v16, v11  }
.LBB2_9:
0x114: {  	_ = 	snop  }
0x115: {  	p1 =	sne.s32 s14, $0x38;
	s15 =	smov.u32 s14;
	s14 =	sadd.s32 $0x8, s14;
	[tilespmem:v14+s29+$0x0] =	vst.idx.msk $0xffff, v16  }
0x116: {  	v14 =	vld.idx.msk [tilespmem:v15+s29+$0x0], $0xffff;
	_ =	sdelay $0x3  }
0x117: {  	v16 =	vadd.s32 v3, v13;
	_ =	sdelay $0x1  }
0x118: {  	v14 =	vmul.f32 v14, v11;
	_ =	sdelay $0x1  }
0x119: {  	[tilespmem:v15+s29+$0x0] =	vst.idx.msk $0xffff, v14  }
0x11a: {  	v14 =	vld.idx.msk [tilespmem:v16+s29+$0x0], $0xffff;
	_ =	sdelay $0x3  }
0x11b: {  	v15 =	vadd.s32 v4, v13;
	_ =	sdelay $0x1  }
0x11c: {  	v14 =	vmul.f32 v14, v11;
	_ =	sdelay $0x1  }
0x11d: {  	[tilespmem:v16+s29+$0x0] =	vst.idx.msk $0xffff, v14  }
0x11e: {  	v14 =	vld.idx.msk [tilespmem:v15+s29+$0x0], $0xffff;
	_ =	sdelay $0x3  }
0x11f: {  	v16 =	vadd.s32 v5, v13;
	_ =	sdelay $0x1  }
0x120: {  	v14 =	vmul.f32 v14, v11;
	_ =	sdelay $0x1  }
0x121: {  	[tilespmem:v15+s29+$0x0] =	vst.idx.msk $0xffff, v14  }
0x122: {  	v14 =	vld.idx.msk [tilespmem:v16+s29+$0x0], $0xffff;
	_ =	sdelay $0x3  }
0x123: {  	v15 =	vadd.s32 v6, v13;
	_ =	sdelay $0x1  }
0x124: {  	v14 =	vmul.f32 v14, v11;
	_ =	sdelay $0x1  }
0x125: {  	[tilespmem:v16+s29+$0x0] =	vst.idx.msk $0xffff, v14  }
0x126: {  	v14 =	vld.idx.msk [tilespmem:v15+s29+$0x0], $0xffff;
	_ =	sdelay $0x3  }
0x127: {  	v16 =	vadd.s32 v7, v13;
	_ =	sdelay $0x1  }
0x128: {  	v14 =	vmul.f32 v14, v11;
	_ =	sdelay $0x1  }
0x129: {  	[tilespmem:v15+s29+$0x0] =	vst.idx.msk $0xffff, v14  }
0x12a: {  	v14 =	vld.idx.msk [tilespmem:v16+s29+$0x0], $0xffff;
	_ =	sdelay $0x3  }
0x12b: {  	v15 =	vadd.s32 v8, v13;
	_ =	sdelay $0x1  }
0x12c: {  	v14 =	vmul.f32 v14, v11;
	_ =	sdelay $0x1  }
0x12d: {  	[tilespmem:v16+s29+$0x0] =	vst.idx.msk $0xffff, v14  }
0x12e: {  	v16 =	vld.idx.msk [tilespmem:v15+s29+$0x0], $0xffff;
	_ =	sdelay $0x3  }
0x12f: {  	v14 =	vadd.s32 v9, v13;
	_ =	sdelay $0x1  }
0x130: {  	v13 =	vmul.f32 v16, v11;
	_ =	sdelay $0x1  }
0x131: {  	[tilespmem:v15+s29+$0x0] =	vst.idx.msk $0xffff, v13  }
0x132: {  	v16 =	vld.idx.msk [tilespmem:v14+s29+$0x0], $0xffff  }
0x133: {  	v13 =	vadd.s32 s15, v12  }
.Ltmp7:
0x134: {  	v13 =	vbroadcast v13, $0x0;
	(pc) =	sbr.rel @p1 .LBB2_9-.Ltmp7, $3  }
0x135: {  	_ = 	snop  }
0x136: {  	v15 =	vadd.s32 v1, v13;
	_ =	sdelay $0x1  }
0x137: {  	v16 =	vmul.f32 v16, v11  }
0x138: {  	_ =	sdelay $0x3  }
0x139: {  	[tilespmem:v14+s29+$0x0] =	vst.idx.msk $0xffff, v16  }
0x13a: {  	v12 =	vld.idx.msk [tilespmem:v15+s29+$0x0], $0xffff;
	_ =	sdelay $0x2  }
0x13b: {  	v57 =	vadd.s32 v3, v13;
	_ =	sdelay $0x1  }
0x13c: {  	v12 =	vmul.f32 v12, v11;
	_ =	sdelay $0x1  }
0x13d: {  	[tilespmem:v15+s29+$0x0] =	vst.idx.msk $0xffff, v12  }
0x13e: {  	v12 =	vld.idx.msk [tilespmem:v57+s29+$0x0], $0xffff;
	_ =	sdelay $0x2  }
0x13f: {  	v58 =	vadd.s32 v4, v13;
	_ =	sdelay $0x1  }
0x140: {  	v12 =	vmul.f32 v12, v11;
	_ =	sdelay $0x1  }
0x141: {  	[tilespmem:v57+s29+$0x0] =	vst.idx.msk $0xffff, v12  }
0x142: {  	v12 =	vld.idx.msk [tilespmem:v58+s29+$0x0], $0xffff;
	_ =	sdelay $0x2  }
0x143: {  	v59 =	vadd.s32 v5, v13;
	_ =	sdelay $0x1  }
0x144: {  	v12 =	vmul.f32 v12, v11;
	_ =	sdelay $0x1  }
0x145: {  	[tilespmem:v58+s29+$0x0] =	vst.idx.msk $0xffff, v12  }
0x146: {  	v12 =	vld.idx.msk [tilespmem:v59+s29+$0x0], $0xffff;
	_ =	sdelay $0x2  }
0x147: {  	v60 =	vadd.s32 v6, v13;
	_ =	sdelay $0x1  }
0x148: {  	v12 =	vmul.f32 v12, v11;
	_ =	sdelay $0x1  }
0x149: {  	[tilespmem:v59+s29+$0x0] =	vst.idx.msk $0xffff, v12  }
0x14a: {  	v12 =	vld.idx.msk [tilespmem:v60+s29+$0x0], $0xffff;
	_ =	sdelay $0x2  }
0x14b: {  	v61 =	vadd.s32 v7, v13;
	_ =	sdelay $0x1  }
0x14c: {  	v12 =	vmul.f32 v12, v11;
	_ =	sdelay $0x1  }
0x14d: {  	[tilespmem:v60+s29+$0x0] =	vst.idx.msk $0xffff, v12  }
0x14e: {  	v12 =	vld.idx.msk [tilespmem:v61+s29+$0x0], $0xffff;
	_ =	sdelay $0x2  }
0x14f: {  	v62 =	vadd.s32 v8, v13;
	_ =	sdelay $0x1  }
0x150: {  	v12 =	vmul.f32 v12, v11;
	_ =	sdelay $0x1  }
0x151: {  	[tilespmem:v61+s29+$0x0] =	vst.idx.msk $0xffff, v12  }
0x152: {  	v12 =	vld.idx.msk [tilespmem:v62+s29+$0x0], $0xffff;
	_ =	sdelay $0x2  }
0x153: {  	v63 =	vadd.s32 v9, v13;
	_ =	sdelay $0x1  }
0x154: {  	v12 =	vmul.f32 v12, v11;
	_ =	sdelay $0x1  }
0x155: {  	[tilespmem:v62+s29+$0x0] =	vst.idx.msk $0xffff, v12  }
0x156: {  	v12 =	vld.idx.msk [tilespmem:v63+s29+$0x0], $0xffff  }
0x157: {  	s13 =	sadd.s32 $0x1, s13  }
0x158: {  	p1 =	sne.s32 s13, $0x6  }
.Ltmp8:
0x159: {  	_ = 	snop;
	(pc) =	sbr.rel @p1 .LBB2_8-.Ltmp8, $3  }
0x15a: {  	_ = 	snop  }
0x15b: {  	v11 =	vmul.f32 v12, v11;
	_ =	sdelay $0x1  }
0x15c: {  	[tilespmem:v63+s29+$0x0] =	vst.idx.msk $0xffff, v11  }
0x15d: {  	s12 =	smul.u32 $0x7800, s10  }
0x15e: {  	s17 =	smul.u32 $0x180, s10;
	_ =	sdelay $0x1  }
0x15f: {  	s12 =	sshrl.u32 s12, $0x2;
	s10 =	sshrl.u32 s17, $0x2  }
.Ltmp9:
0x160: {  	s12 =	sadd.s32 $0x420, s12;
	s10 =	sor.u32 $0x300, s10;
	(pc) =	sbr.rel .LBB2_12-.Ltmp9, $4  }
0x161: {  	[spmem:s2] =	stream.indirect.scatter.add.f32 [tilespmem:s12], [sflag:$0x7], $0x50, s10, s0, $0xb8;
	[tilespmem:$0x10F70] =	vst v63  }
0x162: {  	_ =	swait.ge [sflag:s30], $0x1E00  }
0x163: {  	[sflag:s30] =	ssyncset.done $0x0  }
0x164: {  	[sflag:s30] =	ssyncadd.s32 $0xFFFFE200  }
.LBB2_14:
0x165: {  	_ =	sfence.sel $0x180000  }
0x166: {  	[bflag:$0x0] =	sbarrier.arrive $0xFFFF  }
0x167: {  	_ =	strace $0x9000004A  }
0x168: {  	s0 =	stileid.u32;
	[bflag:$0x2] =	sbarrier.arrive $0xFFFF  }
0x169: {  	p0 =	sne.s32 s0, $0x0;
	s0 =	rddreg [dreg:$0x3]  }
0x16a: {  	s0 =	sadd.s32 @!p0 $0x100000, s0  }
0x16b: {  	[sflag:s0] =	ssyncadd.tile.s32 @!p0 $0x1;
	_ =	shalt  }
.Lfunc_end2:
_tile_overlayer_lowered:
.L_overlay_start_2:
0x16c: {  	(tag) =	ssettag $0x2  }
0x16d: {  	s0 =	rddreg [dreg:$0x0];
	s2 =	stileid.u32  }
0x16e: {  	s1 =	rddreg [dreg:$0x1];
	p0 =	sne.s32 s2, $0x0  }
0x16f: {  	s3 =	rddreg [dreg:$0x2];
	[bflag:$0x3] =	sbarrier.arrive $0xFFFF;
	s2 =	simm.s32 @!p0 $0x1C07  }
0x170: {  	[timem:s3], [sflag:s2] =	dma.local @!p0 [hbm:s0], s1  }
0x171: {  	s0 =	simm.s32 @!p0 $0x7  }
0x172: {  	_ =	swait.ge @!p0 [sflag:s0], s1  }
0x173: {  	s1 =	ssub.s32 @!p0 $0x0, s1;
	[sflag:s0] =	ssyncset.done @!p0 $0x0  }
0x174: {  	[sflag:s0] =	ssyncadd.s32 @!p0 s1  }
0x175: {  	[bflag:$0x3] =	sbarrier.arrive $0xFFFF  }
0x176: {  	_ =	shalt  }

// kernel: kernel.9.cloned.1.call-start
scs
__scs_entry_jumppad:
0x0: {  	(pc) =	sbr.rel $0x88, $3  }
0x1: {  	(tag) =	ssettag $0x0;
	lr =	simm.s32 $0x1  }
0x2: {  	[smem:$0x3F93] =	sst lr;
	_ =	strace $0xD0000000  }
0x3: {  	_ = 	snop  }
0x4: {  	_ = 	snop  }
0x5: {  	_ = 	snop  }
0x6: {  	_ = 	snop  }
0x7: {  	_ = 	snop  }
__scs_overlays_trampoline_lowered:
0x8: {  	[smem:$0x3FA2] =	sst s0  }
0x9: {  	[smem:$0x3FA3] =	sst s1  }
0xa: {  	[smem:$0x3FA4] =	sst s2  }
0xb: {  	[smem:$0x3FA5] =	sst s3  }
0xc: {  	[smem:$0x3FA6] =	sst s4  }
0xd: {  	[smem:$0x3FA7] =	sst s5  }
0xe: {  	[smem:$0x3FA8] =	sst s6  }
0xf: {  	[smem:$0x3FA9] =	sst s7  }
0x10: {  	[smem:$0x3FAA] =	sst s8  }
0x11: {  	[smem:$0x3FAB] =	sst s9;
	s0 =	simm.s32 @!p0 $0x0  }
0x12: {  	s1 =	sld [smem:$0x3F91];
	s0 =	simm.s32 @p0 $0x1  }
0x13: {  	[smem:$0x3FAC] =	sst s0;
	s0 =	simm.s32 @!p1 $0x0  }
0x14: {  	s2 =	sld [smem:$0x3F90];
	s0 =	simm.s32 @p1 $0x1  }
0x15: {  	[smem:$0x3FAD] =	sst s0;
	s0 =	simm.s32 @!p2 $0x0  }
0x16: {  	s3 =	sld [smem:$0x3FDB];
	s0 =	simm.s32 @p2 $0x1  }
0x17: {  	s4 =	simm.s32 $0x1BF5;
	[smem:$0x3FAF] =	sst s0  }
0x18: {  	s0 =	sld [smem:$0x3F92];
	_ =	swait.ge [sflag:s4], $0x0  }
0x19: {  	s7 =	sld [smem:$0x3F93]  }
0x1a: {  	s8 =	sadd.s32 $0xFFFFE003, lr  }
0x1b: {  	s9 =	sadd.s32 $0xFFFFFEF7, lr;
	s5 =	simm.s32 $0xFFFFFFFF;
	p2 =	slt.u32 s8, $0xFFFFF086  }
0x1c: {  	p1 =	slt.u32 s9, $0xF7A;
	s5 =	simm.s32 @!p2 $0x0  }
0x1d: {  	s5 =	simm.s32 @p1 $0x1;
	p0 =	seq.s32 s7, s2  }
0x1e: {  	s7 =	smul.u32 @!p0 $0xF7A, s2;
	p2 =	seq.s32 @!p0 s5, $0x0  }
0x1f: {  	s9 =	smul.u32 $0xF7A, s1;
	s8 =	simm.s32 @!p0 $0x1BF5;
	p2 =	por !p2, p0  }
0x20: {  	[sflag:s8] =	ssyncset.s32 @!p0 $0xFFFFF086;
	s6 =	sadd.s32 @!p0 s3, s7;
	s7 =	simm.s32 @!p0 $0x108  }
0x21: {  	s3 =	sadd.s32 s3, s9;
	s6 =	sadd.s32 @!p0 $0x88, s6;
	s7 =	simm.s32 @p2 $0x1082  }
0x22: {  	[simem:s7], [sflag:s8] =	dma.local @!p0 [hbm:s6], $0xF7A  }
0x23: {  	s9 =	sor.u32 $0xD0000000, s2;
	s6 =	simm.s32 $0x108;
	_ =	swait.ge @!p0 [sflag:s8], $0x0  }
0x24: {  	s3 =	sadd.s32 $0x88, s3;
	s6 =	simm.s32 @!p1 $0x1082;
	[sflag:s4] =	ssyncset.s32 $0xFFFFF086  }
0x25: {  	[simem:s6], [sflag:s4] =	dma.local [hbm:s3], $0xF7A  }
0x26: {  	[smem:$0x3F93] =	sst s1;
	(tag) =	ssettag s2;
	_ =	strace s9  }
0x27: {  	s1 =	sld [smem:$0x3FA3]  }
0x28: {  	s2 =	sld [smem:$0x3FA4]  }
0x29: {  	s4 =	sld [smem:$0x3FA6]  }
0x2a: {  	p0 =	seq.s32 s5, $0x0;
	s5 =	sld [smem:$0x3FA7]  }
0x2b: {  	s6 =	sld [smem:$0x3FA8]  }
0x2c: {  	s7 =	sld [smem:$0x3FA9]  }
0x2d: {  	s3 =	simm.s32 $0x108;
	s8 =	sld [smem:$0x3FAA]  }
0x2e: {  	s3 =	simm.s32 @!p0 $0x1082;
	s9 =	sld [smem:$0x3FAB]  }
0x2f: {  	lr =	sadd.s32 s0, s3;
	s0 =	sld [smem:$0x3FA2]  }
0x30: {  	s3 =	sld [smem:$0x3FA5]  }
0x31: {  	[smem:$0x3FAE] =	sst s10  }
0x32: {  	s10 =	sld [smem:$0x3FAC];
	_ =	sdelay $0x3  }
0x33: {  	p0 =	seq.s32 s10, $0x1;
	s10 =	sld [smem:$0x3FAE];
	_ =	sdelay $0x3  }
0x34: {  	[smem:$0x3FAE] =	sst s10  }
0x35: {  	s10 =	sld [smem:$0x3FAD];
	_ =	sdelay $0x3  }
0x36: {  	p1 =	seq.s32 s10, $0x1;
	s10 =	sld [smem:$0x3FAE];
	_ =	sdelay $0x3  }
0x37: {  	[smem:$0x3FAE] =	sst s10  }
0x38: {  	s10 =	sld [smem:$0x3FAF]  }
0x39: {  	_ = 	snop;
	(pc) =	sbr.ind lr, $3  }
0x3a: {  	_ = 	snop  }
0x3b: {  	_ = 	snop  }
0x3c: {  	p2 =	seq.s32 s10, $0x1;
	s10 =	sld [smem:$0x3FAE]  }
0x3d: {  	_ =	shalt  }
0x3e: {  	_ =	shalt  }
0x3f: {  	_ =	shalt  }
0x40: {  	_ =	shalt  }
0x41: {  	_ =	shalt  }
0x42: {  	_ =	shalt  }
0x43: {  	_ =	shalt  }
0x44: {  	_ =	shalt  }
0x45: {  	_ =	shalt  }
0x46: {  	_ =	shalt  }
0x47: {  	_ =	shalt  }
0x48: {  	_ =	shalt  }
0x49: {  	_ =	shalt  }
0x4a: {  	_ =	shalt  }
0x4b: {  	_ =	shalt  }
0x4c: {  	_ =	shalt  }
0x4d: {  	_ =	shalt  }
0x4e: {  	_ =	shalt  }
0x4f: {  	_ =	shalt  }
0x50: {  	_ =	shalt  }
0x51: {  	_ =	shalt  }
0x52: {  	_ =	shalt  }
0x53: {  	_ =	shalt  }
0x54: {  	_ =	shalt  }
0x55: {  	_ =	shalt  }
0x56: {  	_ =	shalt  }
0x57: {  	_ =	shalt  }
0x58: {  	_ =	shalt  }
0x59: {  	_ =	shalt  }
0x5a: {  	_ =	shalt  }
0x5b: {  	_ =	shalt  }
0x5c: {  	_ =	shalt  }
0x5d: {  	_ =	shalt  }
0x5e: {  	_ =	shalt  }
0x5f: {  	_ =	shalt  }
0x60: {  	_ =	shalt  }
0x61: {  	_ =	shalt  }
0x62: {  	_ =	shalt  }
0x63: {  	_ =	shalt  }
0x64: {  	_ =	shalt  }
0x65: {  	_ =	shalt  }
0x66: {  	_ =	shalt  }
0x67: {  	_ =	shalt  }
0x68: {  	_ =	shalt  }
0x69: {  	_ =	shalt  }
0x6a: {  	_ =	shalt  }
0x6b: {  	_ =	shalt  }
0x6c: {  	_ =	shalt  }
0x6d: {  	_ =	shalt  }
0x6e: {  	_ =	shalt  }
0x6f: {  	_ =	shalt  }
0x70: {  	_ =	shalt  }
0x71: {  	_ =	shalt  }
0x72: {  	_ =	shalt  }
0x73: {  	_ =	shalt  }
0x74: {  	_ =	shalt  }
0x75: {  	_ =	shalt  }
0x76: {  	_ =	shalt  }
0x77: {  	_ =	shalt  }
0x78: {  	_ =	shalt  }
0x79: {  	_ =	shalt  }
0x7a: {  	_ =	shalt  }
0x7b: {  	_ =	shalt  }
0x7c: {  	_ =	shalt  }
0x7d: {  	_ =	shalt  }
0x7e: {  	_ =	shalt  }
0x7f: {  	_ =	shalt  }
0x80: {  	_ =	shalt  }
0x81: {  	_ =	shalt  }
0x82: {  	_ =	shalt  }
0x83: {  	_ =	shalt  }
0x84: {  	_ =	shalt  }
0x85: {  	_ =	shalt  }
0x86: {  	_ =	shalt  }
0x87: {  	_ =	shalt  }
.Lfunc_end0:
.L_simem_size_0:
called_computation_lowered:
.L_overlay_start_0:
0x88: {  	s2 =	sld [smem:$0x3FD9]  }
0x89: {  	s3 =	sld [smem:$0x3FFE];
	_ =	sdelay $0x1  }
0x8a: {  	s1 =	srdreg.scid  }
0x8b: {  	s0 =	sand.u32 $0x1, s1  }
0x8c: {  	s17 =	sshll.u32 s0, $0xA;
	s2 =	sadd.s32 s3, s2  }
0x8d: {  	s2 =	sadd.s32 s2, s17  }
0x8e: {  	[smem:$0x3FBA] =	sst s2  }
0x8f: {  	_ = 	snop  }
0x90: {  	s2 =	sld [smem:$0x3FD0];
	(tm) =	ssettm $0x1  }
0x91: {  	s18 =	sld [smem:$0x3FFB];
	_ =	sdelay $0x3  }
0x92: {  	_ =	strace s18  }
0x93: {  	s3 =	sld [smem:$0x3FFC];
	_ =	sdelay $0x3  }
0x94: {  	_ =	strace s3  }
0x95: {  	s3 =	sld [smem:$0x3FFD];
	_ =	sdelay $0x3  }
0x96: {  	_ =	strace s3  }
0x97: {  	_ =	strace $0x8FFFFFFF  }
0x98: {  	s19 =	sld [smem:$0x3FDB];
	_ =	sdelay $0x1  }
0x99: {  	s4 =	simm.s32 $_scs_section_size  }
0x9a: {  	s5 =	simm.s32 $_size__tile_overlayer_lowered;
	s6 =	simm.s32 $_tile_overlayer_lowered  }
0x9b: {  	s22 =	simm.s32 $0x1BFF;
	s21 =	sshll.u32 s6, $0x1;
	s3 =	sadd.s32 s4, s19  }
0x9c: {  	s7 =	simm.s32 $0x0;
	s20 =	sshll.u32 s5, $0x1;
	s5 =	sadd.s32 s21, s3  }
0x9d: {  	[timem:s7], [sflag:s22] =	dma.local [hbm:s5], s20  }
0x9e: {  	_ =	swait.ge [sflag:s22], s20  }
0x9f: {  	s4 =	ssub.s32 $0x0, s20;
	[sflag:s22] =	ssyncset.done $0x0  }
0xa0: {  	[sflag:s22] =	ssyncadd.s32 s4;
	_ =	sdelay $0x1  }
0xa1: {  	s23 =	simm.s32 $0x1B8B  }
0xa2: {  	_ =	swait.ge [sflag:s23], $0x1  }
0xa3: {  	[sflag:s23] =	ssyncset.done $0x0  }
0xa4: {  	s25 =	simm.s32 $0x1B8E;
	s24 =	sld [smem:$0x3FFE];
	[sflag:s23] =	ssyncadd.s32 $0xFFFFFFFF  }
0xa5: {  	s26 =	simm.s32 $execute0_lowered;
	[smem:$0x3FD2] =	sst s25  }
0xa6: {  	s5 =	sshll.u32 s26, $0x1;
	_ =	strace $0x80000046;
	[dreg:$0x1] =	wrdreg $0xFFFFFFFF  }
0xa7: {  	s28 =	simm.s32 $_size_execute0_lowered;
	s3 =	sadd.s32 s3, s5;
	[dreg:$0x0] =	wrdreg $0x0  }
0xa8: {  	s5 =	sshll.u32 s28, $0x1;
	[dreg:$0x2] =	wrdreg s3  }
0xa9: {  	[dreg:$0x3] =	wrdreg s5  }
0xaa: {  	[dreg:$0x4] =	wrdreg $0xC0  }
0xab: {  	_ =	task [dreg:s7], $0x5FFFF  }
0xac: {  	[dreg:$0x1] =	wrdreg $0xFFFFFFFF  }
0xad: {  	[dreg:$0x0] =	wrdreg $0x60  }
0xae: {  	[dreg:$0x2] =	wrdreg s24  }
0xaf: {  	[dreg:$0x3] =	wrdreg s2  }
0xb0: {  	[dreg:$0x4] =	wrdreg $0x7C800  }
0xb1: {  	[dreg:$0x5] =	wrdreg $0x9  }
0xb2: {  	_ =	task.clear_ibuf [dreg:s7], $0x6FFFF;
	_ =	strace $0x90000046  }
0xb3: {  	s29 =	simm.s32 $0x9;
	_ =	strace $0x80000048  }
0xb4: {  	_ =	swait.ge [sflag:s29], $0x1  }
0xb5: {  	[sflag:s29] =	ssyncadd.s32 $0xFFFFFFFF  }
0xb6: {  	_ =	strace $0x90000048  }
0xb7: {  	_ =	sfence  }
0xb8: {  	s30 =	sld [smem:$0x0];
	_ =	sdelay $0x2  }
0xb9: {  	s31 =	sshll.u32 s1, $0xD;
	s1 =	sshrl.u32 s1, $0x2  }
0xba: {  	s3 =	sand.u32 $0x4000, s31;
	s1 =	sadd.s32 s1, s30  }
0xbb: {  	s0 =	sor.u32 s3, s0;
	s1 =	sshll.u32 s1, $0x11  }
0xbc: {  	s0 =	sor.u32 s1, s0  }
0xbd: {  	s0 =	sadd.s32 $0x8F2B, s0  }
0xbe: {  	[sflag:s0] =	ssyncadd.remote.s32 $0x1  }
0xbf: {  	_ =	sfence.sel $0xFFFF  }
0xc0: {  	[dreg:$0x0] =	wrdreg $0xFFFFFFFF;
	(pc) =	sbr.abs _section_cstart, $3  }
0xc1: {  	[dreg:$0x1] =	wrdreg $0xFFFFFFFF  }
0xc2: {  	_ =	task.clear_ibuf [dreg:s7], $0x2FFFF;
	_ =	strace $0x9FFFFFFF  }
0xc3: {  	(tm) =	ssettm $0x7FFFFFFF  }
tec
execute0_lowered:
.L_overlay_start_1:
0x0: {  	(tag) =	ssettag $0x1  }
0x1: {  	s0 =	rddreg [dreg:$0x0]  }
0x2: {  	s1 =	rddreg [dreg:$0x1];
	s14 =	stileid.u32  }
0x3: {  	s2 =	rddreg [dreg:$0x2];
	s4 =	simm.s32 $0x0;
	s8 =	smul.u32 $0x1440, s14  }
0x4: {  	s3 =	srdreg.scid;
	s29 =	simm.s32 $0x480;
	s11 =	smul.u32 $0x15F00, s14  }
0x5: {  	s30 =	simm.s32 $0x7;
	s31 =	simm.s32 $0x7080;
	s18 =	smul.u32 $0xD8, s14  }
0x6: {  	[smem:$0x7FF] =	sst s4;
	s3 =	sand.u32 $0x1, s3;
	s12 =	smul.u32 $0x57C00, s14  }
0x7: {  	s5 =	sadd.s32 $0x9E800, s0;
	s6 =	sadd.s32 $0x2400, s0;
	s26 =	smul.u32 $0x5100, s14  }
0x8: {  	s0 =	sadd.s32 $0x16800, s0;
	p0 =	sne.s32 s14, $0xF;
	s10 =	smul.u32 $0x2710, s3  }
0x9: {  	_ =	strace $0x80000047;
	s7 =	ssub.s32 $0x2, s3;
	s3 =	smul.u32 $0x15F900, s3  }
0xa: {  	s9 =	sshrl.u32 s7, $0x1;
	s8 =	sadd.s32 s6, s8;
	s20 =	sshrl.u32 s12, $0x2  }
0xb: {  	s13 =	ssub.s32 s7, s9;
	s7 =	sadd.s32 $0x15F000, s2;
	[dreg:$0x4] =	wrdreg s8  }
0xc: {  	s19 =	sadd.s32 s11, s3;
	s9 =	sor.u32 $0x1, s18;
	s3 =	sshrl.u32 s3, $0x3  }
0xd: {  	s11 =	sadd.s32 s11, s2;
	s12 =	sadd.s32 s20, s2;
	s8 =	sshrl.u32 s19, $0x3  }
0xe: {  	s21 =	smax.u32 s13, $0x1;
	s22 =	sadd.s32 $0x1B00, s12;
	s23 =	sadd.s32 $0x3600, s12  }
0xf: {  	s24 =	sadd.s32 $0x5100, s12;
	s25 =	sadd.s32 $0x6C00, s12;
	[dreg:$0x7] =	wrdreg s21  }
0x10: {  	s18 =	sadd.s32 $0x8700, s12;
	s19 =	sadd.s32 $0xA200, s12;
	[dreg:$0x8] =	wrdreg s22  }
0x11: {  	s20 =	sadd.s32 $0xBD00, s12;
	s28 =	sadd.s32 $0x14400, s12;
	[dreg:$0x9] =	wrdreg s23  }
.Ltmp0:
0x12: {  	s8 =	sadd.s32 s0, s8;
	[dreg:$0xa] =	wrdreg s24;
	(pc) =	sbr.rel .LBB2_1-.Ltmp0, $4  }
0x13: {  	s0 =	sadd.s32 s0, s3;
	[dreg:$0xb] =	wrdreg s25;
	s21 =	sadd.s32 $0xD800, s12  }
0x14: {  	s22 =	sadd.s32 $0xF300, s12;
	s24 =	sshrl.u32 s11, $0x3;
	s25 =	sadd.s32 $0x10E00, s12  }
0x15: {  	v0 =	vlaneseq.u32;
	[dreg:$0x5] =	wrdreg s8;
	s0 =	sadd.s32 $0x2BE00, s0;
	s8 =	sadd.s32 $0xFFFFFFA0, s26  }
0x16: {  	v2 =	vimm.f32 $0.0e+00;
	v3 =	vmul.u32 $0x90, v0;
	v1 =	vmov s10;
	s26 =	sadd.s32 $0x12900, s12;
	[dreg:$0x6] =	wrdreg s0;
	s0 =	simm.s32 $0x60  }
.LBB2_13:
0x17: {  	s3 =	stileid.u32  }
0x18: {  	[bflag:$0x0] =	sbarrier.arrive $0xFFFF;
	s3 =	sshll.u32 s3, $0x6  }
0x19: {  	s10 =	rddreg [dreg:$0x5];
	s3 =	sor.u32 $0x1C07, s3  }
0x1a: {  	[hbm:s10], [sflag:s3] =	dma.local [spmem:s24], $0x2BE0  }
0x1b: {  	_ =	swait.ge [sflag:s30], $0x2BE0  }
0x1c: {  	[sflag:s30] =	ssyncset.done $0x0  }
0x1d: {  	s10 =	sshrl.u32 @!p0 s7, $0x3;
	s11 =	rddreg [dreg:$0x6];
	[sflag:s30] =	ssyncadd.s32 $0xFFFFD420  }
0x1e: {  	[hbm:s11], [sflag:s3] =	dma.local @!p0 [spmem:s10], $0x120  }
0x1f: {  	s3 =	simm.s32 @!p0 $0x7  }
0x20: {  	_ =	swait.ge @!p0 [sflag:s3], $0x120  }
0x21: {  	s4 =	sadd.s32 $0x1, s4;
	s23 =	rddreg [dreg:$0x7]  }
0x22: {  	p1 =	sne.s32 s4, s23  }
.Ltmp1:
0x23: {  	_ = 	snop;
	(pc) =	sbr.rel @!p1 .LBB2_14-.Ltmp1, $3  }
0x24: {  	_ =	sdelay $0x1  }
0x25: {  	[sflag:s3] =	ssyncset.done @!p0 $0x0  }
0x26: {  	[sflag:s3] =	ssyncadd.s32 @!p0 $0xFFFFFEE0  }
.LBB2_1:
0x27: {  	s3 =	simm.s32 $0x0;
	s10 =	simm.s32 $0x240  }
.LBB2_2:
0x28: {  	p1 =	sne.s32 s10, $0xD5C0;
	[tilespmem:s3+$0x500] =	vst v2  }
0x29: {  	[tilespmem:s3+$0x480] =	vst v2  }
0x2a: {  	[tilespmem:s3+$0x490] =	vst v2  }
0x2b: {  	[tilespmem:s3+$0x4A0] =	vst v2  }
.Ltmp2:
0x2c: {  	[tilespmem:s3+$0x4B0] =	vst v2;
	(pc) =	sbr.rel @p1 .LBB2_2-.Ltmp2, $4  }
0x2d: {  	[tilespmem:s3+$0x4C0] =	vst v2  }
0x2e: {  	[tilespmem:s3+$0x4D0] =	vst v2  }
0x2f: {  	[tilespmem:s3+$0x4E0] =	vst v2  }
0x30: {  	[tilespmem:s3+$0x4F0] =	vst v2;
	s3 =	sshra.s32 s10, $0x2;
	s10 =	sadd.s32 $0x240, s10  }
0x31: {  	[tilespmem:s3+$0x500] =	vst v2  }
0x32: {  	[tilespmem:s3+$0x480] =	vst v2  }
0x33: {  	[tilespmem:s3+$0x490] =	vst v2  }
0x34: {  	[tilespmem:s3+$0x4A0] =	vst v2  }
0x35: {  	[tilespmem:s3+$0x4B0] =	vst v2  }
0x36: {  	[tilespmem:s3+$0x4C0] =	vst v2  }
0x37: {  	[tilespmem:s3+$0x4D0] =	vst v2  }
0x38: {  	[tilespmem:s3+$0x4E0] =	vst v2  }
0x39: {  	[tilespmem:s3+$0x4F0] =	vst v2  }
0x3a: {  	[spmem:s12] =	stream.linear.scatter [tilespmem:s29], [sflag:$0x7], $0x1B00, $0x38;
	[tilespmem:$0x1DC10] =	vst v63  }
0x3b: {  	_ =	swait.ge [sflag:s30], $0x1B00  }
0x3c: {  	[sflag:s30] =	ssyncset.done $0x0  }
0x3d: {  	s15 =	rddreg [dreg:$0x8];
	[sflag:s30] =	ssyncadd.s32 $0xFFFFE500  }
0x3e: {  	[spmem:s15] =	stream.linear.scatter [tilespmem:s29], [sflag:$0x7], $0x1B00, $0x38;
	[tilespmem:$0x1DC10] =	vst v63  }
0x3f: {  	_ =	swait.ge [sflag:s30], $0x1B00  }
0x40: {  	[sflag:s30] =	ssyncset.done $0x0  }
0x41: {  	s16 =	rddreg [dreg:$0x9];
	[sflag:s30] =	ssyncadd.s32 $0xFFFFE500  }
0x42: {  	[spmem:s16] =	stream.linear.scatter [tilespmem:s29], [sflag:$0x7], $0x1B00, $0x38;
	[tilespmem:$0x1DC10] =	vst v63  }
0x43: {  	_ =	swait.ge [sflag:s30], $0x1B00  }
0x44: {  	[sflag:s30] =	ssyncset.done $0x0  }
0x45: {  	s17 =	rddreg [dreg:$0xa];
	[sflag:s30] =	ssyncadd.s32 $0xFFFFE500  }
0x46: {  	[spmem:s17] =	stream.linear.scatter [tilespmem:s29], [sflag:$0x7], $0x1B00, $0x38;
	[tilespmem:$0x1DC10] =	vst v63  }
0x47: {  	_ =	swait.ge [sflag:s30], $0x1B00  }
0x48: {  	[sflag:s30] =	ssyncset.done $0x0  }
0x49: {  	s23 =	rddreg [dreg:$0xb];
	[sflag:s30] =	ssyncadd.s32 $0xFFFFE500  }
0x4a: {  	[spmem:s23] =	stream.linear.scatter [tilespmem:s29], [sflag:$0x7], $0x1B00, $0x38;
	[tilespmem:$0x1DC10] =	vst v63  }
0x4b: {  	_ =	swait.ge [sflag:s30], $0x1B00  }
0x4c: {  	[sflag:s30] =	ssyncset.done $0x0  }
0x4d: {  	[sflag:s30] =	ssyncadd.s32 $0xFFFFE500  }
0x4e: {  	[spmem:s18] =	stream.linear.scatter [tilespmem:s29], [sflag:$0x7], $0x1B00, $0x38;
	[tilespmem:$0x1DC10] =	vst v63  }
0x4f: {  	_ =	swait.ge [sflag:s30], $0x1B00  }
0x50: {  	[sflag:s30] =	ssyncset.done $0x0  }
0x51: {  	[sflag:s30] =	ssyncadd.s32 $0xFFFFE500  }
0x52: {  	[spmem:s19] =	stream.linear.scatter [tilespmem:s29], [sflag:$0x7], $0x1B00, $0x38;
	[tilespmem:$0x1DC10] =	vst v63  }
0x53: {  	_ =	swait.ge [sflag:s30], $0x1B00  }
0x54: {  	[sflag:s30] =	ssyncset.done $0x0  }
0x55: {  	[sflag:s30] =	ssyncadd.s32 $0xFFFFE500  }
0x56: {  	[spmem:s20] =	stream.linear.scatter [tilespmem:s29], [sflag:$0x7], $0x1B00, $0x38;
	[tilespmem:$0x1DC10] =	vst v63  }
0x57: {  	_ =	swait.ge [sflag:s30], $0x1B00  }
0x58: {  	[sflag:s30] =	ssyncset.done $0x0  }
0x59: {  	[sflag:s30] =	ssyncadd.s32 $0xFFFFE500  }
0x5a: {  	[spmem:s21] =	stream.linear.scatter [tilespmem:s29], [sflag:$0x7], $0x1B00, $0x38;
	[tilespmem:$0x1DC10] =	vst v63  }
0x5b: {  	_ =	swait.ge [sflag:s30], $0x1B00  }
0x5c: {  	[sflag:s30] =	ssyncset.done $0x0  }
0x5d: {  	[sflag:s30] =	ssyncadd.s32 $0xFFFFE500  }
0x5e: {  	[spmem:s22] =	stream.linear.scatter [tilespmem:s29], [sflag:$0x7], $0x1B00, $0x38;
	[tilespmem:$0x1DC10] =	vst v63  }
0x5f: {  	_ =	swait.ge [sflag:s30], $0x1B00  }
0x60: {  	[sflag:s30] =	ssyncset.done $0x0  }
0x61: {  	[sflag:s30] =	ssyncadd.s32 $0xFFFFE500  }
0x62: {  	[spmem:s25] =	stream.linear.scatter [tilespmem:s29], [sflag:$0x7], $0x1B00, $0x38;
	[tilespmem:$0x1DC10] =	vst v63  }
0x63: {  	_ =	swait.ge [sflag:s30], $0x1B00  }
0x64: {  	[sflag:s30] =	ssyncset.done $0x0  }
0x65: {  	[sflag:s30] =	ssyncadd.s32 $0xFFFFE500  }
0x66: {  	[spmem:s26] =	stream.linear.scatter [tilespmem:s29], [sflag:$0x7], $0x1B00, $0x38;
	[tilespmem:$0x1DC10] =	vst v63  }
0x67: {  	_ =	swait.ge [sflag:s30], $0x1B00  }
0x68: {  	[sflag:s30] =	ssyncset.done $0x0  }
0x69: {  	[sflag:s30] =	ssyncadd.s32 $0xFFFFE500  }
0x6a: {  	[spmem:s28] =	stream.linear.scatter [tilespmem:s29], [sflag:$0x7], $0x1B00, $0x38;
	[tilespmem:$0x1DC10] =	vst v63  }
0x6b: {  	_ =	swait.ge [sflag:s30], $0x1B00  }
0x6c: {  	[sflag:s30] =	ssyncset.done $0x0  }
0x6d: {  	s3 =	simm.s32 @!p0 $0x480;
	[sflag:s30] =	ssyncadd.s32 $0xFFFFE500  }
0x6e: {  	[spmem:s7] =	stream.linear.scatter @!p0 [tilespmem:s3], [sflag:$0x7], $0x900, $0x38;
	[tilespmem:$0x1DC10] =	vst v63  }
0x6f: {  	s3 =	simm.s32 @!p0 $0x7  }
0x70: {  	_ =	swait.ge @!p0 [sflag:s3], $0x900  }
.Ltmp3:
0x71: {  	[sflag:s3] =	ssyncset.done @!p0 $0x0;
	(pc) =	sbr.rel .LBB2_4-.Ltmp3, $4  }
0x72: {  	[sflag:s3] =	ssyncadd.s32 @!p0 $0xFFFFF700  }
0x73: {  	[bflag:$0x0] =	sbarrier.arrive $0xFFFF  }
0x74: {  	s23 =	smov.u32 s8;
	s3 =	simm.s32 $0x0;
	s10 =	rddreg [dreg:$0x4]  }
0x75: {  	[tilespmem:s3], [sflag:$0x1] =	stream.linear.gather [hbm4b:s10+s3], $0xC0, $0x38;
	[tilespmem:$0x1DC10] =	vst v63  }
.LBB2_12:
0x76: {  	s3 =	sadd.s32 $0x1, s3  }
0x77: {  	p1 =	sne.s32 s3, $0xD9  }
.Ltmp4:
0x78: {  	_ = 	snop;
	(pc) =	sbr.rel @!p1 .LBB2_13-.Ltmp4, $2  }
0x79: {  	_ =	sdelay $0x2  }
0x7a: {  	s23 =	sadd.s32 $0x60, s23  }
.LBB2_4:
0x7b: {  	s10 =	sand.u32 $0x1, s3;
	p1 =	seq.s32 s3, $0xD8  }
0x7c: {  	s11 =	sadd.s32 @!p1 $0x1, s10  }
0x7d: {  	s13 =	smul.u32 @!p1 $0x300, s10;
	_ =	swait.ge @!p1 [sflag:s11], $0xC0  }
0x7e: {  	[sflag:s11] =	ssyncset.done @!p1 $0x0  }
0x7f: {  	[sflag:s11] =	ssyncadd.s32 @!p1 $0xFFFFFF40;
	s11 =	sshrl.u32 @!p1 s13, $0x2  }
0x80: {  	v4 =	vld @!p1 [tilespmem:s11+$0x0]  }
0x81: {  	v5 =	vld @!p1 [tilespmem:s11+$0x60];
	_ =	sdelay $0x2  }
0x82: {  	s13 =	smul.u32 @!p1 $0x60, s10;
	_ =	sdelay $0x1  }
0x83: {  	v4 =	vadd.s32 @!p1 v1, v4;
	[tilespmem:s13+$0x300] =	vst @!p1 v5  }
0x84: {  	[tilespmem:s13+$0x180] =	vst @!p1 v4;
	v4 =	vadd.s32 @!p1 v1, v5  }
0x85: {  	[tilespmem:s13+$0x240] =	vst @!p1 v4  }
0x86: {  	v4 =	vld @!p1 [tilespmem:s11+$0x10]  }
0x87: {  	v5 =	vld @!p1 [tilespmem:s11+$0x70];
	_ =	sdelay $0x4  }
0x88: {  	v4 =	vadd.s32 @!p1 v1, v4;
	[tilespmem:s13+$0x310] =	vst @!p1 v5  }
0x89: {  	[tilespmem:s13+$0x190] =	vst @!p1 v4;
	v4 =	vadd.s32 @!p1 v1, v5  }
0x8a: {  	[tilespmem:s13+$0x250] =	vst @!p1 v4  }
0x8b: {  	v4 =	vld @!p1 [tilespmem:s11+$0x20]  }
0x8c: {  	v5 =	vld @!p1 [tilespmem:s11+$0x80];
	_ =	sdelay $0x4  }
0x8d: {  	v4 =	vadd.s32 @!p1 v1, v4;
	[tilespmem:s13+$0x320] =	vst @!p1 v5  }
0x8e: {  	[tilespmem:s13+$0x1A0] =	vst @!p1 v4;
	v4 =	vadd.s32 @!p1 v1, v5  }
0x8f: {  	[tilespmem:s13+$0x260] =	vst @!p1 v4  }
0x90: {  	v4 =	vld @!p1 [tilespmem:s11+$0x30]  }
0x91: {  	v5 =	vld @!p1 [tilespmem:s11+$0x90];
	_ =	sdelay $0x4  }
0x92: {  	v4 =	vadd.s32 @!p1 v1, v4;
	[tilespmem:s13+$0x330] =	vst @!p1 v5  }
0x93: {  	[tilespmem:s13+$0x1B0] =	vst @!p1 v4;
	v4 =	vadd.s32 @!p1 v1, v5  }
0x94: {  	[tilespmem:s13+$0x270] =	vst @!p1 v4  }
0x95: {  	v4 =	vld @!p1 [tilespmem:s11+$0x40]  }
0x96: {  	v5 =	vld @!p1 [tilespmem:s11+$0xA0];
	_ =	sdelay $0x4  }
0x97: {  	v4 =	vadd.s32 @!p1 v1, v4;
	[tilespmem:s13+$0x340] =	vst @!p1 v5  }
0x98: {  	[tilespmem:s13+$0x1C0] =	vst @!p1 v4;
	v4 =	vadd.s32 @!p1 v1, v5  }
0x99: {  	[tilespmem:s13+$0x280] =	vst @!p1 v4  }
0x9a: {  	v4 =	vld @!p1 [tilespmem:s11+$0x50]  }
0x9b: {  	v5 =	vld @!p1 [tilespmem:s11+$0xB0];
	_ =	sdelay $0x3  }
0x9c: {  	s11 =	smul.u32 @!p1 $0xD800, s10  }
0x9d: {  	v4 =	vadd.s32 @!p1 v1, v4;
	[tilespmem:s13+$0x350] =	vst @!p1 v5  }
0x9e: {  	s15 =	sadd.s32 @!p1 $0x3, s10;
	s16 =	simm.s32 @!p1 $0x60;
	s11 =	sshrl.u32 @!p1 s11, $0x2;
	[tilespmem:s13+$0x1D0] =	vst @!p1 v4;
	v4 =	vadd.s32 @!p1 v1, v5  }
0x9f: {  	s17 =	smul.u32 @!p1 $0x1800, s10;
	s14 =	sor.u32 @!p1 $0x180, s13;
	s11 =	sadd.s32 @!p1 $0x480, s11;
	[tilespmem:s13+$0x290] =	vst @!p1 v4  }
0xa0: {  	[tilespmem:s11], [sflag:s15] =	stream.indirect.gather @!p1 [hbm4b:s5+s16], $0x90, s14, s16, $0xb8;
	[tilespmem:$0x1DC10] =	vst v63  }
0xa1: {  	p2 =	sgt.u32 @!p1 s3, $0xD6;
	s11 =	sshrl.u32 @!p1 s17, $0x2  }
0xa2: {  	s13 =	sadd.s32 @!p1 $0x240, s13;
	s14 =	sadd.s32 @!p1 $0x5, s10;
	s11 =	sor.u32 @!p1 $0x7080, s11  }
0xa3: {  	[tilespmem:s11], [sflag:s14] =	stream.indirect.gather @!p1 [hbm4b:s1+s16], $0x10, s13, s16, $0xb8;
	[tilespmem:$0x1DC10] =	vst v63  }
0xa4: {  	s10 =	sxor.u32 $0x1, s10;
	p1 =	por p1, p2  }
0xa5: {  	s11 =	smul.u32 @!p1 $0x300, s10;
	s13 =	sadd.s32 @!p1 s3, s9  }
0xa6: {  	s13 =	smul.u32 @!p1 $0x18, s13  }
0xa7: {  	s14 =	sadd.s32 @!p1 $0x1, s10;
	s15 =	simm.s32 @!p1 $0x0  }
0xa8: {  	p2 =	seq.s32 @!p1 s3, $0x0;
	s11 =	sshrl.u32 @!p1 s11, $0x2;
	s13 =	sadd.s32 @!p1 s6, s13  }
0xa9: {  	[tilespmem:s11], [sflag:s14] =	stream.linear.gather @!p1 [hbm4b:s13+s15], $0xC0, $0x38;
	[tilespmem:$0x1DC10] =	vst v63  }
0xaa: {  	p1 =	por p1, !p2  }
.Ltmp5:
0xab: {  	_ = 	snop;
	(pc) =	sbr.rel @!p1 .LBB2_12-.Ltmp5, $1  }
0xac: {  	_ =	sdelay $0x3  }
0xad: {  	v7 =	vmov s10;
	s13 =	simm.s32 $0x0  }
0xae: {  	v4 =	vmul.u32 $0x3600, v7;
	v8 =	vor.u32 s13, v0  }
0xaf: {  	s11 =	sadd.s32 $0x3, s10;
	v7 =	vmul.u32 $0x600, v7;
	v9 =	vmul.u32 $0x90, v8  }
0xb0: {  	_ =	swait.ge [sflag:s11], $0x3600;
	v8 =	vshll.u32 v8, $0x4;
	v6 =	vor.u32 $0x80, v4  }
0xb1: {  	[sflag:s11] =	ssyncset.done $0x0;
	v10 =	vadd.s32 v7, v8;
	v11 =	vadd.s32 v6, v9  }
0xb2: {  	s16 =	sadd.s32 $0x5, s10;
	[sflag:s11] =	ssyncadd.s32 $0xFFFFCA00;
	v8 =	vor.u32 $0x2, v10  }
0xb3: {  	_ =	swait.ge [sflag:s16], $0x600  }
0xb4: {  	[sflag:s16] =	ssyncset.done $0x0  }
0xb5: {  	[sflag:s16] =	ssyncadd.s32 $0xFFFFFA00  }
0xb6: {  	v12 =	vld.idx.msk [tilespmem:v11+s29+$0x0], $0xffff  }
0xb7: {  	v8 =	vld.idx.msk [tilespmem:v8+s31+$0x0], $0xffff;
	_ =	sdelay $0x4  }
0xb8: {  	v8 =	vadd.f32 v8, v12;
	_ =	sdelay $0x1  }
0xb9: {  	v12 =	vmul.f32 $2.000000030e-01, v8;
	_ =	sdelay $0x1  }
0xba: {  	v8 =	vmax.f32 v8, v12  }
0xbb: {  	v8 =	vmul.f32 $1.442695020e+00, v8;
	_ =	sdelay $0x1  }
0xbc: {  	(erf) = vpow2.f32 v8;
	_ =	sdelay $0x6  }
0xbd: {  	v5 =	vor.u32 $0x81, v4  }
0xbe: {  	s17 =	sadd.s32 $0x0, s23;
	v8 =	vadd.s32 v5, v9  }
0xbf: {  	p2 =	slt.u32 s17, $0x50910;
	v9 =	vor.u32 $0x3, v10;
	v10 =	vpop (erf)  }
0xc0: {  	s11 =	simm.s32 $0x420;
	v10 =	vpsel !p2, $0x0, v10  }
0xc1: {  	[tilespmem:s11+$0xFFFFFFA0] =	vst v10  }
0xc2: {  	[tilespmem:v11+s29+$0x0] =	vst.idx.msk $0xffff, v10  }
0xc3: {  	v10 =	vld.idx.msk [tilespmem:v8+s29+$0x0], $0xffff  }
0xc4: {  	v9 =	vld.idx.msk [tilespmem:v9+s31+$0x0], $0xffff;
	_ =	sdelay $0x4  }
0xc5: {  	v9 =	vadd.f32 v9, v10;
	_ =	sdelay $0x1  }
0xc6: {  	v10 =	vmul.f32 $2.000000030e-01, v9;
	_ =	sdelay $0x1  }
0xc7: {  	v9 =	vmax.f32 v9, v10  }
0xc8: {  	v9 =	vmul.f32 $1.442695020e+00, v9;
	_ =	sdelay $0x1  }
0xc9: {  	(erf) = vpow2.f32 v9;
	_ =	sdelay $0x4  }
0xca: {  	s13 =	simm.s32 $0x10  }
0xcb: {  	v9 =	vor.u32 s13, v0  }
0xcc: {  	v10 =	vmul.u32 $0x90, v9;
	v9 =	vshll.u32 v9, $0x4  }
0xcd: {  	v11 =	vadd.s32 v7, v9  }
0xce: {  	s14 =	simm.s32 $0x20;
	s15 =	simm.s32 $0x420;
	v9 =	vadd.s32 v6, v10;
	v12 =	vor.u32 $0x2, v11;
	v13 =	vpop (erf)  }
.LBB2_6:
0xcf: {  	p1 =	seq.s32 s14, $0x50  }
0xd0: {  	v13 =	vpsel !p2, $0x0, v13;
	s11 =	sadd.s32 $0x10, s11;
	s16 =	smov.u32 s14;
	s14 =	sadd.s32 $0x10, s14  }
0xd1: {  	[tilespmem:s15+$0x0] =	vst v13;
	s15 =	smov.u32 s11  }
0xd2: {  	[tilespmem:v8+s29+$0x0] =	vst.idx.msk $0xffff, v13  }
0xd3: {  	v8 =	vld.idx.msk [tilespmem:v9+s29+$0x0], $0xffff  }
0xd4: {  	v12 =	vld.idx.msk [tilespmem:v12+s31+$0x0], $0xffff;
	_ =	sdelay $0x5  }
0xd5: {  	v8 =	vadd.f32 v12, v8;
	_ =	sdelay $0x1  }
0xd6: {  	v12 =	vmul.f32 $2.000000030e-01, v8;
	_ =	sdelay $0x1  }
0xd7: {  	v8 =	vmax.f32 v8, v12  }
0xd8: {  	v8 =	vmul.f32 $1.442695020e+00, v8;
	_ =	sdelay $0x1  }
0xd9: {  	(erf) = vpow2.f32 v8;
	_ =	sdelay $0x6  }
0xda: {  	s17 =	sadd.s32 s13, s23;
	s13 =	smov.u32 s16  }
0xdb: {  	p2 =	slt.u32 s17, $0x50910;
	v8 =	vadd.s32 v5, v10;
	v10 =	vor.u32 $0x3, v11  }
0xdc: {  	v11 =	vpop (erf)  }
0xdd: {  	v11 =	vpsel !p2, $0x0, v11  }
0xde: {  	[tilespmem:s11+$0xFFFFFFA0] =	vst v11  }
0xdf: {  	[tilespmem:v9+s29+$0x0] =	vst.idx.msk $0xffff, v11  }
0xe0: {  	v9 =	vld.idx.msk [tilespmem:v8+s29+$0x0], $0xffff  }
0xe1: {  	v10 =	vld.idx.msk [tilespmem:v10+s31+$0x0], $0xffff;
	_ =	sdelay $0x5  }
0xe2: {  	v9 =	vadd.f32 v10, v9;
	_ =	sdelay $0x1  }
0xe3: {  	v10 =	vmul.f32 $2.000000030e-01, v9;
	_ =	sdelay $0x1  }
0xe4: {  	v9 =	vmax.f32 v9, v10  }
0xe5: {  	v9 =	vmul.f32 $1.442695020e+00, v9;
	_ =	sdelay $0x1  }
0xe6: {  	(erf) = vpow2.f32 v9;
	_ =	sdelay $0x4  }
.Ltmp6:
0xe7: {  	v9 =	vor.u32 s13, v0;
	(pc) =	sbr.rel @!p1 .LBB2_6-.Ltmp6, $4  }
0xe8: {  	v10 =	vmul.u32 $0x90, v9;
	v9 =	vshll.u32 v9, $0x4  }
0xe9: {  	v11 =	vadd.s32 v7, v9  }
0xea: {  	v9 =	vadd.s32 v6, v10;
	v12 =	vor.u32 $0x2, v11  }
0xeb: {  	v13 =	vpop (erf)  }
0xec: {  	_ =	sdelay $0x1  }
0xed: {  	v6 =	vpsel !p2, $0x0, v13  }
0xee: {  	[tilespmem:s15+$0x0] =	vst v6  }
0xef: {  	[tilespmem:v8+s29+$0x0] =	vst.idx.msk $0xffff, v6  }
0xf0: {  	v6 =	vld.idx.msk [tilespmem:v9+s29+$0x0], $0xffff  }
0xf1: {  	v7 =	vld.idx.msk [tilespmem:v12+s31+$0x0], $0xffff;
	_ =	sdelay $0x4  }
0xf2: {  	v6 =	vadd.f32 v7, v6;
	_ =	sdelay $0x1  }
0xf3: {  	v7 =	vmul.f32 $2.000000030e-01, v6;
	_ =	sdelay $0x1  }
0xf4: {  	v6 =	vmax.f32 v6, v7  }
0xf5: {  	v6 =	vmul.f32 $1.442695020e+00, v6;
	_ =	sdelay $0x1  }
0xf6: {  	(erf) = vpow2.f32 v6;
	_ =	sdelay $0x7  }
0xf7: {  	s13 =	sadd.s32 s13, s23;
	v5 =	vadd.s32 v5, v10  }
0xf8: {  	p1 =	slt.u32 s13, $0x50910;
	v6 =	vor.u32 $0x3, v11;
	v7 =	vpop (erf)  }
0xf9: {  	s11 =	sadd.s32 $0x10, s11;
	v7 =	vpsel !p1, $0x0, v7  }
0xfa: {  	[tilespmem:s11+$0xFFFFFFA0] =	vst v7  }
0xfb: {  	[tilespmem:v9+s29+$0x0] =	vst.idx.msk $0xffff, v7  }
0xfc: {  	v7 =	vld.idx.msk [tilespmem:v5+s29+$0x0], $0xffff  }
0xfd: {  	v6 =	vld.idx.msk [tilespmem:v6+s31+$0x0], $0xffff;
	_ =	sdelay $0x4  }
0xfe: {  	v6 =	vadd.f32 v6, v7;
	_ =	sdelay $0x1  }
0xff: {  	v7 =	vmul.f32 $2.000000030e-01, v6;
	_ =	sdelay $0x1  }
0x100: {  	v6 =	vmax.f32 v6, v7  }
0x101: {  	v6 =	vmul.f32 $1.442695020e+00, v6;
	_ =	sdelay $0x1  }
0x102: {  	(erf) = vpow2.f32 v6;
	_ =	sdelay $0x8  }
0x103: {  	v6 =	vpop (erf)  }
0x104: {  	v6 =	vpsel !p1, $0x0, v6  }
0x105: {  	[tilespmem:s11+$0x0] =	vst v6  }
0x106: {  	s13 =	simm.s32 $0x0;
	s11 =	simm.s32 $0x0;
	[tilespmem:v5+s29+$0x0] =	vst.idx.msk $0xffff, v6  }
.LBB2_8:
0x107: {  	s14 =	sshll.u32 s13, $0x4  }
0x108: {  	v5 =	vmov s14  }
0x109: {  	v5 =	vmul.u32 $0x90, v5;
	_ =	sdelay $0x1  }
0x10a: {  	v5 =	vadd.s32 v4, v5  }
0x10b: {  	v5 =	vbroadcast v5, $0x0;
	_ =	sdelay $0x1  }
0x10c: {  	v7 =	vadd.s32 v3, v5  }
0x10d: {  	v8 =	vadd.s32 s11, v7;
	_ =	sdelay $0x3  }
0x10e: {  	v6 =	vld [tilespmem:s14+$0x3C0]  }
0x10f: {  	v5 =	vld.idx.msk [tilespmem:v8+s29+$0x0], $0xffff;
	_ =	sdelay $0x2  }
0x110: {  	v9 =	vor.u32 $0x1, v8;
	_ =	sdelay $0x1  }
0x111: {  	v10 =	vmul.f32 v5, v6;
	_ =	sdelay $0x1  }
0x112: {  	v5 =	vld [tilespmem:s14+$0x420];
	[tilespmem:v8+s29+$0x0] =	vst.idx.msk $0xffff, v10  }
0x113: {  	v10 =	vld.idx.msk [tilespmem:v9+s29+$0x0], $0xffff;
	_ =	sdelay $0x2  }
0x114: {  	v11 =	vor.u32 $0x2, v8;
	_ =	sdelay $0x1  }
0x115: {  	v10 =	vmul.f32 v10, v6;
	_ =	sdelay $0x1  }
0x116: {  	[tilespmem:v9+s29+$0x0] =	vst.idx.msk $0xffff, v10  }
0x117: {  	v9 =	vld.idx.msk [tilespmem:v11+s29+$0x0], $0xffff;
	_ =	sdelay $0x2  }
0x118: {  	v10 =	vor.u32 $0x3, v8;
	_ =	sdelay $0x1  }
0x119: {  	v9 =	vmul.f32 v9, v6;
	_ =	sdelay $0x1  }
0x11a: {  	[tilespmem:v11+s29+$0x0] =	vst.idx.msk $0xffff, v9  }
0x11b: {  	v9 =	vld.idx.msk [tilespmem:v10+s29+$0x0], $0xffff;
	_ =	sdelay $0x2  }
0x11c: {  	v11 =	vor.u32 $0x4, v8;
	_ =	sdelay $0x1  }
0x11d: {  	v9 =	vmul.f32 v9, v6;
	_ =	sdelay $0x1  }
0x11e: {  	[tilespmem:v10+s29+$0x0] =	vst.idx.msk $0xffff, v9  }
0x11f: {  	v9 =	vld.idx.msk [tilespmem:v11+s29+$0x0], $0xffff;
	_ =	sdelay $0x2  }
0x120: {  	v10 =	vor.u32 $0x5, v8;
	_ =	sdelay $0x1  }
0x121: {  	v9 =	vmul.f32 v9, v6;
	_ =	sdelay $0x1  }
0x122: {  	[tilespmem:v11+s29+$0x0] =	vst.idx.msk $0xffff, v9  }
0x123: {  	v9 =	vld.idx.msk [tilespmem:v10+s29+$0x0], $0xffff;
	_ =	sdelay $0x2  }
0x124: {  	v11 =	vor.u32 $0x6, v8;
	_ =	sdelay $0x1  }
0x125: {  	v9 =	vmul.f32 v9, v6;
	_ =	sdelay $0x1  }
0x126: {  	[tilespmem:v10+s29+$0x0] =	vst.idx.msk $0xffff, v9  }
0x127: {  	v9 =	vld.idx.msk [tilespmem:v11+s29+$0x0], $0xffff;
	_ =	sdelay $0x2  }
0x128: {  	v10 =	vor.u32 $0x7, v8;
	_ =	sdelay $0x1  }
0x129: {  	v9 =	vmul.f32 v9, v6;
	_ =	sdelay $0x1  }
0x12a: {  	[tilespmem:v11+s29+$0x0] =	vst.idx.msk $0xffff, v9  }
0x12b: {  	v9 =	vld.idx.msk [tilespmem:v10+s29+$0x0], $0xffff;
	_ =	sdelay $0x2  }
0x12c: {  	v11 =	vadd.s32 $0x40, v8;
	_ =	sdelay $0x1  }
0x12d: {  	v9 =	vmul.f32 v9, v6;
	_ =	sdelay $0x1  }
0x12e: {  	[tilespmem:v10+s29+$0x0] =	vst.idx.msk $0xffff, v9  }
0x12f: {  	v9 =	vld.idx.msk [tilespmem:v11+s29+$0x0], $0xffff;
	_ =	sdelay $0x2  }
0x130: {  	v10 =	vadd.s32 $0x41, v8;
	_ =	sdelay $0x1  }
0x131: {  	v9 =	vmul.f32 v9, v5;
	_ =	sdelay $0x1  }
0x132: {  	[tilespmem:v11+s29+$0x0] =	vst.idx.msk $0xffff, v9  }
0x133: {  	v9 =	vld.idx.msk [tilespmem:v10+s29+$0x0], $0xffff;
	_ =	sdelay $0x2  }
0x134: {  	v11 =	vadd.s32 $0x42, v8;
	_ =	sdelay $0x1  }
0x135: {  	v9 =	vmul.f32 v9, v5;
	_ =	sdelay $0x1  }
0x136: {  	[tilespmem:v10+s29+$0x0] =	vst.idx.msk $0xffff, v9  }
0x137: {  	v9 =	vld.idx.msk [tilespmem:v11+s29+$0x0], $0xffff;
	_ =	sdelay $0x2  }
0x138: {  	v10 =	vadd.s32 $0x43, v8;
	_ =	sdelay $0x1  }
0x139: {  	v9 =	vmul.f32 v9, v5;
	_ =	sdelay $0x1  }
0x13a: {  	[tilespmem:v11+s29+$0x0] =	vst.idx.msk $0xffff, v9  }
0x13b: {  	v9 =	vld.idx.msk [tilespmem:v10+s29+$0x0], $0xffff;
	_ =	sdelay $0x2  }
0x13c: {  	v11 =	vadd.s32 $0x44, v8;
	_ =	sdelay $0x1  }
0x13d: {  	v9 =	vmul.f32 v9, v5;
	_ =	sdelay $0x1  }
0x13e: {  	[tilespmem:v10+s29+$0x0] =	vst.idx.msk $0xffff, v9  }
0x13f: {  	v9 =	vld.idx.msk [tilespmem:v11+s29+$0x0], $0xffff;
	_ =	sdelay $0x2  }
0x140: {  	v10 =	vadd.s32 $0x45, v8;
	_ =	sdelay $0x1  }
0x141: {  	v9 =	vmul.f32 v9, v5;
	_ =	sdelay $0x1  }
0x142: {  	[tilespmem:v11+s29+$0x0] =	vst.idx.msk $0xffff, v9  }
0x143: {  	v9 =	vld.idx.msk [tilespmem:v10+s29+$0x0], $0xffff;
	_ =	sdelay $0x2  }
0x144: {  	v11 =	vadd.s32 $0x46, v8;
	_ =	sdelay $0x1  }
0x145: {  	v9 =	vmul.f32 v9, v5;
	_ =	sdelay $0x1  }
0x146: {  	[tilespmem:v10+s29+$0x0] =	vst.idx.msk $0xffff, v9  }
0x147: {  	v10 =	vld.idx.msk [tilespmem:v11+s29+$0x0], $0xffff;
	_ =	sdelay $0x2  }
0x148: {  	v9 =	vadd.s32 $0x47, v8;
	_ =	sdelay $0x1  }
0x149: {  	v8 =	vmul.f32 v10, v5;
	_ =	sdelay $0x1  }
0x14a: {  	[tilespmem:v11+s29+$0x0] =	vst.idx.msk $0xffff, v8  }
0x14b: {  	v10 =	vld.idx.msk [tilespmem:v9+s29+$0x0], $0xffff;
	_ =	sdelay $0x1  }
0x14c: {  	s15 =	simm.s32 $0x8  }
0x14d: {  	v8 =	vadd.s32 s15, v7;
	_ =	sdelay $0x1  }
0x14e: {  	s14 =	simm.s32 $0x10;
	v10 =	vmul.f32 v10, v5  }
.LBB2_9:
0x14f: {  	_ = 	snop  }
0x150: {  	p1 =	sne.s32 s14, $0x38;
	s15 =	smov.u32 s14;
	s14 =	sadd.s32 $0x8, s14;
	[tilespmem:v9+s29+$0x0] =	vst.idx.msk $0xffff, v10  }
0x151: {  	v9 =	vld.idx.msk [tilespmem:v8+s29+$0x0], $0xffff;
	_ =	sdelay $0x3  }
0x152: {  	v10 =	vor.u32 $0x1, v8;
	_ =	sdelay $0x1  }
0x153: {  	v9 =	vmul.f32 v9, v6;
	_ =	sdelay $0x1  }
0x154: {  	[tilespmem:v8+s29+$0x0] =	vst.idx.msk $0xffff, v9  }
0x155: {  	v9 =	vld.idx.msk [tilespmem:v10+s29+$0x0], $0xffff;
	_ =	sdelay $0x3  }
0x156: {  	v11 =	vor.u32 $0x2, v8;
	_ =	sdelay $0x1  }
0x157: {  	v9 =	vmul.f32 v9, v6;
	_ =	sdelay $0x1  }
0x158: {  	[tilespmem:v10+s29+$0x0] =	vst.idx.msk $0xffff, v9  }
0x159: {  	v9 =	vld.idx.msk [tilespmem:v11+s29+$0x0], $0xffff;
	_ =	sdelay $0x3  }
0x15a: {  	v10 =	vor.u32 $0x3, v8;
	_ =	sdelay $0x1  }
0x15b: {  	v9 =	vmul.f32 v9, v6;
	_ =	sdelay $0x1  }
0x15c: {  	[tilespmem:v11+s29+$0x0] =	vst.idx.msk $0xffff, v9  }
0x15d: {  	v9 =	vld.idx.msk [tilespmem:v10+s29+$0x0], $0xffff;
	_ =	sdelay $0x3  }
0x15e: {  	v11 =	vor.u32 $0x4, v8;
	_ =	sdelay $0x1  }
0x15f: {  	v9 =	vmul.f32 v9, v6;
	_ =	sdelay $0x1  }
0x160: {  	[tilespmem:v10+s29+$0x0] =	vst.idx.msk $0xffff, v9  }
0x161: {  	v9 =	vld.idx.msk [tilespmem:v11+s29+$0x0], $0xffff;
	_ =	sdelay $0x3  }
0x162: {  	v10 =	vor.u32 $0x5, v8;
	_ =	sdelay $0x1  }
0x163: {  	v9 =	vmul.f32 v9, v6;
	_ =	sdelay $0x1  }
0x164: {  	[tilespmem:v11+s29+$0x0] =	vst.idx.msk $0xffff, v9  }
0x165: {  	v9 =	vld.idx.msk [tilespmem:v10+s29+$0x0], $0xffff;
	_ =	sdelay $0x3  }
0x166: {  	v11 =	vor.u32 $0x6, v8;
	_ =	sdelay $0x1  }
0x167: {  	v9 =	vmul.f32 v9, v6;
	_ =	sdelay $0x1  }
0x168: {  	[tilespmem:v10+s29+$0x0] =	vst.idx.msk $0xffff, v9  }
0x169: {  	v9 =	vld.idx.msk [tilespmem:v11+s29+$0x0], $0xffff;
	_ =	sdelay $0x3  }
0x16a: {  	v10 =	vor.u32 $0x7, v8;
	_ =	sdelay $0x1  }
0x16b: {  	v9 =	vmul.f32 v9, v6;
	_ =	sdelay $0x1  }
0x16c: {  	[tilespmem:v11+s29+$0x0] =	vst.idx.msk $0xffff, v9  }
0x16d: {  	v9 =	vld.idx.msk [tilespmem:v10+s29+$0x0], $0xffff;
	_ =	sdelay $0x3  }
0x16e: {  	v11 =	vadd.s32 $0x40, v8;
	_ =	sdelay $0x1  }
0x16f: {  	v9 =	vmul.f32 v9, v6;
	_ =	sdelay $0x1  }
0x170: {  	[tilespmem:v10+s29+$0x0] =	vst.idx.msk $0xffff, v9  }
0x171: {  	v9 =	vld.idx.msk [tilespmem:v11+s29+$0x0], $0xffff;
	_ =	sdelay $0x3  }
0x172: {  	v10 =	vadd.s32 $0x41, v8;
	_ =	sdelay $0x1  }
0x173: {  	v9 =	vmul.f32 v9, v5;
	_ =	sdelay $0x1  }
0x174: {  	[tilespmem:v11+s29+$0x0] =	vst.idx.msk $0xffff, v9  }
0x175: {  	v9 =	vld.idx.msk [tilespmem:v10+s29+$0x0], $0xffff;
	_ =	sdelay $0x3  }
0x176: {  	v11 =	vadd.s32 $0x42, v8;
	_ =	sdelay $0x1  }
0x177: {  	v9 =	vmul.f32 v9, v5;
	_ =	sdelay $0x1  }
0x178: {  	[tilespmem:v10+s29+$0x0] =	vst.idx.msk $0xffff, v9  }
0x179: {  	v9 =	vld.idx.msk [tilespmem:v11+s29+$0x0], $0xffff;
	_ =	sdelay $0x3  }
0x17a: {  	v10 =	vadd.s32 $0x43, v8;
	_ =	sdelay $0x1  }
0x17b: {  	v9 =	vmul.f32 v9, v5;
	_ =	sdelay $0x1  }
0x17c: {  	[tilespmem:v11+s29+$0x0] =	vst.idx.msk $0xffff, v9  }
0x17d: {  	v9 =	vld.idx.msk [tilespmem:v10+s29+$0x0], $0xffff;
	_ =	sdelay $0x3  }
0x17e: {  	v11 =	vadd.s32 $0x44, v8;
	_ =	sdelay $0x1  }
0x17f: {  	v9 =	vmul.f32 v9, v5;
	_ =	sdelay $0x1  }
0x180: {  	[tilespmem:v10+s29+$0x0] =	vst.idx.msk $0xffff, v9  }
0x181: {  	v9 =	vld.idx.msk [tilespmem:v11+s29+$0x0], $0xffff;
	_ =	sdelay $0x3  }
0x182: {  	v10 =	vadd.s32 $0x45, v8;
	_ =	sdelay $0x1  }
0x183: {  	v9 =	vmul.f32 v9, v5;
	_ =	sdelay $0x1  }
0x184: {  	[tilespmem:v11+s29+$0x0] =	vst.idx.msk $0xffff, v9  }
0x185: {  	v9 =	vld.idx.msk [tilespmem:v10+s29+$0x0], $0xffff;
	_ =	sdelay $0x3  }
0x186: {  	v11 =	vadd.s32 $0x46, v8;
	_ =	sdelay $0x1  }
0x187: {  	v9 =	vmul.f32 v9, v5;
	_ =	sdelay $0x1  }
0x188: {  	[tilespmem:v10+s29+$0x0] =	vst.idx.msk $0xffff, v9  }
0x189: {  	v10 =	vld.idx.msk [tilespmem:v11+s29+$0x0], $0xffff;
	_ =	sdelay $0x3  }
0x18a: {  	v9 =	vadd.s32 $0x47, v8;
	_ =	sdelay $0x1  }
0x18b: {  	v8 =	vmul.f32 v10, v5;
	_ =	sdelay $0x1  }
0x18c: {  	[tilespmem:v11+s29+$0x0] =	vst.idx.msk $0xffff, v8  }
0x18d: {  	v10 =	vld.idx.msk [tilespmem:v9+s29+$0x0], $0xffff;
	_ =	sdelay $0x1  }
.Ltmp7:
0x18e: {  	(pc) =	sbr.rel @p1 .LBB2_9-.Ltmp7, $3  }
0x18f: {  	_ = 	snop  }
0x190: {  	v8 =	vadd.s32 s15, v7;
	_ =	sdelay $0x1  }
0x191: {  	v10 =	vmul.f32 v10, v5  }
0x192: {  	_ =	sdelay $0x3  }
0x193: {  	[tilespmem:v9+s29+$0x0] =	vst.idx.msk $0xffff, v10  }
0x194: {  	v7 =	vld.idx.msk [tilespmem:v8+s29+$0x0], $0xffff;
	_ =	sdelay $0x2  }
0x195: {  	v53 =	vor.u32 $0x1, v8;
	_ =	sdelay $0x1  }
0x196: {  	v7 =	vmul.f32 v7, v6;
	_ =	sdelay $0x1  }
0x197: {  	[tilespmem:v8+s29+$0x0] =	vst.idx.msk $0xffff, v7  }
0x198: {  	v7 =	vld.idx.msk [tilespmem:v53+s29+$0x0], $0xffff;
	_ =	sdelay $0x2  }
0x199: {  	v54 =	vor.u32 $0x2, v8;
	_ =	sdelay $0x1  }
0x19a: {  	v7 =	vmul.f32 v7, v6;
	_ =	sdelay $0x1  }
0x19b: {  	[tilespmem:v53+s29+$0x0] =	vst.idx.msk $0xffff, v7  }
0x19c: {  	v7 =	vld.idx.msk [tilespmem:v54+s29+$0x0], $0xffff;
	_ =	sdelay $0x2  }
0x19d: {  	v55 =	vor.u32 $0x3, v8;
	_ =	sdelay $0x1  }
0x19e: {  	v7 =	vmul.f32 v7, v6;
	_ =	sdelay $0x1  }
0x19f: {  	[tilespmem:v54+s29+$0x0] =	vst.idx.msk $0xffff, v7  }
0x1a0: {  	v7 =	vld.idx.msk [tilespmem:v55+s29+$0x0], $0xffff;
	_ =	sdelay $0x2  }
0x1a1: {  	v56 =	vor.u32 $0x4, v8;
	_ =	sdelay $0x1  }
0x1a2: {  	v7 =	vmul.f32 v7, v6;
	_ =	sdelay $0x1  }
0x1a3: {  	[tilespmem:v55+s29+$0x0] =	vst.idx.msk $0xffff, v7  }
0x1a4: {  	v7 =	vld.idx.msk [tilespmem:v56+s29+$0x0], $0xffff;
	_ =	sdelay $0x2  }
0x1a5: {  	v57 =	vor.u32 $0x5, v8;
	_ =	sdelay $0x1  }
0x1a6: {  	v7 =	vmul.f32 v7, v6;
	_ =	sdelay $0x1  }
0x1a7: {  	[tilespmem:v56+s29+$0x0] =	vst.idx.msk $0xffff, v7  }
0x1a8: {  	v7 =	vld.idx.msk [tilespmem:v57+s29+$0x0], $0xffff;
	_ =	sdelay $0x2  }
0x1a9: {  	v58 =	vor.u32 $0x6, v8;
	_ =	sdelay $0x1  }
0x1aa: {  	v7 =	vmul.f32 v7, v6;
	_ =	sdelay $0x1  }
0x1ab: {  	[tilespmem:v57+s29+$0x0] =	vst.idx.msk $0xffff, v7  }
0x1ac: {  	v7 =	vld.idx.msk [tilespmem:v58+s29+$0x0], $0xffff;
	_ =	sdelay $0x2  }
0x1ad: {  	v59 =	vor.u32 $0x7, v8;
	_ =	sdelay $0x1  }
0x1ae: {  	v7 =	vmul.f32 v7, v6;
	_ =	sdelay $0x1  }
0x1af: {  	[tilespmem:v58+s29+$0x0] =	vst.idx.msk $0xffff, v7  }
0x1b0: {  	v7 =	vld.idx.msk [tilespmem:v59+s29+$0x0], $0xffff;
	_ =	sdelay $0x2  }
0x1b1: {  	v60 =	vadd.s32 $0x40, v8;
	_ =	sdelay $0x1  }
0x1b2: {  	v6 =	vmul.f32 v7, v6;
	_ =	sdelay $0x1  }
0x1b3: {  	[tilespmem:v59+s29+$0x0] =	vst.idx.msk $0xffff, v6  }
0x1b4: {  	v6 =	vld.idx.msk [tilespmem:v60+s29+$0x0], $0xffff;
	_ =	sdelay $0x2  }
0x1b5: {  	v7 =	vadd.s32 $0x41, v8;
	_ =	sdelay $0x1  }
0x1b6: {  	v6 =	vmul.f32 v6, v5;
	_ =	sdelay $0x1  }
0x1b7: {  	[tilespmem:v60+s29+$0x0] =	vst.idx.msk $0xffff, v6  }
0x1b8: {  	v6 =	vld.idx.msk [tilespmem:v7+s29+$0x0], $0xffff;
	_ =	sdelay $0x2  }
0x1b9: {  	v61 =	vadd.s32 $0x42, v8;
	_ =	sdelay $0x1  }
0x1ba: {  	v6 =	vmul.f32 v6, v5;
	_ =	sdelay $0x1  }
0x1bb: {  	[tilespmem:v7+s29+$0x0] =	vst.idx.msk $0xffff, v6  }
0x1bc: {  	v6 =	vld.idx.msk [tilespmem:v61+s29+$0x0], $0xffff;
	_ =	sdelay $0x2  }
0x1bd: {  	v7 =	vadd.s32 $0x43, v8;
	_ =	sdelay $0x1  }
0x1be: {  	v6 =	vmul.f32 v6, v5;
	_ =	sdelay $0x1  }
0x1bf: {  	[tilespmem:v61+s29+$0x0] =	vst.idx.msk $0xffff, v6  }
0x1c0: {  	v6 =	vld.idx.msk [tilespmem:v7+s29+$0x0], $0xffff;
	_ =	sdelay $0x2  }
0x1c1: {  	v62 =	vadd.s32 $0x44, v8;
	_ =	sdelay $0x1  }
0x1c2: {  	v6 =	vmul.f32 v6, v5;
	_ =	sdelay $0x1  }
0x1c3: {  	[tilespmem:v7+s29+$0x0] =	vst.idx.msk $0xffff, v6  }
0x1c4: {  	v6 =	vld.idx.msk [tilespmem:v62+s29+$0x0], $0xffff;
	_ =	sdelay $0x2  }
0x1c5: {  	v7 =	vadd.s32 $0x45, v8;
	_ =	sdelay $0x1  }
0x1c6: {  	v6 =	vmul.f32 v6, v5;
	_ =	sdelay $0x1  }
0x1c7: {  	[tilespmem:v62+s29+$0x0] =	vst.idx.msk $0xffff, v6  }
0x1c8: {  	v6 =	vld.idx.msk [tilespmem:v7+s29+$0x0], $0xffff;
	_ =	sdelay $0x2  }
0x1c9: {  	v63 =	vadd.s32 $0x46, v8;
	_ =	sdelay $0x1  }
0x1ca: {  	v6 =	vmul.f32 v6, v5;
	_ =	sdelay $0x1  }
0x1cb: {  	[tilespmem:v7+s29+$0x0] =	vst.idx.msk $0xffff, v6  }
0x1cc: {  	v6 =	vld.idx.msk [tilespmem:v63+s29+$0x0], $0xffff;
	_ =	sdelay $0x2  }
0x1cd: {  	v7 =	vadd.s32 $0x47, v8;
	_ =	sdelay $0x1  }
0x1ce: {  	v6 =	vmul.f32 v6, v5;
	_ =	sdelay $0x1  }
0x1cf: {  	[tilespmem:v63+s29+$0x0] =	vst.idx.msk $0xffff, v6  }
0x1d0: {  	v6 =	vld.idx.msk [tilespmem:v7+s29+$0x0], $0xffff  }
0x1d1: {  	s13 =	sadd.s32 $0x1, s13  }
0x1d2: {  	p1 =	sne.s32 s13, $0x6  }
.Ltmp8:
0x1d3: {  	_ = 	snop;
	(pc) =	sbr.rel @p1 .LBB2_8-.Ltmp8, $3  }
0x1d4: {  	_ = 	snop  }
0x1d5: {  	v5 =	vmul.f32 v6, v5;
	_ =	sdelay $0x1  }
0x1d6: {  	[tilespmem:v7+s29+$0x0] =	vst.idx.msk $0xffff, v5  }
0x1d7: {  	s11 =	smul.u32 $0xD800, s10  }
0x1d8: {  	s17 =	smul.u32 $0x180, s10;
	_ =	sdelay $0x1  }
0x1d9: {  	s11 =	sshrl.u32 s11, $0x2;
	s10 =	sshrl.u32 s17, $0x2  }
.Ltmp9:
0x1da: {  	s11 =	sadd.s32 $0x480, s11;
	s10 =	sor.u32 $0x300, s10;
	(pc) =	sbr.rel .LBB2_12-.Ltmp9, $4  }
0x1db: {  	[spmem:s2] =	stream.indirect.scatter.add.f32 [tilespmem:s11], [sflag:$0x7], $0x90, s10, s0, $0xb8;
	[tilespmem:$0x1DC10] =	vst v63  }
0x1dc: {  	_ =	swait.ge [sflag:s30], $0x3600  }
0x1dd: {  	[sflag:s30] =	ssyncset.done $0x0  }
0x1de: {  	[sflag:s30] =	ssyncadd.s32 $0xFFFFCA00  }
.LBB2_14:
0x1df: {  	_ =	sfence.sel $0x180000  }
0x1e0: {  	[bflag:$0x0] =	sbarrier.arrive $0xFFFF  }
0x1e1: {  	_ =	strace $0x90000047  }
0x1e2: {  	s0 =	stileid.u32;
	[bflag:$0x2] =	sbarrier.arrive $0xFFFF  }
0x1e3: {  	p0 =	sne.s32 s0, $0x0;
	s0 =	rddreg [dreg:$0x3]  }
0x1e4: {  	s0 =	sadd.s32 @!p0 $0x100000, s0  }
0x1e5: {  	[sflag:s0] =	ssyncadd.tile.s32 @!p0 $0x1;
	_ =	shalt  }
.Lfunc_end2:
_tile_overlayer_lowered:
.L_overlay_start_2:
0x1e6: {  	(tag) =	ssettag $0x2  }
0x1e7: {  	s0 =	rddreg [dreg:$0x0];
	s2 =	stileid.u32  }
0x1e8: {  	s1 =	rddreg [dreg:$0x1];
	p0 =	sne.s32 s2, $0x0  }
0x1e9: {  	s3 =	rddreg [dreg:$0x2];
	[bflag:$0x3] =	sbarrier.arrive $0xFFFF;
	s2 =	simm.s32 @!p0 $0x1C07  }
0x1ea: {  	[timem:s3], [sflag:s2] =	dma.local @!p0 [hbm:s0], s1  }
0x1eb: {  	s0 =	simm.s32 @!p0 $0x7  }
0x1ec: {  	_ =	swait.ge @!p0 [sflag:s0], s1  }
0x1ed: {  	s1 =	ssub.s32 @!p0 $0x0, s1;
	[sflag:s0] =	ssyncset.done @!p0 $0x0  }
0x1ee: {  	[sflag:s0] =	ssyncadd.s32 @!p0 s1  }
0x1ef: {  	[bflag:$0x3] =	sbarrier.arrive $0xFFFF  }
0x1f0: {  	_ =	shalt  }

</sc_bundles>
